<compile_context>
chip_gen: v7x
topology: tpu7x:2x2x1
jax: 0.10.2.dev20260603
libtpu: 0.0.44.dev20260713+nightly
codegen_flags: <defaults>
</compile_context>

<pallas_src>
import functools

import jax
import jax.numpy as jnp
from jax import lax
from jax.experimental import pallas as pl
from jax.experimental.pallas import tpu as pltpu
from jax.experimental.pallas import tpu_sc as plsc

_NC = 2
_NS = 16
_NW = _NC * _NS
_C = 125
_ZR = 128


def _mesh():
    return plsc.VectorSubcoreMesh(core_axis_name="c", subcore_axis_name="s")


_SC_PARAMS = pltpu.CompilerParams(use_tc_tiling_on_sc=False)


@functools.lru_cache(None)
def _sc_degree(n_pad, e):
    epw = e // _NW
    nchunk = epw // _C
    rpt = n_pad // _NS

    @functools.partial(
        pl.kernel,
        mesh=_mesh(),
        out_type=jax.ShapeDtypeStruct((_NC, n_pad), jnp.float32),
        scratch_types=[
            pltpu.VMEM((nchunk, _C), jnp.int32),
            pltpu.VMEM((128,), jnp.float32),
            pltpu.VMEM((n_pad // _NS,), jnp.float32),
            pltpu.VMEM_SHARED((n_pad,), jnp.float32),
            pltpu.SemaphoreType.DMA,
            pltpu.SemaphoreType.DMA,
        ],
        compiler_params=_SC_PARAMS,
    )
    def deg_kernel(ei_hbm, out_hbm, dst_v, ones_v, zbuf, acc, isem, ssem):
        cid = lax.axis_index("c")
        sid = lax.axis_index("s")
        wid = sid * _NC + cid
        zv = jnp.zeros((16,), jnp.float32)
        ov = jnp.ones((16,), jnp.float32)

        idx_src = ei_hbm.at[1, pl.ds(wid * nchunk, nchunk)]
        pltpu.async_copy(idx_src, dst_v, isem)

        def fill_z(i, _):
            zbuf[pl.ds(i * 16, 16)] = zv
            return 0

        lax.fori_loop(0, rpt // 16, fill_z, 0)

        def fill_o(i, _):
            ones_v[pl.ds(i * 16, 16)] = ov
            return 0

        lax.fori_loop(0, 8, fill_o, 0)

        base_r = sid * rpt
        pltpu.sync_copy(zbuf, acc.at[pl.ds(base_r, rpt)])
        pltpu.make_async_copy(idx_src, dst_v, isem).wait()
        plsc.subcore_barrier()

        def body(i, _):
            pltpu.async_copy(ones_v.at[pl.ds(0, _C)], acc.at[dst_v.at[i]],
                             ssem, add=True)
            return 0

        lax.fori_loop(0, nchunk, body, 0)

        def drain(i, _):
            pltpu.make_async_copy(ones_v.at[pl.ds(0, _C)],
                                  acc.at[dst_v.at[i]], ssem).wait()
            return 0

        lax.fori_loop(0, nchunk, drain, 0)
        plsc.subcore_barrier()
        pltpu.sync_copy(acc.at[pl.ds(base_r, rpt)],
                        out_hbm.at[cid, pl.ds(base_r, rpt)])

    return deg_kernel


@functools.lru_cache(None)
def _sc_edge_pass(n_pad, e, f):
    epw = e // _NW
    nchunk = epw // _C
    rpt = n_pad // _NS
    nb = 2 if f >= 128 else 5
    dst_bulk = f < 128
    nfull = nchunk // nb
    ntail = nchunk - nfull * nb

    @functools.partial(
        pl.kernel,
        mesh=_mesh(),
        out_type=jax.ShapeDtypeStruct((_NC, n_pad, f), jnp.float32),
        scratch_types=[
            pltpu.VMEM((nchunk, _C), jnp.int32),
            pltpu.VMEM((nchunk if dst_bulk else nb, _C), jnp.int32),
            pltpu.VMEM((nb * _C, f), jnp.float32),
            pltpu.VMEM_SHARED((n_pad, f), jnp.float32),
            pltpu.SemaphoreType.DMA,
            pltpu.SemaphoreType.DMA,
        ] + [pltpu.SemaphoreType.DMA] * (2 * nb),
        compiler_params=_SC_PARAMS,
    )
    def edge_kernel(h_hbm, ei_hbm, out_hbm,
                    src_v, dst_v, rows_v, acc, isem0, isem1, *sems):
        gsems = sems[:nb]
        dsems = sems[nb:2 * nb]
        cid = lax.axis_index("c")
        sid = lax.axis_index("s")
        wid = sid * _NC + cid
        zv = jnp.zeros((16,), jnp.float32)
        row0 = wid * nchunk

        src_rows = ei_hbm.at[0, pl.ds(row0, nchunk)]
        pltpu.async_copy(src_rows, src_v, isem0)
        if dst_bulk:
            dst_rows = ei_hbm.at[1, pl.ds(row0, nchunk)]
            pltpu.async_copy(dst_rows, dst_v, isem1)

        def fill_z(i, _):
            for j in range(f // 16):
                rows_v[i, pl.ds(j * 16, 16)] = zv
            return 0

        lax.fori_loop(0, _ZR, fill_z, 0)
        base_r = sid * rpt
        zval = rows_v.at[pl.ds(0, _ZR)]
        for k in range(rpt // _ZR):
            pltpu.sync_copy(zval, acc.at[pl.ds(base_r + k * _ZR, _ZR)])
        pltpu.make_async_copy(src_rows, src_v, isem0).wait()
        if dst_bulk:
            pltpu.make_async_copy(dst_rows, dst_v, isem1).wait()
        plsc.subcore_barrier()

        def gather_start(i, b):
            pltpu.async_copy(h_hbm.at[src_v.at[i]],
                             rows_v.at[pl.ds(b * _C, _C)], gsems[b])

        def gather_wait(i, b):
            pltpu.make_async_copy(h_hbm.at[src_v.at[i]],
                                  rows_v.at[pl.ds(b * _C, _C)],
                                  gsems[b]).wait()

        def didx_start(i, b):
            if not dst_bulk:
                pltpu.async_copy(ei_hbm.at[1, pl.ds(row0 + i, 1)],
                                 dst_v.at[pl.ds(b, 1)], dsems[b])

        def didx_wait(i, b):
            if not dst_bulk:
                pltpu.make_async_copy(ei_hbm.at[1, pl.ds(row0 + i, 1)],
                                      dst_v.at[pl.ds(b, 1)], dsems[b]).wait()

        def scatter(i, b):
            idx = dst_v.at[i] if dst_bulk else dst_v.at[b]
            pltpu.sync_copy(rows_v.at[pl.ds(b * _C, _C)],
                            acc.at[idx], add=True)

        for b in range(nb):
            didx_start(b, b)
            gather_start(b, b)

        def group(g, _):
            for b in range(nb):
                i = g * nb + b
                gather_wait(i, b)
                didx_wait(i, b)
                scatter(i, b)

                @pl.when(i + nb < nchunk)
                def _refill():
                    didx_start(i + nb, b)
                    gather_start(i + nb, b)

            return 0

        lax.fori_loop(0, nfull, group, 0)
        for b in range(ntail):
            i = nfull * nb + b
            gather_wait(i, b)
            didx_wait(i, b)
            scatter(i, b)

        plsc.subcore_barrier()
        pltpu.sync_copy(acc.at[pl.ds(base_r, rpt)],
                        out_hbm.at[cid, pl.ds(base_r, rpt)])

    return edge_kernel


def _tc_pre(x, w, degp):
    n, _ = x.shape
    n_pad = degp.shape[1]
    f = w.shape[1]

    def body(x_ref, w_ref, degp_ref, h_ref, dinv_ref):
        deg = degp_ref[0:1, :] + degp_ref[1:2, :] + 1.0
        dinv_row = 1.0 / jnp.sqrt(deg)
        dinv_ref[...] = dinv_row
        dinv = jnp.transpose(dinv_row, (1, 0))[:n]
        h_ref[...] = jnp.dot(x_ref[...], w_ref[...],
                             preferred_element_type=jnp.float32) * dinv

    return pl.pallas_call(
        body,
        out_shape=(jax.ShapeDtypeStruct((n, f), jnp.float32),
                   jax.ShapeDtypeStruct((1, n_pad), jnp.float32)),
    )(x, w, degp)


def _tc_mid(sp, hp, dinv, b, w):
    n, f = hp.shape
    f_next = w.shape[1]

    def body(sp_ref, h_ref, dinv_ref, b_ref, w_ref, out_ref):
        s = sp_ref[0, :n, :] + sp_ref[1, :n, :]
        di = jnp.transpose(dinv_ref[...], (1, 0))[:n]
        t = (s + h_ref[...]) * di + b_ref[...]
        x2 = jnp.maximum(t, 0.0)
        out_ref[...] = jnp.dot(x2, w_ref[...],
                               preferred_element_type=jnp.float32) * di

    return pl.pallas_call(
        body,
        out_shape=jax.ShapeDtypeStruct((n, f_next), jnp.float32),
    )(sp, hp, dinv, b, w)


def _tc_final(sp, hp, dinv, b, watt, fcw, fcb, sw, sb):
    n, f = hp.shape

    def body(sp_ref, h_ref, dinv_ref, b_ref, watt_ref, fcw_ref, fcb_ref,
             sw_ref, sb_ref, out_ref):
        s = sp_ref[0, :n, :] + sp_ref[1, :n, :]
        di = jnp.transpose(dinv_ref[...], (1, 0))[:n]
        h = (s + h_ref[...]) * di + b_ref[...]
        hw = jnp.dot(h, watt_ref[...], preferred_element_type=jnp.float32)
        gc = jnp.sum(hw, axis=0, keepdims=True) * (1.0 / n)
        tg = jnp.tanh(gc)
        scores = jax.nn.sigmoid(jnp.sum(h * tg, axis=1, keepdims=True))
        rep = jnp.sum(h * scores, axis=0, keepdims=True)
        t1 = jnp.dot(rep, fcw_ref[...], preferred_element_type=jnp.float32)
        t1 = jnp.maximum(t1 + fcb_ref[...], 0.0)
        t2 = jnp.dot(t1, sw_ref[...], preferred_element_type=jnp.float32)
        out_ref[...] = jax.nn.sigmoid(t2 + sb_ref[...])

    return pl.pallas_call(
        body,
        out_shape=jax.ShapeDtypeStruct((1, 1), jnp.float32),
    )(sp, hp, dinv, b, watt, fcw, fcb, sw, sb)


def kernel(features_1, edge_index_1, W1, b1, W2, b2, W3, b3, Watt, fcW, fcb,
           sW, sb):
    n, _ = features_1.shape
    e = edge_index_1.shape[1]
    assert e % (_NW * _C) == 0, "edge count must tile over 32 subcores x 80"
    quantum = _NS * _ZR
    n_pad = ((n + quantum - 1) // quantum) * quantum

    ei3 = edge_index_1.astype(jnp.int32).reshape(2, e // _C, _C)

    degp = _sc_degree(n_pad, e)(ei3)
    h1p, dinv = _tc_pre(features_1, W1, degp)
    s1 = _sc_edge_pass(n_pad, e, W1.shape[1])(h1p, ei3)
    h2p = _tc_mid(s1, h1p, dinv, b1.reshape(1, -1), W2)
    s2 = _sc_edge_pass(n_pad, e, W2.shape[1])(h2p, ei3)
    h3p = _tc_mid(s2, h2p, dinv, b2.reshape(1, -1), W3)
    s3 = _sc_edge_pass(n_pad, e, W3.shape[1])(h3p, ei3)
    return _tc_final(s3, h3p, dinv, b3.reshape(1, -1), Watt, fcW,
                     fcb.reshape(1, -1), sW, sb.reshape(1, -1))

# --- scband reference (transcript-rebuilt; emitter-appended) ---
"""Pipeline reference for scband-hyb-gnn-8546984919551 (READ-ONLY COPY).

The authoritative reference and input builder live on the scoring server;
editing this copy changes nothing except your own understanding.
"""

import jax, jax.numpy as jnp
import numpy as np

N = 10000
E = 320000
D_IN = 128
F1, F2, F3 = 128, 64, 32
BNN = 16


def setup_inputs(seed: int = 0) -> dict:
    key = jax.random.key(seed)
    ks = jax.random.split(key, 14)
    s = 0.05
    return {
        "features_1": jax.random.normal(ks[0], (N, D_IN), dtype=jnp.float32),
        "edge_index_1": jax.random.randint(ks[1], (2, E), 0, N),
        "W1": jax.random.normal(ks[2], (D_IN, F1), dtype=jnp.float32) * s,
        "b1": jnp.zeros((F1,), dtype=jnp.float32),
        "W2": jax.random.normal(ks[3], (F1, F2), dtype=jnp.float32) * s,
        "b2": jnp.zeros((F2,), dtype=jnp.float32),
        "W3": jax.random.normal(ks[4], (F2, F3), dtype=jnp.float32) * s,
        "b3": jnp.zeros((F3,), dtype=jnp.float32),
        "Watt": jax.random.normal(ks[5], (F3, F3), dtype=jnp.float32) * s,
        "fcW": jax.random.normal(ks[6], (F3, BNN), dtype=jnp.float32) * s,
        "fcb": jnp.zeros((BNN,), dtype=jnp.float32),
        "sW": jax.random.normal(ks[7], (BNN, 1), dtype=jnp.float32) * s,
        "sb": jnp.zeros((1,), dtype=jnp.float32),
    }


def _gcn_layer(x, edge_index, W, b):
    n = x.shape[0]
    src = edge_index[0]
    dst = edge_index[1]
    sl = jnp.arange(n, dtype=src.dtype)
    src = jnp.concatenate([src, sl])
    dst = jnp.concatenate([dst, sl])
    deg = jax.ops.segment_sum(jnp.ones(src.shape[0], dtype=jnp.float32), dst, num_segments=n)
    dinv = jnp.where(deg > 0, deg ** -0.5, 0.0)
    norm = dinv[src] * dinv[dst]
    h = x @ W
    msg = jnp.take(h, src, axis=0) * norm[:, None]
    out = jax.ops.segment_sum(msg, dst, num_segments=n)
    return out + b


def _attention(x, Watt):
    # SimGNN AttentionModule: global context -> sigmoid scores -> weighted sum
    global_context = jnp.mean(x @ Watt, axis=0)
    tg = jnp.tanh(global_context)
    sigmoid_scores = jax.nn.sigmoid(x @ tg[:, None])  # [N, 1]
    representation = x.T @ sigmoid_scores  # [F3, 1]
    return representation


def reference(features_1, edge_index_1, W1, b1, W2, b2, W3, b3, Watt, fcW, fcb, sW, sb):
    # convolutional_pass (eval mode: dropout is identity)
    h = jax.nn.relu(_gcn_layer(features_1, edge_index_1, W1, b1))
    h = jax.nn.relu(_gcn_layer(h, edge_index_1, W2, b2))
    h = _gcn_layer(h, edge_index_1, W3, b3)
    # histogram == False branch
    pooled = _attention(h, Watt)  # [F3, 1]
    scores = pooled.T  # [1, F3]
    scores = jax.nn.relu(scores @ fcW + fcb)
    score = jax.nn.sigmoid(scores @ sW + sb)
    return score

if __name__ == "__main__":
    import jax
    _d = setup_inputs()
    print(jax.jit(kernel)(*tuple(_d.values())))

</pallas_src>

<mosaic_0001>
#map = affine_map<(d0, d1) -> (0, 0)>
#map1 = affine_map<(d0, d1) -> (0, 0, 0)>
module attributes {stable_mosaic.version = 14 : i64} {
  func.func @edge_kernel(%arg0: i32, %arg1: i32, %arg2: memref<10000x128xf32, #tpu.memory_space<hbm>>, %arg3: memref<2x2560x125xi32, #tpu.memory_space<hbm>>, %arg4: memref<2x10240x128xf32, #tpu.memory_space<hbm>>, %arg5: memref<80x125xi32, #tpu.memory_space<vmem>>, %arg6: memref<2x125xi32, #tpu.memory_space<vmem>>, %arg7: memref<250x128xf32, #tpu.memory_space<vmem>>, %arg8: memref<10240x128xf32, #tpu.memory_space<vmem_shared>>, %arg9: memref<!tpu.dma_semaphore, #tpu.memory_space<semaphore_mem>>, %arg10: memref<!tpu.dma_semaphore, #tpu.memory_space<semaphore_mem>>, %arg11: memref<!tpu.dma_semaphore, #tpu.memory_space<semaphore_mem>>, %arg12: memref<!tpu.dma_semaphore, #tpu.memory_space<semaphore_mem>>, %arg13: memref<!tpu.dma_semaphore, #tpu.memory_space<semaphore_mem>>, %arg14: memref<!tpu.dma_semaphore, #tpu.memory_space<semaphore_mem>>) attributes {dimension_semantics = [#tpu.dimension_semantics<core_parallel>, #tpu.dimension_semantics<subcore_parallel>], iteration_bounds = array<i64: 2, 16>, scalar_prefetch = 0 : i64, scratch_operands = 10 : i64, tpu.core_type = #tpu.core_type<sc_vector_subcore>, window_params = [{transform_indices = #map}, {transform_indices = #map1}, {transform_indices = #map1}]} {
    %mul3A = arith.constant 2 : i32
    %mul3A_0 = arith.muli %arg1, %mul3A : i32
    %add3A = arith.addi %mul3A_0, %arg0 : i32
    %broadcast_in_dim3A = arith.constant 0.000000e+00 : f32
    %broadcast_in_dim3A_1 = vector.broadcast %broadcast_in_dim3A : f32 to vector<16xf32>
    %mul3A_2 = arith.constant 80 : i32
    %mul3A_3 = arith.muli %add3A, %mul3A_2 : i32
    %dma_start3A = arith.constant 0 : i32
    %dma_start3A_4 = arith.constant 0 : i32
    %dma_start3A_5 = tpu.memref_slice %arg3[%dma_start3A, %mul3A_3, %dma_start3A_4] : memref<2x2560x125xi32, #tpu.memory_space<hbm>> -> memref<1x80x125xi32, #tpu.memory_space<hbm>>
    %dma_start3A_6 = tpu.memref_squeeze %dma_start3A_5 : memref<1x80x125xi32, #tpu.memory_space<hbm>> -> memref<80x125xi32, #tpu.memory_space<hbm>>
    %dma_start3A_7 = arith.constant 0 : i32
    %dma_start3A_8 = tpu.memref_slice %arg3[%dma_start3A, %mul3A_3, %dma_start3A_7] : memref<2x2560x125xi32, #tpu.memory_space<hbm>> -> memref<1x80x125xi32, #tpu.memory_space<hbm>>
    %dma_start3A_9 = tpu.memref_squeeze %dma_start3A_8 : memref<1x80x125xi32, #tpu.memory_space<hbm>> -> memref<80x125xi32, #tpu.memory_space<hbm>>
    tpu.enqueue_dma source(%dma_start3A_9 : memref<80x125xi32, #tpu.memory_space<hbm>>) target(%arg5 : memref<80x125xi32, #tpu.memory_space<vmem>>) target_semaphore(%arg9 : memref<!tpu.dma_semaphore, #tpu.memory_space<semaphore_mem>>)
    %scan3A = arith.constant 0 : i32
    %scan3A_10 = arith.constant 0 : i32
    %scan3A_11 = arith.constant 128 : i32
    %scan3A_12 = arith.addi %scan3A_10, %scan3A_11 : i32
    %scan3A_13 = arith.constant 1 : i32
    %scan3A_14 = scf.for %scan3A_92 = %scan3A_10 to %scan3A_12 step %scan3A_13 iter_args(%scan3A_93 = %scan3A) -> (i32)  : i32 {
      %swap3A = arith.index_cast %scan3A_92 : i32 to index
      %swap3A_94 = arith.constant 0 : index
      %swap3A_95 = tpu.vector_load %arg7[%swap3A, %swap3A_94] {strides = array<i32>} : memref<250x128xf32, #tpu.memory_space<vmem>>, vector<1x16xf32>,
      %swap3A_96 = vector.shape_cast %swap3A_95 : vector<1x16xf32> to vector<16xf32>
      %swap3A_97 = vector.shape_cast %broadcast_in_dim3A_1 : vector<16xf32> to vector<1x16xf32>
      tpu.vector_store %arg7[%swap3A, %swap3A_94], %swap3A_97 {strides = array<i32>} : memref<250x128xf32, #tpu.memory_space<vmem>>, vector<1x16xf32>,
      %swap3A_98 = arith.index_cast %scan3A_92 : i32 to index
      %swap3A_99 = arith.constant 16 : index
      %swap3A_100 = tpu.vector_load %arg7[%swap3A_98, %swap3A_99] {strides = array<i32>} : memref<250x128xf32, #tpu.memory_space<vmem>>, vector<1x16xf32>,
      %swap3A_101 = vector.shape_cast %swap3A_100 : vector<1x16xf32> to vector<16xf32>
      %swap3A_102 = vector.shape_cast %broadcast_in_dim3A_1 : vector<16xf32> to vector<1x16xf32>
      tpu.vector_store %arg7[%swap3A_98, %swap3A_99], %swap3A_102 {strides = array<i32>} : memref<250x128xf32, #tpu.memory_space<vmem>>, vector<1x16xf32>,
      %swap3A_103 = arith.index_cast %scan3A_92 : i32 to index
      %swap3A_104 = arith.constant 32 : index
      %swap3A_105 = tpu.vector_load %arg7[%swap3A_103, %swap3A_104] {strides = array<i32>} : memref<250x128xf32, #tpu.memory_space<vmem>>, vector<1x16xf32>,
      %swap3A_106 = vector.shape_cast %swap3A_105 : vector<1x16xf32> to vector<16xf32>
      %swap3A_107 = vector.shape_cast %broadcast_in_dim3A_1 : vector<16xf32> to vector<1x16xf32>
      tpu.vector_store %arg7[%swap3A_103, %swap3A_104], %swap3A_107 {strides = array<i32>} : memref<250x128xf32, #tpu.memory_space<vmem>>, vector<1x16xf32>,
      %swap3A_108 = arith.index_cast %scan3A_92 : i32 to index
      %swap3A_109 = arith.constant 48 : index
      %swap3A_110 = tpu.vector_load %arg7[%swap3A_108, %swap3A_109] {strides = array<i32>} : memref<250x128xf32, #tpu.memory_space<vmem>>, vector<1x16xf32>,
      %swap3A_111 = vector.shape_cast %swap3A_110 : vector<1x16xf32> to vector<16xf32>
      %swap3A_112 = vector.shape_cast %broadcast_in_dim3A_1 : vector<16xf32> to vector<1x16xf32>
      tpu.vector_store %arg7[%swap3A_108, %swap3A_109], %swap3A_112 {strides = array<i32>} : memref<250x128xf32, #tpu.memory_space<vmem>>, vector<1x16xf32>,
      %swap3A_113 = arith.index_cast %scan3A_92 : i32 to index
      %swap3A_114 = arith.constant 64 : index
      %swap3A_115 = tpu.vector_load %arg7[%swap3A_113, %swap3A_114] {strides = array<i32>} : memref<250x128xf32, #tpu.memory_space<vmem>>, vector<1x16xf32>,
      %swap3A_116 = vector.shape_cast %swap3A_115 : vector<1x16xf32> to vector<16xf32>
      %swap3A_117 = vector.shape_cast %broadcast_in_dim3A_1 : vector<16xf32> to vector<1x16xf32>
      tpu.vector_store %arg7[%swap3A_113, %swap3A_114], %swap3A_117 {strides = array<i32>} : memref<250x128xf32, #tpu.memory_space<vmem>>, vector<1x16xf32>,
      %swap3A_118 = arith.index_cast %scan3A_92 : i32 to index
      %swap3A_119 = arith.constant 80 : index
      %swap3A_120 = tpu.vector_load %arg7[%swap3A_118, %swap3A_119] {strides = array<i32>} : memref<250x128xf32, #tpu.memory_space<vmem>>, vector<1x16xf32>,
      %swap3A_121 = vector.shape_cast %swap3A_120 : vector<1x16xf32> to vector<16xf32>
      %swap3A_122 = vector.shape_cast %broadcast_in_dim3A_1 : vector<16xf32> to vector<1x16xf32>
      tpu.vector_store %arg7[%swap3A_118, %swap3A_119], %swap3A_122 {strides = array<i32>} : memref<250x128xf32, #tpu.memory_space<vmem>>, vector<1x16xf32>,
      %swap3A_123 = arith.index_cast %scan3A_92 : i32 to index
      %swap3A_124 = arith.constant 96 : index
      %swap3A_125 = tpu.vector_load %arg7[%swap3A_123, %swap3A_124] {strides = array<i32>} : memref<250x128xf32, #tpu.memory_space<vmem>>, vector<1x16xf32>,
      %swap3A_126 = vector.shape_cast %swap3A_125 : vector<1x16xf32> to vector<16xf32>
      %swap3A_127 = vector.shape_cast %broadcast_in_dim3A_1 : vector<16xf32> to vector<1x16xf32>
      tpu.vector_store %arg7[%swap3A_123, %swap3A_124], %swap3A_127 {strides = array<i32>} : memref<250x128xf32, #tpu.memory_space<vmem>>, vector<1x16xf32>,
      %swap3A_128 = arith.index_cast %scan3A_92 : i32 to index
      %swap3A_129 = arith.constant 112 : index
      %swap3A_130 = tpu.vector_load %arg7[%swap3A_128, %swap3A_129] {strides = array<i32>} : memref<250x128xf32, #tpu.memory_space<vmem>>, vector<1x16xf32>,
      %swap3A_131 = vector.shape_cast %swap3A_130 : vector<1x16xf32> to vector<16xf32>
      %swap3A_132 = vector.shape_cast %broadcast_in_dim3A_1 : vector<16xf32> to vector<1x16xf32>
      tpu.vector_store %arg7[%swap3A_128, %swap3A_129], %swap3A_132 {strides = array<i32>} : memref<250x128xf32, #tpu.memory_space<vmem>>, vector<1x16xf32>,
      %scan3A_133 = arith.constant 0 : i32
      scf.yield %scan3A_133 : i32
    }
    %scan3A_15 = arith.constant 128 : i32
    %mul3A_16 = arith.constant 640 : i32
    %mul3A_17 = arith.muli %arg1, %mul3A_16 : i32
    %add3A_18 = arith.constant 0 : i32
    %add3A_19 = arith.addi %mul3A_17, %add3A_18 : i32
    "tpu.region"() ({
      %run_scoped3A = tpu.sem_alloc : memref<!tpu.dma_semaphore, #tpu.memory_space<semaphore_mem>>
      %dma_start3A_92 = arith.constant 0 : i32
      %dma_start3A_93 = arith.constant 0 : i32
      %dma_start3A_94 = tpu.memref_slice %arg7[%dma_start3A_92, %dma_start3A_93] : memref<250x128xf32, #tpu.memory_space<vmem>> -> memref<128x128xf32, #tpu.memory_space<vmem>>
      %dma_start3A_95 = arith.constant 0 : i32
      %dma_start3A_96 = tpu.memref_slice %arg8[%add3A_19, %dma_start3A_95] : memref<10240x128xf32, #tpu.memory_space<vmem_shared>> -> memref<128x128xf32, #tpu.memory_space<vmem_shared>>
      %dma_start3A_97 = arith.constant 0 : i32
      %dma_start3A_98 = tpu.memref_slice %arg8[%add3A_19, %dma_start3A_97] : memref<10240x128xf32, #tpu.memory_space<vmem_shared>> -> memref<128x128xf32, #tpu.memory_space<vmem_shared>>
      %dma_start3A_99 = arith.constant 0 : i32
      %dma_start3A_100 = arith.constant 0 : i32
      %dma_start3A_101 = tpu.memref_slice %arg7[%dma_start3A_99, %dma_start3A_100] : memref<250x128xf32, #tpu.memory_space<vmem>> -> memref<128x128xf32, #tpu.memory_space<vmem>>
      tpu.enqueue_dma source(%dma_start3A_101 : memref<128x128xf32, #tpu.memory_space<vmem>>) target(%dma_start3A_98 : memref<128x128xf32, #tpu.memory_space<vmem_shared>>) target_semaphore(%run_scoped3A : memref<!tpu.dma_semaphore, #tpu.memory_space<semaphore_mem>>)
      %dma_wait3A_102 = arith.constant 0 : i32
      %dma_wait3A_103 = arith.constant 0 : i32
      %dma_wait3A_104 = tpu.memref_slice %arg7[%dma_wait3A_102, %dma_wait3A_103] : memref<250x128xf32, #tpu.memory_space<vmem>> -> memref<128x128xf32, #tpu.memory_space<vmem>>
      %dma_wait3A_105 = arith.constant 0 : i32
      %dma_wait3A_106 = tpu.memref_slice %arg8[%add3A_19, %dma_wait3A_105] : memref<10240x128xf32, #tpu.memory_space<vmem_shared>> -> memref<128x128xf32, #tpu.memory_space<vmem_shared>>
      %dma_wait3A_107 = arith.constant 0 : i32
      %dma_wait3A_108 = tpu.memref_slice %arg8[%add3A_19, %dma_wait3A_107] : memref<10240x128xf32, #tpu.memory_space<vmem_shared>> -> memref<128x128xf32, #tpu.memory_space<vmem_shared>>
      %dma_wait3A_109 = arith.constant 0 : i32
      %dma_wait3A_110 = arith.constant 0 : i32
      %dma_wait3A_111 = tpu.memref_slice %arg7[%dma_wait3A_109, %dma_wait3A_110] : memref<250x128xf32, #tpu.memory_space<vmem>> -> memref<128x128xf32, #tpu.memory_space<vmem>>
      tpu.wait_dma2 semaphore(%run_scoped3A : memref<!tpu.dma_semaphore, #tpu.memory_space<semaphore_mem>>) src(%dma_wait3A_111 : memref<128x128xf32, #tpu.memory_space<vmem>>) dst(%dma_wait3A_108 : memref<128x128xf32, #tpu.memory_space<vmem_shared>>)
      tpu.yield
    }) : () -> ()
    %add3A_20 = arith.constant 128 : i32
    %add3A_21 = arith.addi %mul3A_17, %add3A_20 : i32
    "tpu.region"() ({
      %run_scoped3A = tpu.sem_alloc : memref<!tpu.dma_semaphore, #tpu.memory_space<semaphore_mem>>
      %dma_start3A_92 = arith.constant 0 : i32
      %dma_start3A_93 = arith.constant 0 : i32
      %dma_start3A_94 = tpu.memref_slice %arg7[%dma_start3A_92, %dma_start3A_93] : memref<250x128xf32, #tpu.memory_space<vmem>> -> memref<128x128xf32, #tpu.memory_space<vmem>>
      %dma_start3A_95 = arith.constant 0 : i32
      %dma_start3A_96 = tpu.memref_slice %arg8[%add3A_21, %dma_start3A_95] : memref<10240x128xf32, #tpu.memory_space<vmem_shared>> -> memref<128x128xf32, #tpu.memory_space<vmem_shared>>
      %dma_start3A_97 = arith.constant 0 : i32
      %dma_start3A_98 = tpu.memref_slice %arg8[%add3A_21, %dma_start3A_97] : memref<10240x128xf32, #tpu.memory_space<vmem_shared>> -> memref<128x128xf32, #tpu.memory_space<vmem_shared>>
      %dma_start3A_99 = arith.constant 0 : i32
      %dma_start3A_100 = arith.constant 0 : i32
      %dma_start3A_101 = tpu.memref_slice %arg7[%dma_start3A_99, %dma_start3A_100] : memref<250x128xf32, #tpu.memory_space<vmem>> -> memref<128x128xf32, #tpu.memory_space<vmem>>
      tpu.enqueue_dma source(%dma_start3A_101 : memref<128x128xf32, #tpu.memory_space<vmem>>) target(%dma_start3A_98 : memref<128x128xf32, #tpu.memory_space<vmem_shared>>) target_semaphore(%run_scoped3A : memref<!tpu.dma_semaphore, #tpu.memory_space<semaphore_mem>>)
      %dma_wait3A_102 = arith.constant 0 : i32
      %dma_wait3A_103 = arith.constant 0 : i32
      %dma_wait3A_104 = tpu.memref_slice %arg7[%dma_wait3A_102, %dma_wait3A_103] : memref<250x128xf32, #tpu.memory_space<vmem>> -> memref<128x128xf32, #tpu.memory_space<vmem>>
      %dma_wait3A_105 = arith.constant 0 : i32
      %dma_wait3A_106 = tpu.memref_slice %arg8[%add3A_21, %dma_wait3A_105] : memref<10240x128xf32, #tpu.memory_space<vmem_shared>> -> memref<128x128xf32, #tpu.memory_space<vmem_shared>>
      %dma_wait3A_107 = arith.constant 0 : i32
      %dma_wait3A_108 = tpu.memref_slice %arg8[%add3A_21, %dma_wait3A_107] : memref<10240x128xf32, #tpu.memory_space<vmem_shared>> -> memref<128x128xf32, #tpu.memory_space<vmem_shared>>
      %dma_wait3A_109 = arith.constant 0 : i32
      %dma_wait3A_110 = arith.constant 0 : i32
      %dma_wait3A_111 = tpu.memref_slice %arg7[%dma_wait3A_109, %dma_wait3A_110] : memref<250x128xf32, #tpu.memory_space<vmem>> -> memref<128x128xf32, #tpu.memory_space<vmem>>
      tpu.wait_dma2 semaphore(%run_scoped3A : memref<!tpu.dma_semaphore, #tpu.memory_space<semaphore_mem>>) src(%dma_wait3A_111 : memref<128x128xf32, #tpu.memory_space<vmem>>) dst(%dma_wait3A_108 : memref<128x128xf32, #tpu.memory_space<vmem_shared>>)
      tpu.yield
    }) : () -> ()
    %add3A_22 = arith.constant 256 : i32
    %add3A_23 = arith.addi %mul3A_17, %add3A_22 : i32
    "tpu.region"() ({
      %run_scoped3A = tpu.sem_alloc : memref<!tpu.dma_semaphore, #tpu.memory_space<semaphore_mem>>
      %dma_start3A_92 = arith.constant 0 : i32
      %dma_start3A_93 = arith.constant 0 : i32
      %dma_start3A_94 = tpu.memref_slice %arg7[%dma_start3A_92, %dma_start3A_93] : memref<250x128xf32, #tpu.memory_space<vmem>> -> memref<128x128xf32, #tpu.memory_space<vmem>>
      %dma_start3A_95 = arith.constant 0 : i32
      %dma_start3A_96 = tpu.memref_slice %arg8[%add3A_23, %dma_start3A_95] : memref<10240x128xf32, #tpu.memory_space<vmem_shared>> -> memref<128x128xf32, #tpu.memory_space<vmem_shared>>
      %dma_start3A_97 = arith.constant 0 : i32
      %dma_start3A_98 = tpu.memref_slice %arg8[%add3A_23, %dma_start3A_97] : memref<10240x128xf32, #tpu.memory_space<vmem_shared>> -> memref<128x128xf32, #tpu.memory_space<vmem_shared>>
      %dma_start3A_99 = arith.constant 0 : i32
      %dma_start3A_100 = arith.constant 0 : i32
      %dma_start3A_101 = tpu.memref_slice %arg7[%dma_start3A_99, %dma_start3A_100] : memref<250x128xf32, #tpu.memory_space<vmem>> -> memref<128x128xf32, #tpu.memory_space<vmem>>
      tpu.enqueue_dma source(%dma_start3A_101 : memref<128x128xf32, #tpu.memory_space<vmem>>) target(%dma_start3A_98 : memref<128x128xf32, #tpu.memory_space<vmem_shared>>) target_semaphore(%run_scoped3A : memref<!tpu.dma_semaphore, #tpu.memory_space<semaphore_mem>>)
      %dma_wait3A_102 = arith.constant 0 : i32
      %dma_wait3A_103 = arith.constant 0 : i32
      %dma_wait3A_104 = tpu.memref_slice %arg7[%dma_wait3A_102, %dma_wait3A_103] : memref<250x128xf32, #tpu.memory_space<vmem>> -> memref<128x128xf32, #tpu.memory_space<vmem>>
      %dma_wait3A_105 = arith.constant 0 : i32
      %dma_wait3A_106 = tpu.memref_slice %arg8[%add3A_23, %dma_wait3A_105] : memref<10240x128xf32, #tpu.memory_space<vmem_shared>> -> memref<128x128xf32, #tpu.memory_space<vmem_shared>>
      %dma_wait3A_107 = arith.constant 0 : i32
      %dma_wait3A_108 = tpu.memref_slice %arg8[%add3A_23, %dma_wait3A_107] : memref<10240x128xf32, #tpu.memory_space<vmem_shared>> -> memref<128x128xf32, #tpu.memory_space<vmem_shared>>
      %dma_wait3A_109 = arith.constant 0 : i32
      %dma_wait3A_110 = arith.constant 0 : i32
      %dma_wait3A_111 = tpu.memref_slice %arg7[%dma_wait3A_109, %dma_wait3A_110] : memref<250x128xf32, #tpu.memory_space<vmem>> -> memref<128x128xf32, #tpu.memory_space<vmem>>
      tpu.wait_dma2 semaphore(%run_scoped3A : memref<!tpu.dma_semaphore, #tpu.memory_space<semaphore_mem>>) src(%dma_wait3A_111 : memref<128x128xf32, #tpu.memory_space<vmem>>) dst(%dma_wait3A_108 : memref<128x128xf32, #tpu.memory_space<vmem_shared>>)
      tpu.yield
    }) : () -> ()
    %add3A_24 = arith.constant 384 : i32
    %add3A_25 = arith.addi %mul3A_17, %add3A_24 : i32
    "tpu.region"() ({
      %run_scoped3A = tpu.sem_alloc : memref<!tpu.dma_semaphore, #tpu.memory_space<semaphore_mem>>
      %dma_start3A_92 = arith.constant 0 : i32
      %dma_start3A_93 = arith.constant 0 : i32
      %dma_start3A_94 = tpu.memref_slice %arg7[%dma_start3A_92, %dma_start3A_93] : memref<250x128xf32, #tpu.memory_space<vmem>> -> memref<128x128xf32, #tpu.memory_space<vmem>>
      %dma_start3A_95 = arith.constant 0 : i32
      %dma_start3A_96 = tpu.memref_slice %arg8[%add3A_25, %dma_start3A_95] : memref<10240x128xf32, #tpu.memory_space<vmem_shared>> -> memref<128x128xf32, #tpu.memory_space<vmem_shared>>
      %dma_start3A_97 = arith.constant 0 : i32
      %dma_start3A_98 = tpu.memref_slice %arg8[%add3A_25, %dma_start3A_97] : memref<10240x128xf32, #tpu.memory_space<vmem_shared>> -> memref<128x128xf32, #tpu.memory_space<vmem_shared>>
      %dma_start3A_99 = arith.constant 0 : i32
      %dma_start3A_100 = arith.constant 0 : i32
      %dma_start3A_101 = tpu.memref_slice %arg7[%dma_start3A_99, %dma_start3A_100] : memref<250x128xf32, #tpu.memory_space<vmem>> -> memref<128x128xf32, #tpu.memory_space<vmem>>
      tpu.enqueue_dma source(%dma_start3A_101 : memref<128x128xf32, #tpu.memory_space<vmem>>) target(%dma_start3A_98 : memref<128x128xf32, #tpu.memory_space<vmem_shared>>) target_semaphore(%run_scoped3A : memref<!tpu.dma_semaphore, #tpu.memory_space<semaphore_mem>>)
      %dma_wait3A_102 = arith.constant 0 : i32
      %dma_wait3A_103 = arith.constant 0 : i32
      %dma_wait3A_104 = tpu.memref_slice %arg7[%dma_wait3A_102, %dma_wait3A_103] : memref<250x128xf32, #tpu.memory_space<vmem>> -> memref<128x128xf32, #tpu.memory_space<vmem>>
      %dma_wait3A_105 = arith.constant 0 : i32
      %dma_wait3A_106 = tpu.memref_slice %arg8[%add3A_25, %dma_wait3A_105] : memref<10240x128xf32, #tpu.memory_space<vmem_shared>> -> memref<128x128xf32, #tpu.memory_space<vmem_shared>>
      %dma_wait3A_107 = arith.constant 0 : i32
      %dma_wait3A_108 = tpu.memref_slice %arg8[%add3A_25, %dma_wait3A_107] : memref<10240x128xf32, #tpu.memory_space<vmem_shared>> -> memref<128x128xf32, #tpu.memory_space<vmem_shared>>
      %dma_wait3A_109 = arith.constant 0 : i32
      %dma_wait3A_110 = arith.constant 0 : i32
      %dma_wait3A_111 = tpu.memref_slice %arg7[%dma_wait3A_109, %dma_wait3A_110] : memref<250x128xf32, #tpu.memory_space<vmem>> -> memref<128x128xf32, #tpu.memory_space<vmem>>
      tpu.wait_dma2 semaphore(%run_scoped3A : memref<!tpu.dma_semaphore, #tpu.memory_space<semaphore_mem>>) src(%dma_wait3A_111 : memref<128x128xf32, #tpu.memory_space<vmem>>) dst(%dma_wait3A_108 : memref<128x128xf32, #tpu.memory_space<vmem_shared>>)
      tpu.yield
    }) : () -> ()
    %add3A_26 = arith.constant 512 : i32
    %add3A_27 = arith.addi %mul3A_17, %add3A_26 : i32
    "tpu.region"() ({
      %run_scoped3A = tpu.sem_alloc : memref<!tpu.dma_semaphore, #tpu.memory_space<semaphore_mem>>
      %dma_start3A_92 = arith.constant 0 : i32
      %dma_start3A_93 = arith.constant 0 : i32
      %dma_start3A_94 = tpu.memref_slice %arg7[%dma_start3A_92, %dma_start3A_93] : memref<250x128xf32, #tpu.memory_space<vmem>> -> memref<128x128xf32, #tpu.memory_space<vmem>>
      %dma_start3A_95 = arith.constant 0 : i32
      %dma_start3A_96 = tpu.memref_slice %arg8[%add3A_27, %dma_start3A_95] : memref<10240x128xf32, #tpu.memory_space<vmem_shared>> -> memref<128x128xf32, #tpu.memory_space<vmem_shared>>
      %dma_start3A_97 = arith.constant 0 : i32
      %dma_start3A_98 = tpu.memref_slice %arg8[%add3A_27, %dma_start3A_97] : memref<10240x128xf32, #tpu.memory_space<vmem_shared>> -> memref<128x128xf32, #tpu.memory_space<vmem_shared>>
      %dma_start3A_99 = arith.constant 0 : i32
      %dma_start3A_100 = arith.constant 0 : i32
      %dma_start3A_101 = tpu.memref_slice %arg7[%dma_start3A_99, %dma_start3A_100] : memref<250x128xf32, #tpu.memory_space<vmem>> -> memref<128x128xf32, #tpu.memory_space<vmem>>
      tpu.enqueue_dma source(%dma_start3A_101 : memref<128x128xf32, #tpu.memory_space<vmem>>) target(%dma_start3A_98 : memref<128x128xf32, #tpu.memory_space<vmem_shared>>) target_semaphore(%run_scoped3A : memref<!tpu.dma_semaphore, #tpu.memory_space<semaphore_mem>>)
      %dma_wait3A_102 = arith.constant 0 : i32
      %dma_wait3A_103 = arith.constant 0 : i32
      %dma_wait3A_104 = tpu.memref_slice %arg7[%dma_wait3A_102, %dma_wait3A_103] : memref<250x128xf32, #tpu.memory_space<vmem>> -> memref<128x128xf32, #tpu.memory_space<vmem>>
      %dma_wait3A_105 = arith.constant 0 : i32
      %dma_wait3A_106 = tpu.memref_slice %arg8[%add3A_27, %dma_wait3A_105] : memref<10240x128xf32, #tpu.memory_space<vmem_shared>> -> memref<128x128xf32, #tpu.memory_space<vmem_shared>>
      %dma_wait3A_107 = arith.constant 0 : i32
      %dma_wait3A_108 = tpu.memref_slice %arg8[%add3A_27, %dma_wait3A_107] : memref<10240x128xf32, #tpu.memory_space<vmem_shared>> -> memref<128x128xf32, #tpu.memory_space<vmem_shared>>
      %dma_wait3A_109 = arith.constant 0 : i32
      %dma_wait3A_110 = arith.constant 0 : i32
      %dma_wait3A_111 = tpu.memref_slice %arg7[%dma_wait3A_109, %dma_wait3A_110] : memref<250x128xf32, #tpu.memory_space<vmem>> -> memref<128x128xf32, #tpu.memory_space<vmem>>
      tpu.wait_dma2 semaphore(%run_scoped3A : memref<!tpu.dma_semaphore, #tpu.memory_space<semaphore_mem>>) src(%dma_wait3A_111 : memref<128x128xf32, #tpu.memory_space<vmem>>) dst(%dma_wait3A_108 : memref<128x128xf32, #tpu.memory_space<vmem_shared>>)
      tpu.yield
    }) : () -> ()
    %dma_wait3A = arith.constant 0 : i32
    %dma_wait3A_28 = arith.constant 0 : i32
    %dma_wait3A_29 = tpu.memref_slice %arg3[%dma_wait3A, %mul3A_3, %dma_wait3A_28] : memref<2x2560x125xi32, #tpu.memory_space<hbm>> -> memref<1x80x125xi32, #tpu.memory_space<hbm>>
    %dma_wait3A_30 = tpu.memref_squeeze %dma_wait3A_29 : memref<1x80x125xi32, #tpu.memory_space<hbm>> -> memref<80x125xi32, #tpu.memory_space<hbm>>
    %dma_wait3A_31 = arith.constant 0 : i32
    %dma_wait3A_32 = tpu.memref_slice %arg3[%dma_wait3A, %mul3A_3, %dma_wait3A_31] : memref<2x2560x125xi32, #tpu.memory_space<hbm>> -> memref<1x80x125xi32, #tpu.memory_space<hbm>>
    %dma_wait3A_33 = tpu.memref_squeeze %dma_wait3A_32 : memref<1x80x125xi32, #tpu.memory_space<hbm>> -> memref<80x125xi32, #tpu.memory_space<hbm>>
    tpu.wait_dma2 semaphore(%arg9 : memref<!tpu.dma_semaphore, #tpu.memory_space<semaphore_mem>>) src(%dma_wait3A_33 : memref<80x125xi32, #tpu.memory_space<hbm>>) dst(%arg5 : memref<80x125xi32, #tpu.memory_space<vmem>>)
    %barrier3A = arith.constant 0 : index
    tpu.barrier barrier_id(%barrier3A)
    %add3A_34 = arith.constant 0 : i32
    %add3A_35 = arith.addi %mul3A_3, %add3A_34 : i32
    %dma_start3A_36 = arith.constant 1 : i32
    %dma_start3A_37 = arith.constant 0 : i32
    %dma_start3A_38 = arith.constant 0 : i32
    %dma_start3A_39 = tpu.memref_slice %arg6[%dma_start3A_37, %dma_start3A_38] : memref<2x125xi32, #tpu.memory_space<vmem>> -> memref<1x125xi32, #tpu.memory_space<vmem>>
    %dma_start3A_40 = arith.constant 0 : i32
    %dma_start3A_41 = tpu.memref_slice %arg3[%dma_start3A_36, %add3A_35, %dma_start3A_40] : memref<2x2560x125xi32, #tpu.memory_space<hbm>> -> memref<1x1x125xi32, #tpu.memory_space<hbm>>
    %dma_start3A_42 = tpu.memref_squeeze %dma_start3A_41 : memref<1x1x125xi32, #tpu.memory_space<hbm>> -> memref<1x125xi32, #tpu.memory_space<hbm>>
    %dma_start3A_43 = arith.constant 0 : i32
    %dma_start3A_44 = arith.constant 0 : i32
    %dma_start3A_45 = tpu.memref_slice %arg6[%dma_start3A_43, %dma_start3A_44] : memref<2x125xi32, #tpu.memory_space<vmem>> -> memref<1x125xi32, #tpu.memory_space<vmem>>
    %dma_start3A_46 = arith.constant 0 : i32
    %dma_start3A_47 = tpu.memref_slice %arg3[%dma_start3A_36, %add3A_35, %dma_start3A_46] : memref<2x2560x125xi32, #tpu.memory_space<hbm>> -> memref<1x1x125xi32, #tpu.memory_space<hbm>>
    %dma_start3A_48 = tpu.memref_squeeze %dma_start3A_47 : memref<1x1x125xi32, #tpu.memory_space<hbm>> -> memref<1x125xi32, #tpu.memory_space<hbm>>
    tpu.enqueue_dma source(%dma_start3A_48 : memref<1x125xi32, #tpu.memory_space<hbm>>) target(%dma_start3A_45 : memref<1x125xi32, #tpu.memory_space<vmem>>) target_semaphore(%arg13 : memref<!tpu.dma_semaphore, #tpu.memory_space<semaphore_mem>>)
    %dma_start3A_49 = arith.constant 0 : i32
    %dma_start3A_50 = arith.constant 0 : i32
    %dma_start3A_51 = arith.constant 0 : i32
    %dma_start3A_52 = tpu.memref_slice %arg7[%dma_start3A_50, %dma_start3A_51] : memref<250x128xf32, #tpu.memory_space<vmem>> -> memref<125x128xf32, #tpu.memory_space<vmem>>
    %dma_start3A_53 = arith.constant 0 : i32
    %dma_start3A_54 = tpu.memref_slice %arg5[%dma_start3A_49, %dma_start3A_53] : memref<80x125xi32, #tpu.memory_space<vmem>> -> memref<1x125xi32, #tpu.memory_space<vmem>>
    %dma_start3A_55 = tpu.memref_squeeze %dma_start3A_54 : memref<1x125xi32, #tpu.memory_space<vmem>> -> memref<125xi32, #tpu.memory_space<vmem>>
    %dma_start3A_56 = arith.constant 0 : i32
    %dma_start3A_57 = arith.constant 0 : i32
    %dma_start3A_58 = tpu.memref_slice %arg2[%dma_start3A_56, %dma_start3A_57] : memref<10000x128xf32, #tpu.memory_space<hbm>> -> memref<10000x128xf32, #tpu.memory_space<hbm>>
    tpu.enqueue_indirect_dma source(%dma_start3A_58 : memref<10000x128xf32, #tpu.memory_space<hbm>>) target(%dma_start3A_52 : memref<125x128xf32, #tpu.memory_space<vmem>>) offsets(%dma_start3A_55 : memref<125xi32, #tpu.memory_space<vmem>>) semaphore(%arg11 : memref<!tpu.dma_semaphore, #tpu.memory_space<semaphore_mem>>)
    %add3A_59 = arith.constant 1 : i32
    %add3A_60 = arith.addi %mul3A_3, %add3A_59 : i32
    %dma_start3A_61 = arith.constant 1 : i32
    %dma_start3A_62 = arith.constant 1 : i32
    %dma_start3A_63 = arith.constant 0 : i32
    %dma_start3A_64 = tpu.memref_slice %arg6[%dma_start3A_62, %dma_start3A_63] : memref<2x125xi32, #tpu.memory_space<vmem>> -> memref<1x125xi32, #tpu.memory_space<vmem>>
    %dma_start3A_65 = arith.constant 0 : i32
    %dma_start3A_66 = tpu.memref_slice %arg3[%dma_start3A_61, %add3A_60, %dma_start3A_65] : memref<2x2560x125xi32, #tpu.memory_space<hbm>> -> memref<1x1x125xi32, #tpu.memory_space<hbm>>
    %dma_start3A_67 = tpu.memref_squeeze %dma_start3A_66 : memref<1x1x125xi32, #tpu.memory_space<hbm>> -> memref<1x125xi32, #tpu.memory_space<hbm>>
    %dma_start3A_68 = arith.constant 1 : i32
    %dma_start3A_69 = arith.constant 0 : i32
    %dma_start3A_70 = tpu.memref_slice %arg6[%dma_start3A_68, %dma_start3A_69] : memref<2x125xi32, #tpu.memory_space<vmem>> -> memref<1x125xi32, #tpu.memory_space<vmem>>
    %dma_start3A_71 = arith.constant 0 : i32
    %dma_start3A_72 = tpu.memref_slice %arg3[%dma_start3A_61, %add3A_60, %dma_start3A_71] : memref<2x2560x125xi32, #tpu.memory_space<hbm>> -> memref<1x1x125xi32, #tpu.memory_space<hbm>>
    %dma_start3A_73 = tpu.memref_squeeze %dma_start3A_72 : memref<1x1x125xi32, #tpu.memory_space<hbm>> -> memref<1x125xi32, #tpu.memory_space<hbm>>
    tpu.enqueue_dma source(%dma_start3A_73 : memref<1x125xi32, #tpu.memory_space<hbm>>) target(%dma_start3A_70 : memref<1x125xi32, #tpu.memory_space<vmem>>) target_semaphore(%arg14 : memref<!tpu.dma_semaphore, #tpu.memory_space<semaphore_mem>>)
    %dma_start3A_74 = arith.constant 1 : i32
    %dma_start3A_75 = arith.constant 125 : i32
    %dma_start3A_76 = arith.constant 0 : i32
    %dma_start3A_77 = tpu.memref_slice %arg7[%dma_start3A_75, %dma_start3A_76] : memref<250x128xf32, #tpu.memory_space<vmem>> -> memref<125x128xf32, #tpu.memory_space<vmem>>
    %dma_start3A_78 = arith.constant 0 : i32
    %dma_start3A_79 = tpu.memref_slice %arg5[%dma_start3A_74, %dma_start3A_78] : memref<80x125xi32, #tpu.memory_space<vmem>> -> memref<1x125xi32, #tpu.memory_space<vmem>>
    %dma_start3A_80 = tpu.memref_squeeze %dma_start3A_79 : memref<1x125xi32, #tpu.memory_space<vmem>> -> memref<125xi32, #tpu.memory_space<vmem>>
    %dma_start3A_81 = arith.constant 0 : i32
    %dma_start3A_82 = arith.constant 0 : i32
    %dma_start3A_83 = tpu.memref_slice %arg2[%dma_start3A_81, %dma_start3A_82] : memref<10000x128xf32, #tpu.memory_space<hbm>> -> memref<10000x128xf32, #tpu.memory_space<hbm>>
    tpu.enqueue_indirect_dma source(%dma_start3A_83 : memref<10000x128xf32, #tpu.memory_space<hbm>>) target(%dma_start3A_77 : memref<125x128xf32, #tpu.memory_space<vmem>>) offsets(%dma_start3A_80 : memref<125xi32, #tpu.memory_space<vmem>>) semaphore(%arg12 : memref<!tpu.dma_semaphore, #tpu.memory_space<semaphore_mem>>)
    %scan3A_84 = arith.constant 0 : i32
    %scan3A_85 = arith.constant 0 : i32
    %scan3A_86 = arith.constant 40 : i32
    %scan3A_87 = arith.addi %scan3A_85, %scan3A_86 : i32
    %scan3A_88 = arith.constant 1 : i32
    %scan3A_89 = scf.for %scan3A_92 = %scan3A_85 to %scan3A_87 step %scan3A_88 iter_args(%scan3A_93 = %scan3A_84) -> (i32)  : i32 {
      %mul3A_94 = arith.constant 2 : i32
      %mul3A_95 = arith.muli %scan3A_92, %mul3A_94 : i32
      %add3A_96 = arith.constant 0 : i32
      %add3A_97 = arith.addi %mul3A_95, %add3A_96 : i32
      %dma_wait3A_98 = arith.constant 0 : i32
      %dma_wait3A_99 = arith.constant 0 : i32
      %dma_wait3A_100 = tpu.memref_slice %arg7[%dma_wait3A_98, %dma_wait3A_99] : memref<250x128xf32, #tpu.memory_space<vmem>> -> memref<125x128xf32, #tpu.memory_space<vmem>>
      %dma_wait3A_101 = arith.constant 0 : i32
      %dma_wait3A_102 = tpu.memref_slice %arg5[%add3A_97, %dma_wait3A_101] : memref<80x125xi32, #tpu.memory_space<vmem>> -> memref<1x125xi32, #tpu.memory_space<vmem>>
      %dma_wait3A_103 = tpu.memref_squeeze %dma_wait3A_102 : memref<1x125xi32, #tpu.memory_space<vmem>> -> memref<125xi32, #tpu.memory_space<vmem>>
      %dma_wait3A_104 = arith.constant 0 : i32
      %dma_wait3A_105 = arith.constant 0 : i32
      %dma_wait3A_106 = tpu.memref_slice %arg2[%dma_wait3A_104, %dma_wait3A_105] : memref<10000x128xf32, #tpu.memory_space<hbm>> -> memref<10000x128xf32, #tpu.memory_space<hbm>>
      tpu.wait_indirect_dma semaphore(%arg11 : memref<!tpu.dma_semaphore, #tpu.memory_space<semaphore_mem>>) src(%dma_wait3A_106 : memref<10000x128xf32, #tpu.memory_space<hbm>>) dst(%dma_wait3A_100 : memref<125x128xf32, #tpu.memory_space<vmem>>)
      %add3A_107 = arith.addi %mul3A_3, %add3A_97 : i32
      %dma_wait3A_108 = arith.constant 1 : i32
      %dma_wait3A_109 = arith.constant 0 : i32
      %dma_wait3A_110 = arith.constant 0 : i32
      %dma_wait3A_111 = tpu.memref_slice %arg6[%dma_wait3A_109, %dma_wait3A_110] : memref<2x125xi32, #tpu.memory_space<vmem>> -> memref<1x125xi32, #tpu.memory_space<vmem>>
      %dma_wait3A_112 = arith.constant 0 : i32
      %dma_wait3A_113 = tpu.memref_slice %arg3[%dma_wait3A_108, %add3A_107, %dma_wait3A_112] : memref<2x2560x125xi32, #tpu.memory_space<hbm>> -> memref<1x1x125xi32, #tpu.memory_space<hbm>>
      %dma_wait3A_114 = tpu.memref_squeeze %dma_wait3A_113 : memref<1x1x125xi32, #tpu.memory_space<hbm>> -> memref<1x125xi32, #tpu.memory_space<hbm>>
      %dma_wait3A_115 = arith.constant 0 : i32
      %dma_wait3A_116 = arith.constant 0 : i32
      %dma_wait3A_117 = tpu.memref_slice %arg6[%dma_wait3A_115, %dma_wait3A_116] : memref<2x125xi32, #tpu.memory_space<vmem>> -> memref<1x125xi32, #tpu.memory_space<vmem>>
      %dma_wait3A_118 = arith.constant 0 : i32
      %dma_wait3A_119 = tpu.memref_slice %arg3[%dma_wait3A_108, %add3A_107, %dma_wait3A_118] : memref<2x2560x125xi32, #tpu.memory_space<hbm>> -> memref<1x1x125xi32, #tpu.memory_space<hbm>>
      %dma_wait3A_120 = tpu.memref_squeeze %dma_wait3A_119 : memref<1x1x125xi32, #tpu.memory_space<hbm>> -> memref<1x125xi32, #tpu.memory_space<hbm>>
      tpu.wait_dma2 semaphore(%arg13 : memref<!tpu.dma_semaphore, #tpu.memory_space<semaphore_mem>>) src(%dma_wait3A_120 : memref<1x125xi32, #tpu.memory_space<hbm>>) dst(%dma_wait3A_117 : memref<1x125xi32, #tpu.memory_space<vmem>>)
      %run_scoped3A = arith.constant 0 : i32
      "tpu.region"() ({
        %run_scoped3A_161 = tpu.sem_alloc : memref<!tpu.dma_semaphore, #tpu.memory_space<semaphore_mem>>
        %dma_start3A_162 = arith.constant 0 : i32
        %dma_start3A_163 = arith.constant 0 : i32
        %dma_start3A_164 = tpu.memref_slice %arg7[%dma_start3A_162, %dma_start3A_163] : memref<250x128xf32, #tpu.memory_space<vmem>> -> memref<125x128xf32, #tpu.memory_space<vmem>>
        %dma_start3A_165 = arith.constant 0 : i32
        %dma_start3A_166 = tpu.memref_slice %arg6[%run_scoped3A, %dma_start3A_165] : memref<2x125xi32, #tpu.memory_space<vmem>> -> memref<1x125xi32, #tpu.memory_space<vmem>>
        %dma_start3A_167 = tpu.memref_squeeze %dma_start3A_166 : memref<1x125xi32, #tpu.memory_space<vmem>> -> memref<125xi32, #tpu.memory_space<vmem>>
        %dma_start3A_168 = arith.constant 0 : i32
        %dma_start3A_169 = arith.constant 0 : i32
        %dma_start3A_170 = tpu.memref_slice %arg8[%dma_start3A_168, %dma_start3A_169] : memref<10240x128xf32, #tpu.memory_space<vmem_shared>> -> memref<10240x128xf32, #tpu.memory_space<vmem_shared>>
        tpu.enqueue_indirect_dma source(%dma_start3A_164 : memref<125x128xf32, #tpu.memory_space<vmem>>) target(%dma_start3A_170 : memref<10240x128xf32, #tpu.memory_space<vmem_shared>>) offsets(%dma_start3A_167 : memref<125xi32, #tpu.memory_space<vmem>>) semaphore(%run_scoped3A_161 : memref<!tpu.dma_semaphore, #tpu.memory_space<semaphore_mem>>) {add = true}
        %dma_wait3A_171 = arith.constant 0 : i32
        %dma_wait3A_172 = arith.constant 0 : i32
        %dma_wait3A_173 = tpu.memref_slice %arg7[%dma_wait3A_171, %dma_wait3A_172] : memref<250x128xf32, #tpu.memory_space<vmem>> -> memref<125x128xf32, #tpu.memory_space<vmem>>
        %dma_wait3A_174 = arith.constant 0 : i32
        %dma_wait3A_175 = tpu.memref_slice %arg6[%run_scoped3A, %dma_wait3A_174] : memref<2x125xi32, #tpu.memory_space<vmem>> -> memref<1x125xi32, #tpu.memory_space<vmem>>
        %dma_wait3A_176 = tpu.memref_squeeze %dma_wait3A_175 : memref<1x125xi32, #tpu.memory_space<vmem>> -> memref<125xi32, #tpu.memory_space<vmem>>
        %dma_wait3A_177 = arith.constant 0 : i32
        %dma_wait3A_178 = arith.constant 0 : i32
        %dma_wait3A_179 = tpu.memref_slice %arg8[%dma_wait3A_177, %dma_wait3A_178] : memref<10240x128xf32, #tpu.memory_space<vmem_shared>> -> memref<10240x128xf32, #tpu.memory_space<vmem_shared>>
        tpu.wait_indirect_dma semaphore(%run_scoped3A_161 : memref<!tpu.dma_semaphore, #tpu.memory_space<semaphore_mem>>) src(%dma_wait3A_173 : memref<125x128xf32, #tpu.memory_space<vmem>>) dst(%dma_wait3A_179 : memref<10240x128xf32, #tpu.memory_space<vmem_shared>>)
        tpu.yield
      }) : () -> ()
      %add3A_121 = arith.constant 2 : i32
      %add3A_122 = arith.addi %add3A_97, %add3A_121 : i32
      %lt3A = arith.constant 80 : i32
      %lt3A_123 = arith.cmpi slt, %add3A_122, %lt3A : i32
      %convert_element_type3A = arith.extui %lt3A_123 : i1 to i32
      %cond3A = arith.constant 0 : i32
      %cond3A_124 = arith.cmpi ne, %convert_element_type3A, %cond3A : i32
      scf.if %cond3A_124 {
        %add3A_161 = arith.constant 2 : i32
        %add3A_162 = arith.addi %add3A_97, %add3A_161 : i32
        %add3A_163 = arith.addi %mul3A_3, %add3A_162 : i32
        %dma_start3A_164 = arith.constant 1 : i32
        %dma_start3A_165 = arith.constant 0 : i32
        %dma_start3A_166 = arith.constant 0 : i32
        %dma_start3A_167 = tpu.memref_slice %arg6[%dma_start3A_165, %dma_start3A_166] : memref<2x125xi32, #tpu.memory_space<vmem>> -> memref<1x125xi32, #tpu.memory_space<vmem>>
        %dma_start3A_168 = arith.constant 0 : i32
        %dma_start3A_169 = tpu.memref_slice %arg3[%dma_start3A_164, %add3A_163, %dma_start3A_168] : memref<2x2560x125xi32, #tpu.memory_space<hbm>> -> memref<1x1x125xi32, #tpu.memory_space<hbm>>
        %dma_start3A_170 = tpu.memref_squeeze %dma_start3A_169 : memref<1x1x125xi32, #tpu.memory_space<hbm>> -> memref<1x125xi32, #tpu.memory_space<hbm>>
        %dma_start3A_171 = arith.constant 0 : i32
        %dma_start3A_172 = arith.constant 0 : i32
        %dma_start3A_173 = tpu.memref_slice %arg6[%dma_start3A_171, %dma_start3A_172] : memref<2x125xi32, #tpu.memory_space<vmem>> -> memref<1x125xi32, #tpu.memory_space<vmem>>
        %dma_start3A_174 = arith.constant 0 : i32
        %dma_start3A_175 = tpu.memref_slice %arg3[%dma_start3A_164, %add3A_163, %dma_start3A_174] : memref<2x2560x125xi32, #tpu.memory_space<hbm>> -> memref<1x1x125xi32, #tpu.memory_space<hbm>>
        %dma_start3A_176 = tpu.memref_squeeze %dma_start3A_175 : memref<1x1x125xi32, #tpu.memory_space<hbm>> -> memref<1x125xi32, #tpu.memory_space<hbm>>
        tpu.enqueue_dma source(%dma_start3A_176 : memref<1x125xi32, #tpu.memory_space<hbm>>) target(%dma_start3A_173 : memref<1x125xi32, #tpu.memory_space<vmem>>) target_semaphore(%arg13 : memref<!tpu.dma_semaphore, #tpu.memory_space<semaphore_mem>>)
        %add3A_177 = arith.constant 2 : i32
        %add3A_178 = arith.addi %add3A_97, %add3A_177 : i32
        %dma_start3A_179 = arith.constant 0 : i32
        %dma_start3A_180 = arith.constant 0 : i32
        %dma_start3A_181 = tpu.memref_slice %arg7[%dma_start3A_179, %dma_start3A_180] : memref<250x128xf32, #tpu.memory_space<vmem>> -> memref<125x128xf32, #tpu.memory_space<vmem>>
        %dma_start3A_182 = arith.constant 0 : i32
        %dma_start3A_183 = tpu.memref_slice %arg5[%add3A_178, %dma_start3A_182] : memref<80x125xi32, #tpu.memory_space<vmem>> -> memref<1x125xi32, #tpu.memory_space<vmem>>
        %dma_start3A_184 = tpu.memref_squeeze %dma_start3A_183 : memref<1x125xi32, #tpu.memory_space<vmem>> -> memref<125xi32, #tpu.memory_space<vmem>>
        %dma_start3A_185 = arith.constant 0 : i32
        %dma_start3A_186 = arith.constant 0 : i32
        %dma_start3A_187 = tpu.memref_slice %arg2[%dma_start3A_185, %dma_start3A_186] : memref<10000x128xf32, #tpu.memory_space<hbm>> -> memref<10000x128xf32, #tpu.memory_space<hbm>>
        tpu.enqueue_indirect_dma source(%dma_start3A_187 : memref<10000x128xf32, #tpu.memory_space<hbm>>) target(%dma_start3A_181 : memref<125x128xf32, #tpu.memory_space<vmem>>) offsets(%dma_start3A_184 : memref<125xi32, #tpu.memory_space<vmem>>) semaphore(%arg11 : memref<!tpu.dma_semaphore, #tpu.memory_space<semaphore_mem>>)
      } else {
      }
      %mul3A_125 = arith.constant 2 : i32
      %mul3A_126 = arith.muli %scan3A_92, %mul3A_125 : i32
      %add3A_127 = arith.constant 1 : i32
      %add3A_128 = arith.addi %mul3A_126, %add3A_127 : i32
      %dma_wait3A_129 = arith.constant 125 : i32
      %dma_wait3A_130 = arith.constant 0 : i32
      %dma_wait3A_131 = tpu.memref_slice %arg7[%dma_wait3A_129, %dma_wait3A_130] : memref<250x128xf32, #tpu.memory_space<vmem>> -> memref<125x128xf32, #tpu.memory_space<vmem>>
      %dma_wait3A_132 = arith.constant 0 : i32
      %dma_wait3A_133 = tpu.memref_slice %arg5[%add3A_128, %dma_wait3A_132] : memref<80x125xi32, #tpu.memory_space<vmem>> -> memref<1x125xi32, #tpu.memory_space<vmem>>
      %dma_wait3A_134 = tpu.memref_squeeze %dma_wait3A_133 : memref<1x125xi32, #tpu.memory_space<vmem>> -> memref<125xi32, #tpu.memory_space<vmem>>
      %dma_wait3A_135 = arith.constant 0 : i32
      %dma_wait3A_136 = arith.constant 0 : i32
      %dma_wait3A_137 = tpu.memref_slice %arg2[%dma_wait3A_135, %dma_wait3A_136] : memref<10000x128xf32, #tpu.memory_space<hbm>> -> memref<10000x128xf32, #tpu.memory_space<hbm>>
      tpu.wait_indirect_dma semaphore(%arg12 : memref<!tpu.dma_semaphore, #tpu.memory_space<semaphore_mem>>) src(%dma_wait3A_137 : memref<10000x128xf32, #tpu.memory_space<hbm>>) dst(%dma_wait3A_131 : memref<125x128xf32, #tpu.memory_space<vmem>>)
      %add3A_138 = arith.addi %mul3A_3, %add3A_128 : i32
      %dma_wait3A_139 = arith.constant 1 : i32
      %dma_wait3A_140 = arith.constant 1 : i32
      %dma_wait3A_141 = arith.constant 0 : i32
      %dma_wait3A_142 = tpu.memref_slice %arg6[%dma_wait3A_140, %dma_wait3A_141] : memref<2x125xi32, #tpu.memory_space<vmem>> -> memref<1x125xi32, #tpu.memory_space<vmem>>
      %dma_wait3A_143 = arith.constant 0 : i32
      %dma_wait3A_144 = tpu.memref_slice %arg3[%dma_wait3A_139, %add3A_138, %dma_wait3A_143] : memref<2x2560x125xi32, #tpu.memory_space<hbm>> -> memref<1x1x125xi32, #tpu.memory_space<hbm>>
      %dma_wait3A_145 = tpu.memref_squeeze %dma_wait3A_144 : memref<1x1x125xi32, #tpu.memory_space<hbm>> -> memref<1x125xi32, #tpu.memory_space<hbm>>
      %dma_wait3A_146 = arith.constant 1 : i32
      %dma_wait3A_147 = arith.constant 0 : i32
      %dma_wait3A_148 = tpu.memref_slice %arg6[%dma_wait3A_146, %dma_wait3A_147] : memref<2x125xi32, #tpu.memory_space<vmem>> -> memref<1x125xi32, #tpu.memory_space<vmem>>
      %dma_wait3A_149 = arith.constant 0 : i32
      %dma_wait3A_150 = tpu.memref_slice %arg3[%dma_wait3A_139, %add3A_138, %dma_wait3A_149] : memref<2x2560x125xi32, #tpu.memory_space<hbm>> -> memref<1x1x125xi32, #tpu.memory_space<hbm>>
      %dma_wait3A_151 = tpu.memref_squeeze %dma_wait3A_150 : memref<1x1x125xi32, #tpu.memory_space<hbm>> -> memref<1x125xi32, #tpu.memory_space<hbm>>
      tpu.wait_dma2 semaphore(%arg14 : memref<!tpu.dma_semaphore, #tpu.memory_space<semaphore_mem>>) src(%dma_wait3A_151 : memref<1x125xi32, #tpu.memory_space<hbm>>) dst(%dma_wait3A_148 : memref<1x125xi32, #tpu.memory_space<vmem>>)
      %run_scoped3A_152 = arith.constant 1 : i32
      "tpu.region"() ({
        %run_scoped3A_161 = tpu.sem_alloc : memref<!tpu.dma_semaphore, #tpu.memory_space<semaphore_mem>>
        %dma_start3A_162 = arith.constant 125 : i32
        %dma_start3A_163 = arith.constant 0 : i32
        %dma_start3A_164 = tpu.memref_slice %arg7[%dma_start3A_162, %dma_start3A_163] : memref<250x128xf32, #tpu.memory_space<vmem>> -> memref<125x128xf32, #tpu.memory_space<vmem>>
        %dma_start3A_165 = arith.constant 0 : i32
        %dma_start3A_166 = tpu.memref_slice %arg6[%run_scoped3A_152, %dma_start3A_165] : memref<2x125xi32, #tpu.memory_space<vmem>> -> memref<1x125xi32, #tpu.memory_space<vmem>>
        %dma_start3A_167 = tpu.memref_squeeze %dma_start3A_166 : memref<1x125xi32, #tpu.memory_space<vmem>> -> memref<125xi32, #tpu.memory_space<vmem>>
        %dma_start3A_168 = arith.constant 0 : i32
        %dma_start3A_169 = arith.constant 0 : i32
        %dma_start3A_170 = tpu.memref_slice %arg8[%dma_start3A_168, %dma_start3A_169] : memref<10240x128xf32, #tpu.memory_space<vmem_shared>> -> memref<10240x128xf32, #tpu.memory_space<vmem_shared>>
        tpu.enqueue_indirect_dma source(%dma_start3A_164 : memref<125x128xf32, #tpu.memory_space<vmem>>) target(%dma_start3A_170 : memref<10240x128xf32, #tpu.memory_space<vmem_shared>>) offsets(%dma_start3A_167 : memref<125xi32, #tpu.memory_space<vmem>>) semaphore(%run_scoped3A_161 : memref<!tpu.dma_semaphore, #tpu.memory_space<semaphore_mem>>) {add = true}
        %dma_wait3A_171 = arith.constant 125 : i32
        %dma_wait3A_172 = arith.constant 0 : i32
        %dma_wait3A_173 = tpu.memref_slice %arg7[%dma_wait3A_171, %dma_wait3A_172] : memref<250x128xf32, #tpu.memory_space<vmem>> -> memref<125x128xf32, #tpu.memory_space<vmem>>
        %dma_wait3A_174 = arith.constant 0 : i32
        %dma_wait3A_175 = tpu.memref_slice %arg6[%run_scoped3A_152, %dma_wait3A_174] : memref<2x125xi32, #tpu.memory_space<vmem>> -> memref<1x125xi32, #tpu.memory_space<vmem>>
        %dma_wait3A_176 = tpu.memref_squeeze %dma_wait3A_175 : memref<1x125xi32, #tpu.memory_space<vmem>> -> memref<125xi32, #tpu.memory_space<vmem>>
        %dma_wait3A_177 = arith.constant 0 : i32
        %dma_wait3A_178 = arith.constant 0 : i32
        %dma_wait3A_179 = tpu.memref_slice %arg8[%dma_wait3A_177, %dma_wait3A_178] : memref<10240x128xf32, #tpu.memory_space<vmem_shared>> -> memref<10240x128xf32, #tpu.memory_space<vmem_shared>>
        tpu.wait_indirect_dma semaphore(%run_scoped3A_161 : memref<!tpu.dma_semaphore, #tpu.memory_space<semaphore_mem>>) src(%dma_wait3A_173 : memref<125x128xf32, #tpu.memory_space<vmem>>) dst(%dma_wait3A_179 : memref<10240x128xf32, #tpu.memory_space<vmem_shared>>)
        tpu.yield
      }) : () -> ()
      %add3A_153 = arith.constant 2 : i32
      %add3A_154 = arith.addi %add3A_128, %add3A_153 : i32
      %lt3A_155 = arith.constant 80 : i32
      %lt3A_156 = arith.cmpi slt, %add3A_154, %lt3A_155 : i32
      %convert_element_type3A_157 = arith.extui %lt3A_156 : i1 to i32
      %cond3A_158 = arith.constant 0 : i32
      %cond3A_159 = arith.cmpi ne, %convert_element_type3A_157, %cond3A_158 : i32
      scf.if %cond3A_159 {
        %add3A_161 = arith.constant 2 : i32
        %add3A_162 = arith.addi %add3A_128, %add3A_161 : i32
        %add3A_163 = arith.addi %mul3A_3, %add3A_162 : i32
        %dma_start3A_164 = arith.constant 1 : i32
        %dma_start3A_165 = arith.constant 1 : i32
        %dma_start3A_166 = arith.constant 0 : i32
        %dma_start3A_167 = tpu.memref_slice %arg6[%dma_start3A_165, %dma_start3A_166] : memref<2x125xi32, #tpu.memory_space<vmem>> -> memref<1x125xi32, #tpu.memory_space<vmem>>
        %dma_start3A_168 = arith.constant 0 : i32
        %dma_start3A_169 = tpu.memref_slice %arg3[%dma_start3A_164, %add3A_163, %dma_start3A_168] : memref<2x2560x125xi32, #tpu.memory_space<hbm>> -> memref<1x1x125xi32, #tpu.memory_space<hbm>>
        %dma_start3A_170 = tpu.memref_squeeze %dma_start3A_169 : memref<1x1x125xi32, #tpu.memory_space<hbm>> -> memref<1x125xi32, #tpu.memory_space<hbm>>
        %dma_start3A_171 = arith.constant 1 : i32
        %dma_start3A_172 = arith.constant 0 : i32
        %dma_start3A_173 = tpu.memref_slice %arg6[%dma_start3A_171, %dma_start3A_172] : memref<2x125xi32, #tpu.memory_space<vmem>> -> memref<1x125xi32, #tpu.memory_space<vmem>>
        %dma_start3A_174 = arith.constant 0 : i32
        %dma_start3A_175 = tpu.memref_slice %arg3[%dma_start3A_164, %add3A_163, %dma_start3A_174] : memref<2x2560x125xi32, #tpu.memory_space<hbm>> -> memref<1x1x125xi32, #tpu.memory_space<hbm>>
        %dma_start3A_176 = tpu.memref_squeeze %dma_start3A_175 : memref<1x1x125xi32, #tpu.memory_space<hbm>> -> memref<1x125xi32, #tpu.memory_space<hbm>>
        tpu.enqueue_dma source(%dma_start3A_176 : memref<1x125xi32, #tpu.memory_space<hbm>>) target(%dma_start3A_173 : memref<1x125xi32, #tpu.memory_space<vmem>>) target_semaphore(%arg14 : memref<!tpu.dma_semaphore, #tpu.memory_space<semaphore_mem>>)
        %add3A_177 = arith.constant 2 : i32
        %add3A_178 = arith.addi %add3A_128, %add3A_177 : i32
        %dma_start3A_179 = arith.constant 125 : i32
        %dma_start3A_180 = arith.constant 0 : i32
        %dma_start3A_181 = tpu.memref_slice %arg7[%dma_start3A_179, %dma_start3A_180] : memref<250x128xf32, #tpu.memory_space<vmem>> -> memref<125x128xf32, #tpu.memory_space<vmem>>
        %dma_start3A_182 = arith.constant 0 : i32
        %dma_start3A_183 = tpu.memref_slice %arg5[%add3A_178, %dma_start3A_182] : memref<80x125xi32, #tpu.memory_space<vmem>> -> memref<1x125xi32, #tpu.memory_space<vmem>>
        %dma_start3A_184 = tpu.memref_squeeze %dma_start3A_183 : memref<1x125xi32, #tpu.memory_space<vmem>> -> memref<125xi32, #tpu.memory_space<vmem>>
        %dma_start3A_185 = arith.constant 0 : i32
        %dma_start3A_186 = arith.constant 0 : i32
        %dma_start3A_187 = tpu.memref_slice %arg2[%dma_start3A_185, %dma_start3A_186] : memref<10000x128xf32, #tpu.memory_space<hbm>> -> memref<10000x128xf32, #tpu.memory_space<hbm>>
        tpu.enqueue_indirect_dma source(%dma_start3A_187 : memref<10000x128xf32, #tpu.memory_space<hbm>>) target(%dma_start3A_181 : memref<125x128xf32, #tpu.memory_space<vmem>>) offsets(%dma_start3A_184 : memref<125xi32, #tpu.memory_space<vmem>>) semaphore(%arg12 : memref<!tpu.dma_semaphore, #tpu.memory_space<semaphore_mem>>)
      } else {
      }
      %scan3A_160 = arith.constant 0 : i32
      scf.yield %scan3A_160 : i32
    }
    %scan3A_90 = arith.constant 40 : i32
    %barrier3A_91 = arith.constant 0 : index
    tpu.barrier barrier_id(%barrier3A_91)
    "tpu.region"() ({
      %run_scoped3A = tpu.sem_alloc : memref<!tpu.dma_semaphore, #tpu.memory_space<semaphore_mem>>
      %dma_start3A_92 = arith.constant 0 : i32
      %dma_start3A_93 = tpu.memref_slice %arg4[%arg0, %mul3A_17, %dma_start3A_92] : memref<2x10240x128xf32, #tpu.memory_space<hbm>> -> memref<1x640x128xf32, #tpu.memory_space<hbm>>
      %dma_start3A_94 = tpu.memref_squeeze %dma_start3A_93 : memref<1x640x128xf32, #tpu.memory_space<hbm>> -> memref<640x128xf32, #tpu.memory_space<hbm>>
      %dma_start3A_95 = arith.constant 0 : i32
      %dma_start3A_96 = tpu.memref_slice %arg8[%mul3A_17, %dma_start3A_95] : memref<10240x128xf32, #tpu.memory_space<vmem_shared>> -> memref<640x128xf32, #tpu.memory_space<vmem_shared>>
      tpu.enqueue_dma source(%dma_start3A_96 : memref<640x128xf32, #tpu.memory_space<vmem_shared>>) target(%dma_start3A_94 : memref<640x128xf32, #tpu.memory_space<hbm>>) target_semaphore(%run_scoped3A : memref<!tpu.dma_semaphore, #tpu.memory_space<semaphore_mem>>)
      %dma_wait3A_97 = arith.constant 0 : i32
      %dma_wait3A_98 = tpu.memref_slice %arg4[%arg0, %mul3A_17, %dma_wait3A_97] : memref<2x10240x128xf32, #tpu.memory_space<hbm>> -> memref<1x640x128xf32, #tpu.memory_space<hbm>>
      %dma_wait3A_99 = tpu.memref_squeeze %dma_wait3A_98 : memref<1x640x128xf32, #tpu.memory_space<hbm>> -> memref<640x128xf32, #tpu.memory_space<hbm>>
      %dma_wait3A_100 = arith.constant 0 : i32
      %dma_wait3A_101 = tpu.memref_slice %arg8[%mul3A_17, %dma_wait3A_100] : memref<10240x128xf32, #tpu.memory_space<vmem_shared>> -> memref<640x128xf32, #tpu.memory_space<vmem_shared>>
      tpu.wait_dma2 semaphore(%run_scoped3A : memref<!tpu.dma_semaphore, #tpu.memory_space<semaphore_mem>>) src(%dma_wait3A_101 : memref<640x128xf32, #tpu.memory_space<vmem_shared>>) dst(%dma_wait3A_99 : memref<640x128xf32, #tpu.memory_space<hbm>>)
      tpu.yield
    }) : () -> ()
    return
  }
}

#map = affine_map<(d0, d1) -> (0, 0)>
#map1 = affine_map<(d0, d1) -> (0, 0, 0)>
module attributes {stable_mosaic.version = 14 : i64} {
  func.func @edge_kernel(%arg0: i32, %arg1: i32, %arg2: memref<10000x64xf32, #tpu.memory_space<hbm>>, %arg3: memref<2x2560x125xi32, #tpu.memory_space<hbm>>, %arg4: memref<2x10240x64xf32, #tpu.memory_space<hbm>>, %arg5: memref<80x125xi32, #tpu.memory_space<vmem>>, %arg6: memref<80x125xi32, #tpu.memory_space<vmem>>, %arg7: memref<625x64xf32, #tpu.memory_space<vmem>>, %arg8: memref<10240x64xf32, #tpu.memory_space<vmem_shared>>, %arg9: memref<!tpu.dma_semaphore, #tpu.memory_space<semaphore_mem>>, %arg10: memref<!tpu.dma_semaphore, #tpu.memory_space<semaphore_mem>>, %arg11: memref<!tpu.dma_semaphore, #tpu.memory_space<semaphore_mem>>, %arg12: memref<!tpu.dma_semaphore, #tpu.memory_space<semaphore_mem>>, %arg13: memref<!tpu.dma_semaphore, #tpu.memory_space<semaphore_mem>>, %arg14: memref<!tpu.dma_semaphore, #tpu.memory_space<semaphore_mem>>, %arg15: memref<!tpu.dma_semaphore, #tpu.memory_space<semaphore_mem>>, %arg16: memref<!tpu.dma_semaphore, #tpu.memory_space<semaphore_mem>>, %arg17: memref<!tpu.dma_semaphore, #tpu.memory_space<semaphore_mem>>, %arg18: memref<!tpu.dma_semaphore, #tpu.memory_space<semaphore_mem>>, %arg19: memref<!tpu.dma_semaphore, #tpu.memory_space<semaphore_mem>>, %arg20: memref<!tpu.dma_semaphore, #tpu.memory_space<semaphore_mem>>) attributes {dimension_semantics = [#tpu.dimension_semantics<core_parallel>, #tpu.dimension_semantics<subcore_parallel>], iteration_bounds = array<i64: 2, 16>, scalar_prefetch = 0 : i64, scratch_operands = 16 : i64, tpu.core_type = #tpu.core_type<sc_vector_subcore>, window_params = [{transform_indices = #map}, {transform_indices = #map1}, {transform_indices = #map1}]} {
    %mul3A = arith.constant 2 : i32
    %mul3A_0 = arith.muli %arg1, %mul3A : i32
    %add3A = arith.addi %mul3A_0, %arg0 : i32
    %broadcast_in_dim3A = arith.constant 0.000000e+00 : f32
    %broadcast_in_dim3A_1 = vector.broadcast %broadcast_in_dim3A : f32 to vector<16xf32>
    %mul3A_2 = arith.constant 80 : i32
    %mul3A_3 = arith.muli %add3A, %mul3A_2 : i32
    %dma_start3A = arith.constant 0 : i32
    %dma_start3A_4 = arith.constant 0 : i32
    %dma_start3A_5 = tpu.memref_slice %arg3[%dma_start3A, %mul3A_3, %dma_start3A_4] : memref<2x2560x125xi32, #tpu.memory_space<hbm>> -> memref<1x80x125xi32, #tpu.memory_space<hbm>>
    %dma_start3A_6 = tpu.memref_squeeze %dma_start3A_5 : memref<1x80x125xi32, #tpu.memory_space<hbm>> -> memref<80x125xi32, #tpu.memory_space<hbm>>
    %dma_start3A_7 = arith.constant 0 : i32
    %dma_start3A_8 = tpu.memref_slice %arg3[%dma_start3A, %mul3A_3, %dma_start3A_7] : memref<2x2560x125xi32, #tpu.memory_space<hbm>> -> memref<1x80x125xi32, #tpu.memory_space<hbm>>
    %dma_start3A_9 = tpu.memref_squeeze %dma_start3A_8 : memref<1x80x125xi32, #tpu.memory_space<hbm>> -> memref<80x125xi32, #tpu.memory_space<hbm>>
    tpu.enqueue_dma source(%dma_start3A_9 : memref<80x125xi32, #tpu.memory_space<hbm>>) target(%arg5 : memref<80x125xi32, #tpu.memory_space<vmem>>) target_semaphore(%arg9 : memref<!tpu.dma_semaphore, #tpu.memory_space<semaphore_mem>>)
    %dma_start3A_10 = arith.constant 1 : i32
    %dma_start3A_11 = arith.constant 0 : i32
    %dma_start3A_12 = tpu.memref_slice %arg3[%dma_start3A_10, %mul3A_3, %dma_start3A_11] : memref<2x2560x125xi32, #tpu.memory_space<hbm>> -> memref<1x80x125xi32, #tpu.memory_space<hbm>>
    %dma_start3A_13 = tpu.memref_squeeze %dma_start3A_12 : memref<1x80x125xi32, #tpu.memory_space<hbm>> -> memref<80x125xi32, #tpu.memory_space<hbm>>
    %dma_start3A_14 = arith.constant 0 : i32
    %dma_start3A_15 = tpu.memref_slice %arg3[%dma_start3A_10, %mul3A_3, %dma_start3A_14] : memref<2x2560x125xi32, #tpu.memory_space<hbm>> -> memref<1x80x125xi32, #tpu.memory_space<hbm>>
    %dma_start3A_16 = tpu.memref_squeeze %dma_start3A_15 : memref<1x80x125xi32, #tpu.memory_space<hbm>> -> memref<80x125xi32, #tpu.memory_space<hbm>>
    tpu.enqueue_dma source(%dma_start3A_16 : memref<80x125xi32, #tpu.memory_space<hbm>>) target(%arg6 : memref<80x125xi32, #tpu.memory_space<vmem>>) target_semaphore(%arg10 : memref<!tpu.dma_semaphore, #tpu.memory_space<semaphore_mem>>)
    %scan3A = arith.constant 0 : i32
    %scan3A_17 = arith.constant 0 : i32
    %scan3A_18 = arith.constant 128 : i32
    %scan3A_19 = arith.addi %scan3A_17, %scan3A_18 : i32
    %scan3A_20 = arith.constant 1 : i32
    %scan3A_21 = scf.for %scan3A_106 = %scan3A_17 to %scan3A_19 step %scan3A_20 iter_args(%scan3A_107 = %scan3A) -> (i32)  : i32 {
      %swap3A = arith.index_cast %scan3A_106 : i32 to index
      %swap3A_108 = arith.constant 0 : index
      %swap3A_109 = tpu.vector_load %arg7[%swap3A, %swap3A_108] {strides = array<i32>} : memref<625x64xf32, #tpu.memory_space<vmem>>, vector<1x16xf32>,
      %swap3A_110 = vector.shape_cast %swap3A_109 : vector<1x16xf32> to vector<16xf32>
      %swap3A_111 = vector.shape_cast %broadcast_in_dim3A_1 : vector<16xf32> to vector<1x16xf32>
      tpu.vector_store %arg7[%swap3A, %swap3A_108], %swap3A_111 {strides = array<i32>} : memref<625x64xf32, #tpu.memory_space<vmem>>, vector<1x16xf32>,
      %swap3A_112 = arith.index_cast %scan3A_106 : i32 to index
      %swap3A_113 = arith.constant 16 : index
      %swap3A_114 = tpu.vector_load %arg7[%swap3A_112, %swap3A_113] {strides = array<i32>} : memref<625x64xf32, #tpu.memory_space<vmem>>, vector<1x16xf32>,
      %swap3A_115 = vector.shape_cast %swap3A_114 : vector<1x16xf32> to vector<16xf32>
      %swap3A_116 = vector.shape_cast %broadcast_in_dim3A_1 : vector<16xf32> to vector<1x16xf32>
      tpu.vector_store %arg7[%swap3A_112, %swap3A_113], %swap3A_116 {strides = array<i32>} : memref<625x64xf32, #tpu.memory_space<vmem>>, vector<1x16xf32>,
      %swap3A_117 = arith.index_cast %scan3A_106 : i32 to index
      %swap3A_118 = arith.constant 32 : index
      %swap3A_119 = tpu.vector_load %arg7[%swap3A_117, %swap3A_118] {strides = array<i32>} : memref<625x64xf32, #tpu.memory_space<vmem>>, vector<1x16xf32>,
      %swap3A_120 = vector.shape_cast %swap3A_119 : vector<1x16xf32> to vector<16xf32>
      %swap3A_121 = vector.shape_cast %broadcast_in_dim3A_1 : vector<16xf32> to vector<1x16xf32>
      tpu.vector_store %arg7[%swap3A_117, %swap3A_118], %swap3A_121 {strides = array<i32>} : memref<625x64xf32, #tpu.memory_space<vmem>>, vector<1x16xf32>,
      %swap3A_122 = arith.index_cast %scan3A_106 : i32 to index
      %swap3A_123 = arith.constant 48 : index
      %swap3A_124 = tpu.vector_load %arg7[%swap3A_122, %swap3A_123] {strides = array<i32>} : memref<625x64xf32, #tpu.memory_space<vmem>>, vector<1x16xf32>,
      %swap3A_125 = vector.shape_cast %swap3A_124 : vector<1x16xf32> to vector<16xf32>
      %swap3A_126 = vector.shape_cast %broadcast_in_dim3A_1 : vector<16xf32> to vector<1x16xf32>
      tpu.vector_store %arg7[%swap3A_122, %swap3A_123], %swap3A_126 {strides = array<i32>} : memref<625x64xf32, #tpu.memory_space<vmem>>, vector<1x16xf32>,
      %scan3A_127 = arith.constant 0 : i32
      scf.yield %scan3A_127 : i32
    }
    %scan3A_22 = arith.constant 128 : i32
    %mul3A_23 = arith.constant 640 : i32
    %mul3A_24 = arith.muli %arg1, %mul3A_23 : i32
    %add3A_25 = arith.constant 0 : i32
    %add3A_26 = arith.addi %mul3A_24, %add3A_25 : i32
    "tpu.region"() ({
      %run_scoped3A = tpu.sem_alloc : memref<!tpu.dma_semaphore, #tpu.memory_space<semaphore_mem>>
      %dma_start3A_106 = arith.constant 0 : i32
      %dma_start3A_107 = arith.constant 0 : i32
      %dma_start3A_108 = tpu.memref_slice %arg7[%dma_start3A_106, %dma_start3A_107] : memref<625x64xf32, #tpu.memory_space<vmem>> -> memref<128x64xf32, #tpu.memory_space<vmem>>
      %dma_start3A_109 = arith.constant 0 : i32
      %dma_start3A_110 = tpu.memref_slice %arg8[%add3A_26, %dma_start3A_109] : memref<10240x64xf32, #tpu.memory_space<vmem_shared>> -> memref<128x64xf32, #tpu.memory_space<vmem_shared>>
      %dma_start3A_111 = arith.constant 0 : i32
      %dma_start3A_112 = tpu.memref_slice %arg8[%add3A_26, %dma_start3A_111] : memref<10240x64xf32, #tpu.memory_space<vmem_shared>> -> memref<128x64xf32, #tpu.memory_space<vmem_shared>>
      %dma_start3A_113 = arith.constant 0 : i32
      %dma_start3A_114 = arith.constant 0 : i32
      %dma_start3A_115 = tpu.memref_slice %arg7[%dma_start3A_113, %dma_start3A_114] : memref<625x64xf32, #tpu.memory_space<vmem>> -> memref<128x64xf32, #tpu.memory_space<vmem>>
      tpu.enqueue_dma source(%dma_start3A_115 : memref<128x64xf32, #tpu.memory_space<vmem>>) target(%dma_start3A_112 : memref<128x64xf32, #tpu.memory_space<vmem_shared>>) target_semaphore(%run_scoped3A : memref<!tpu.dma_semaphore, #tpu.memory_space<semaphore_mem>>)
      %dma_wait3A_116 = arith.constant 0 : i32
      %dma_wait3A_117 = arith.constant 0 : i32
      %dma_wait3A_118 = tpu.memref_slice %arg7[%dma_wait3A_116, %dma_wait3A_117] : memref<625x64xf32, #tpu.memory_space<vmem>> -> memref<128x64xf32, #tpu.memory_space<vmem>>
      %dma_wait3A_119 = arith.constant 0 : i32
      %dma_wait3A_120 = tpu.memref_slice %arg8[%add3A_26, %dma_wait3A_119] : memref<10240x64xf32, #tpu.memory_space<vmem_shared>> -> memref<128x64xf32, #tpu.memory_space<vmem_shared>>
      %dma_wait3A_121 = arith.constant 0 : i32
      %dma_wait3A_122 = tpu.memref_slice %arg8[%add3A_26, %dma_wait3A_121] : memref<10240x64xf32, #tpu.memory_space<vmem_shared>> -> memref<128x64xf32, #tpu.memory_space<vmem_shared>>
      %dma_wait3A_123 = arith.constant 0 : i32
      %dma_wait3A_124 = arith.constant 0 : i32
      %dma_wait3A_125 = tpu.memref_slice %arg7[%dma_wait3A_123, %dma_wait3A_124] : memref<625x64xf32, #tpu.memory_space<vmem>> -> memref<128x64xf32, #tpu.memory_space<vmem>>
      tpu.wait_dma2 semaphore(%run_scoped3A : memref<!tpu.dma_semaphore, #tpu.memory_space<semaphore_mem>>) src(%dma_wait3A_125 : memref<128x64xf32, #tpu.memory_space<vmem>>) dst(%dma_wait3A_122 : memref<128x64xf32, #tpu.memory_space<vmem_shared>>)
      tpu.yield
    }) : () -> ()
    %add3A_27 = arith.constant 128 : i32
    %add3A_28 = arith.addi %mul3A_24, %add3A_27 : i32
    "tpu.region"() ({
      %run_scoped3A = tpu.sem_alloc : memref<!tpu.dma_semaphore, #tpu.memory_space<semaphore_mem>>
      %dma_start3A_106 = arith.constant 0 : i32
      %dma_start3A_107 = arith.constant 0 : i32
      %dma_start3A_108 = tpu.memref_slice %arg7[%dma_start3A_106, %dma_start3A_107] : memref<625x64xf32, #tpu.memory_space<vmem>> -> memref<128x64xf32, #tpu.memory_space<vmem>>
      %dma_start3A_109 = arith.constant 0 : i32
      %dma_start3A_110 = tpu.memref_slice %arg8[%add3A_28, %dma_start3A_109] : memref<10240x64xf32, #tpu.memory_space<vmem_shared>> -> memref<128x64xf32, #tpu.memory_space<vmem_shared>>
      %dma_start3A_111 = arith.constant 0 : i32
      %dma_start3A_112 = tpu.memref_slice %arg8[%add3A_28, %dma_start3A_111] : memref<10240x64xf32, #tpu.memory_space<vmem_shared>> -> memref<128x64xf32, #tpu.memory_space<vmem_shared>>
      %dma_start3A_113 = arith.constant 0 : i32
      %dma_start3A_114 = arith.constant 0 : i32
      %dma_start3A_115 = tpu.memref_slice %arg7[%dma_start3A_113, %dma_start3A_114] : memref<625x64xf32, #tpu.memory_space<vmem>> -> memref<128x64xf32, #tpu.memory_space<vmem>>
      tpu.enqueue_dma source(%dma_start3A_115 : memref<128x64xf32, #tpu.memory_space<vmem>>) target(%dma_start3A_112 : memref<128x64xf32, #tpu.memory_space<vmem_shared>>) target_semaphore(%run_scoped3A : memref<!tpu.dma_semaphore, #tpu.memory_space<semaphore_mem>>)
      %dma_wait3A_116 = arith.constant 0 : i32
      %dma_wait3A_117 = arith.constant 0 : i32
      %dma_wait3A_118 = tpu.memref_slice %arg7[%dma_wait3A_116, %dma_wait3A_117] : memref<625x64xf32, #tpu.memory_space<vmem>> -> memref<128x64xf32, #tpu.memory_space<vmem>>
      %dma_wait3A_119 = arith.constant 0 : i32
      %dma_wait3A_120 = tpu.memref_slice %arg8[%add3A_28, %dma_wait3A_119] : memref<10240x64xf32, #tpu.memory_space<vmem_shared>> -> memref<128x64xf32, #tpu.memory_space<vmem_shared>>
      %dma_wait3A_121 = arith.constant 0 : i32
      %dma_wait3A_122 = tpu.memref_slice %arg8[%add3A_28, %dma_wait3A_121] : memref<10240x64xf32, #tpu.memory_space<vmem_shared>> -> memref<128x64xf32, #tpu.memory_space<vmem_shared>>
      %dma_wait3A_123 = arith.constant 0 : i32
      %dma_wait3A_124 = arith.constant 0 : i32
      %dma_wait3A_125 = tpu.memref_slice %arg7[%dma_wait3A_123, %dma_wait3A_124] : memref<625x64xf32, #tpu.memory_space<vmem>> -> memref<128x64xf32, #tpu.memory_space<vmem>>
      tpu.wait_dma2 semaphore(%run_scoped3A : memref<!tpu.dma_semaphore, #tpu.memory_space<semaphore_mem>>) src(%dma_wait3A_125 : memref<128x64xf32, #tpu.memory_space<vmem>>) dst(%dma_wait3A_122 : memref<128x64xf32, #tpu.memory_space<vmem_shared>>)
      tpu.yield
    }) : () -> ()
    %add3A_29 = arith.constant 256 : i32
    %add3A_30 = arith.addi %mul3A_24, %add3A_29 : i32
    "tpu.region"() ({
      %run_scoped3A = tpu.sem_alloc : memref<!tpu.dma_semaphore, #tpu.memory_space<semaphore_mem>>
      %dma_start3A_106 = arith.constant 0 : i32
      %dma_start3A_107 = arith.constant 0 : i32
      %dma_start3A_108 = tpu.memref_slice %arg7[%dma_start3A_106, %dma_start3A_107] : memref<625x64xf32, #tpu.memory_space<vmem>> -> memref<128x64xf32, #tpu.memory_space<vmem>>
      %dma_start3A_109 = arith.constant 0 : i32
      %dma_start3A_110 = tpu.memref_slice %arg8[%add3A_30, %dma_start3A_109] : memref<10240x64xf32, #tpu.memory_space<vmem_shared>> -> memref<128x64xf32, #tpu.memory_space<vmem_shared>>
      %dma_start3A_111 = arith.constant 0 : i32
      %dma_start3A_112 = tpu.memref_slice %arg8[%add3A_30, %dma_start3A_111] : memref<10240x64xf32, #tpu.memory_space<vmem_shared>> -> memref<128x64xf32, #tpu.memory_space<vmem_shared>>
      %dma_start3A_113 = arith.constant 0 : i32
      %dma_start3A_114 = arith.constant 0 : i32
      %dma_start3A_115 = tpu.memref_slice %arg7[%dma_start3A_113, %dma_start3A_114] : memref<625x64xf32, #tpu.memory_space<vmem>> -> memref<128x64xf32, #tpu.memory_space<vmem>>
      tpu.enqueue_dma source(%dma_start3A_115 : memref<128x64xf32, #tpu.memory_space<vmem>>) target(%dma_start3A_112 : memref<128x64xf32, #tpu.memory_space<vmem_shared>>) target_semaphore(%run_scoped3A : memref<!tpu.dma_semaphore, #tpu.memory_space<semaphore_mem>>)
      %dma_wait3A_116 = arith.constant 0 : i32
      %dma_wait3A_117 = arith.constant 0 : i32
      %dma_wait3A_118 = tpu.memref_slice %arg7[%dma_wait3A_116, %dma_wait3A_117] : memref<625x64xf32, #tpu.memory_space<vmem>> -> memref<128x64xf32, #tpu.memory_space<vmem>>
      %dma_wait3A_119 = arith.constant 0 : i32
      %dma_wait3A_120 = tpu.memref_slice %arg8[%add3A_30, %dma_wait3A_119] : memref<10240x64xf32, #tpu.memory_space<vmem_shared>> -> memref<128x64xf32, #tpu.memory_space<vmem_shared>>
      %dma_wait3A_121 = arith.constant 0 : i32
      %dma_wait3A_122 = tpu.memref_slice %arg8[%add3A_30, %dma_wait3A_121] : memref<10240x64xf32, #tpu.memory_space<vmem_shared>> -> memref<128x64xf32, #tpu.memory_space<vmem_shared>>
      %dma_wait3A_123 = arith.constant 0 : i32
      %dma_wait3A_124 = arith.constant 0 : i32
      %dma_wait3A_125 = tpu.memref_slice %arg7[%dma_wait3A_123, %dma_wait3A_124] : memref<625x64xf32, #tpu.memory_space<vmem>> -> memref<128x64xf32, #tpu.memory_space<vmem>>
      tpu.wait_dma2 semaphore(%run_scoped3A : memref<!tpu.dma_semaphore, #tpu.memory_space<semaphore_mem>>) src(%dma_wait3A_125 : memref<128x64xf32, #tpu.memory_space<vmem>>) dst(%dma_wait3A_122 : memref<128x64xf32, #tpu.memory_space<vmem_shared>>)
      tpu.yield
    }) : () -> ()
    %add3A_31 = arith.constant 384 : i32
    %add3A_32 = arith.addi %mul3A_24, %add3A_31 : i32
    "tpu.region"() ({
      %run_scoped3A = tpu.sem_alloc : memref<!tpu.dma_semaphore, #tpu.memory_space<semaphore_mem>>
      %dma_start3A_106 = arith.constant 0 : i32
      %dma_start3A_107 = arith.constant 0 : i32
      %dma_start3A_108 = tpu.memref_slice %arg7[%dma_start3A_106, %dma_start3A_107] : memref<625x64xf32, #tpu.memory_space<vmem>> -> memref<128x64xf32, #tpu.memory_space<vmem>>
      %dma_start3A_109 = arith.constant 0 : i32
      %dma_start3A_110 = tpu.memref_slice %arg8[%add3A_32, %dma_start3A_109] : memref<10240x64xf32, #tpu.memory_space<vmem_shared>> -> memref<128x64xf32, #tpu.memory_space<vmem_shared>>
      %dma_start3A_111 = arith.constant 0 : i32
      %dma_start3A_112 = tpu.memref_slice %arg8[%add3A_32, %dma_start3A_111] : memref<10240x64xf32, #tpu.memory_space<vmem_shared>> -> memref<128x64xf32, #tpu.memory_space<vmem_shared>>
      %dma_start3A_113 = arith.constant 0 : i32
      %dma_start3A_114 = arith.constant 0 : i32
      %dma_start3A_115 = tpu.memref_slice %arg7[%dma_start3A_113, %dma_start3A_114] : memref<625x64xf32, #tpu.memory_space<vmem>> -> memref<128x64xf32, #tpu.memory_space<vmem>>
      tpu.enqueue_dma source(%dma_start3A_115 : memref<128x64xf32, #tpu.memory_space<vmem>>) target(%dma_start3A_112 : memref<128x64xf32, #tpu.memory_space<vmem_shared>>) target_semaphore(%run_scoped3A : memref<!tpu.dma_semaphore, #tpu.memory_space<semaphore_mem>>)
      %dma_wait3A_116 = arith.constant 0 : i32
      %dma_wait3A_117 = arith.constant 0 : i32
      %dma_wait3A_118 = tpu.memref_slice %arg7[%dma_wait3A_116, %dma_wait3A_117] : memref<625x64xf32, #tpu.memory_space<vmem>> -> memref<128x64xf32, #tpu.memory_space<vmem>>
      %dma_wait3A_119 = arith.constant 0 : i32
      %dma_wait3A_120 = tpu.memref_slice %arg8[%add3A_32, %dma_wait3A_119] : memref<10240x64xf32, #tpu.memory_space<vmem_shared>> -> memref<128x64xf32, #tpu.memory_space<vmem_shared>>
      %dma_wait3A_121 = arith.constant 0 : i32
      %dma_wait3A_122 = tpu.memref_slice %arg8[%add3A_32, %dma_wait3A_121] : memref<10240x64xf32, #tpu.memory_space<vmem_shared>> -> memref<128x64xf32, #tpu.memory_space<vmem_shared>>
      %dma_wait3A_123 = arith.constant 0 : i32
      %dma_wait3A_124 = arith.constant 0 : i32
      %dma_wait3A_125 = tpu.memref_slice %arg7[%dma_wait3A_123, %dma_wait3A_124] : memref<625x64xf32, #tpu.memory_space<vmem>> -> memref<128x64xf32, #tpu.memory_space<vmem>>
      tpu.wait_dma2 semaphore(%run_scoped3A : memref<!tpu.dma_semaphore, #tpu.memory_space<semaphore_mem>>) src(%dma_wait3A_125 : memref<128x64xf32, #tpu.memory_space<vmem>>) dst(%dma_wait3A_122 : memref<128x64xf32, #tpu.memory_space<vmem_shared>>)
      tpu.yield
    }) : () -> ()
    %add3A_33 = arith.constant 512 : i32
    %add3A_34 = arith.addi %mul3A_24, %add3A_33 : i32
    "tpu.region"() ({
      %run_scoped3A = tpu.sem_alloc : memref<!tpu.dma_semaphore, #tpu.memory_space<semaphore_mem>>
      %dma_start3A_106 = arith.constant 0 : i32
      %dma_start3A_107 = arith.constant 0 : i32
      %dma_start3A_108 = tpu.memref_slice %arg7[%dma_start3A_106, %dma_start3A_107] : memref<625x64xf32, #tpu.memory_space<vmem>> -> memref<128x64xf32, #tpu.memory_space<vmem>>
      %dma_start3A_109 = arith.constant 0 : i32
      %dma_start3A_110 = tpu.memref_slice %arg8[%add3A_34, %dma_start3A_109] : memref<10240x64xf32, #tpu.memory_space<vmem_shared>> -> memref<128x64xf32, #tpu.memory_space<vmem_shared>>
      %dma_start3A_111 = arith.constant 0 : i32
      %dma_start3A_112 = tpu.memref_slice %arg8[%add3A_34, %dma_start3A_111] : memref<10240x64xf32, #tpu.memory_space<vmem_shared>> -> memref<128x64xf32, #tpu.memory_space<vmem_shared>>
      %dma_start3A_113 = arith.constant 0 : i32
      %dma_start3A_114 = arith.constant 0 : i32
      %dma_start3A_115 = tpu.memref_slice %arg7[%dma_start3A_113, %dma_start3A_114] : memref<625x64xf32, #tpu.memory_space<vmem>> -> memref<128x64xf32, #tpu.memory_space<vmem>>
      tpu.enqueue_dma source(%dma_start3A_115 : memref<128x64xf32, #tpu.memory_space<vmem>>) target(%dma_start3A_112 : memref<128x64xf32, #tpu.memory_space<vmem_shared>>) target_semaphore(%run_scoped3A : memref<!tpu.dma_semaphore, #tpu.memory_space<semaphore_mem>>)
      %dma_wait3A_116 = arith.constant 0 : i32
      %dma_wait3A_117 = arith.constant 0 : i32
      %dma_wait3A_118 = tpu.memref_slice %arg7[%dma_wait3A_116, %dma_wait3A_117] : memref<625x64xf32, #tpu.memory_space<vmem>> -> memref<128x64xf32, #tpu.memory_space<vmem>>
      %dma_wait3A_119 = arith.constant 0 : i32
      %dma_wait3A_120 = tpu.memref_slice %arg8[%add3A_34, %dma_wait3A_119] : memref<10240x64xf32, #tpu.memory_space<vmem_shared>> -> memref<128x64xf32, #tpu.memory_space<vmem_shared>>
      %dma_wait3A_121 = arith.constant 0 : i32
      %dma_wait3A_122 = tpu.memref_slice %arg8[%add3A_34, %dma_wait3A_121] : memref<10240x64xf32, #tpu.memory_space<vmem_shared>> -> memref<128x64xf32, #tpu.memory_space<vmem_shared>>
      %dma_wait3A_123 = arith.constant 0 : i32
      %dma_wait3A_124 = arith.constant 0 : i32
      %dma_wait3A_125 = tpu.memref_slice %arg7[%dma_wait3A_123, %dma_wait3A_124] : memref<625x64xf32, #tpu.memory_space<vmem>> -> memref<128x64xf32, #tpu.memory_space<vmem>>
      tpu.wait_dma2 semaphore(%run_scoped3A : memref<!tpu.dma_semaphore, #tpu.memory_space<semaphore_mem>>) src(%dma_wait3A_125 : memref<128x64xf32, #tpu.memory_space<vmem>>) dst(%dma_wait3A_122 : memref<128x64xf32, #tpu.memory_space<vmem_shared>>)
      tpu.yield
    }) : () -> ()
    %dma_wait3A = arith.constant 0 : i32
    %dma_wait3A_35 = arith.constant 0 : i32
    %dma_wait3A_36 = tpu.memref_slice %arg3[%dma_wait3A, %mul3A_3, %dma_wait3A_35] : memref<2x2560x125xi32, #tpu.memory_space<hbm>> -> memref<1x80x125xi32, #tpu.memory_space<hbm>>
    %dma_wait3A_37 = tpu.memref_squeeze %dma_wait3A_36 : memref<1x80x125xi32, #tpu.memory_space<hbm>> -> memref<80x125xi32, #tpu.memory_space<hbm>>
    %dma_wait3A_38 = arith.constant 0 : i32
    %dma_wait3A_39 = tpu.memref_slice %arg3[%dma_wait3A, %mul3A_3, %dma_wait3A_38] : memref<2x2560x125xi32, #tpu.memory_space<hbm>> -> memref<1x80x125xi32, #tpu.memory_space<hbm>>
    %dma_wait3A_40 = tpu.memref_squeeze %dma_wait3A_39 : memref<1x80x125xi32, #tpu.memory_space<hbm>> -> memref<80x125xi32, #tpu.memory_space<hbm>>
    tpu.wait_dma2 semaphore(%arg9 : memref<!tpu.dma_semaphore, #tpu.memory_space<semaphore_mem>>) src(%dma_wait3A_40 : memref<80x125xi32, #tpu.memory_space<hbm>>) dst(%arg5 : memref<80x125xi32, #tpu.memory_space<vmem>>)
    %dma_wait3A_41 = arith.constant 1 : i32
    %dma_wait3A_42 = arith.constant 0 : i32
    %dma_wait3A_43 = tpu.memref_slice %arg3[%dma_wait3A_41, %mul3A_3, %dma_wait3A_42] : memref<2x2560x125xi32, #tpu.memory_space<hbm>> -> memref<1x80x125xi32, #tpu.memory_space<hbm>>
    %dma_wait3A_44 = tpu.memref_squeeze %dma_wait3A_43 : memref<1x80x125xi32, #tpu.memory_space<hbm>> -> memref<80x125xi32, #tpu.memory_space<hbm>>
    %dma_wait3A_45 = arith.constant 0 : i32
    %dma_wait3A_46 = tpu.memref_slice %arg3[%dma_wait3A_41, %mul3A_3, %dma_wait3A_45] : memref<2x2560x125xi32, #tpu.memory_space<hbm>> -> memref<1x80x125xi32, #tpu.memory_space<hbm>>
    %dma_wait3A_47 = tpu.memref_squeeze %dma_wait3A_46 : memref<1x80x125xi32, #tpu.memory_space<hbm>> -> memref<80x125xi32, #tpu.memory_space<hbm>>
    tpu.wait_dma2 semaphore(%arg10 : memref<!tpu.dma_semaphore, #tpu.memory_space<semaphore_mem>>) src(%dma_wait3A_47 : memref<80x125xi32, #tpu.memory_space<hbm>>) dst(%arg6 : memref<80x125xi32, #tpu.memory_space<vmem>>)
    %barrier3A = arith.constant 0 : index
    tpu.barrier barrier_id(%barrier3A)
    %dma_start3A_48 = arith.constant 0 : i32
    %dma_start3A_49 = arith.constant 0 : i32
    %dma_start3A_50 = arith.constant 0 : i32
    %dma_start3A_51 = tpu.memref_slice %arg7[%dma_start3A_49, %dma_start3A_50] : memref<625x64xf32, #tpu.memory_space<vmem>> -> memref<125x64xf32, #tpu.memory_space<vmem>>
    %dma_start3A_52 = arith.constant 0 : i32
    %dma_start3A_53 = tpu.memref_slice %arg5[%dma_start3A_48, %dma_start3A_52] : memref<80x125xi32, #tpu.memory_space<vmem>> -> memref<1x125xi32, #tpu.memory_space<vmem>>
    %dma_start3A_54 = tpu.memref_squeeze %dma_start3A_53 : memref<1x125xi32, #tpu.memory_space<vmem>> -> memref<125xi32, #tpu.memory_space<vmem>>
    %dma_start3A_55 = arith.constant 0 : i32
    %dma_start3A_56 = arith.constant 0 : i32
    %dma_start3A_57 = tpu.memref_slice %arg2[%dma_start3A_55, %dma_start3A_56] : memref<10000x64xf32, #tpu.memory_space<hbm>> -> memref<10000x64xf32, #tpu.memory_space<hbm>>
    tpu.enqueue_indirect_dma source(%dma_start3A_57 : memref<10000x64xf32, #tpu.memory_space<hbm>>) target(%dma_start3A_51 : memref<125x64xf32, #tpu.memory_space<vmem>>) offsets(%dma_start3A_54 : memref<125xi32, #tpu.memory_space<vmem>>) semaphore(%arg11 : memref<!tpu.dma_semaphore, #tpu.memory_space<semaphore_mem>>)
    %dma_start3A_58 = arith.constant 1 : i32
    %dma_start3A_59 = arith.constant 125 : i32
    %dma_start3A_60 = arith.constant 0 : i32
    %dma_start3A_61 = tpu.memref_slice %arg7[%dma_start3A_59, %dma_start3A_60] : memref<625x64xf32, #tpu.memory_space<vmem>> -> memref<125x64xf32, #tpu.memory_space<vmem>>
    %dma_start3A_62 = arith.constant 0 : i32
    %dma_start3A_63 = tpu.memref_slice %arg5[%dma_start3A_58, %dma_start3A_62] : memref<80x125xi32, #tpu.memory_space<vmem>> -> memref<1x125xi32, #tpu.memory_space<vmem>>
    %dma_start3A_64 = tpu.memref_squeeze %dma_start3A_63 : memref<1x125xi32, #tpu.memory_space<vmem>> -> memref<125xi32, #tpu.memory_space<vmem>>
    %dma_start3A_65 = arith.constant 0 : i32
    %dma_start3A_66 = arith.constant 0 : i32
    %dma_start3A_67 = tpu.memref_slice %arg2[%dma_start3A_65, %dma_start3A_66] : memref<10000x64xf32, #tpu.memory_space<hbm>> -> memref<10000x64xf32, #tpu.memory_space<hbm>>
    tpu.enqueue_indirect_dma source(%dma_start3A_67 : memref<10000x64xf32, #tpu.memory_space<hbm>>) target(%dma_start3A_61 : memref<125x64xf32, #tpu.memory_space<vmem>>) offsets(%dma_start3A_64 : memref<125xi32, #tpu.memory_space<vmem>>) semaphore(%arg12 : memref<!tpu.dma_semaphore, #tpu.memory_space<semaphore_mem>>)
    %dma_start3A_68 = arith.constant 2 : i32
    %dma_start3A_69 = arith.constant 250 : i32
    %dma_start3A_70 = arith.constant 0 : i32
    %dma_start3A_71 = tpu.memref_slice %arg7[%dma_start3A_69, %dma_start3A_70] : memref<625x64xf32, #tpu.memory_space<vmem>> -> memref<125x64xf32, #tpu.memory_space<vmem>>
    %dma_start3A_72 = arith.constant 0 : i32
    %dma_start3A_73 = tpu.memref_slice %arg5[%dma_start3A_68, %dma_start3A_72] : memref<80x125xi32, #tpu.memory_space<vmem>> -> memref<1x125xi32, #tpu.memory_space<vmem>>
    %dma_start3A_74 = tpu.memref_squeeze %dma_start3A_73 : memref<1x125xi32, #tpu.memory_space<vmem>> -> memref<125xi32, #tpu.memory_space<vmem>>
    %dma_start3A_75 = arith.constant 0 : i32
    %dma_start3A_76 = arith.constant 0 : i32
    %dma_start3A_77 = tpu.memref_slice %arg2[%dma_start3A_75, %dma_start3A_76] : memref<10000x64xf32, #tpu.memory_space<hbm>> -> memref<10000x64xf32, #tpu.memory_space<hbm>>
    tpu.enqueue_indirect_dma source(%dma_start3A_77 : memref<10000x64xf32, #tpu.memory_space<hbm>>) target(%dma_start3A_71 : memref<125x64xf32, #tpu.memory_space<vmem>>) offsets(%dma_start3A_74 : memref<125xi32, #tpu.memory_space<vmem>>) semaphore(%arg13 : memref<!tpu.dma_semaphore, #tpu.memory_space<semaphore_mem>>)
    %dma_start3A_78 = arith.constant 3 : i32
    %dma_start3A_79 = arith.constant 375 : i32
    %dma_start3A_80 = arith.constant 0 : i32
    %dma_start3A_81 = tpu.memref_slice %arg7[%dma_start3A_79, %dma_start3A_80] : memref<625x64xf32, #tpu.memory_space<vmem>> -> memref<125x64xf32, #tpu.memory_space<vmem>>
    %dma_start3A_82 = arith.constant 0 : i32
    %dma_start3A_83 = tpu.memref_slice %arg5[%dma_start3A_78, %dma_start3A_82] : memref<80x125xi32, #tpu.memory_space<vmem>> -> memref<1x125xi32, #tpu.memory_space<vmem>>
    %dma_start3A_84 = tpu.memref_squeeze %dma_start3A_83 : memref<1x125xi32, #tpu.memory_space<vmem>> -> memref<125xi32, #tpu.memory_space<vmem>>
    %dma_start3A_85 = arith.constant 0 : i32
    %dma_start3A_86 = arith.constant 0 : i32
    %dma_start3A_87 = tpu.memref_slice %arg2[%dma_start3A_85, %dma_start3A_86] : memref<10000x64xf32, #tpu.memory_space<hbm>> -> memref<10000x64xf32, #tpu.memory_space<hbm>>
    tpu.enqueue_indirect_dma source(%dma_start3A_87 : memref<10000x64xf32, #tpu.memory_space<hbm>>) target(%dma_start3A_81 : memref<125x64xf32, #tpu.memory_space<vmem>>) offsets(%dma_start3A_84 : memref<125xi32, #tpu.memory_space<vmem>>) semaphore(%arg14 : memref<!tpu.dma_semaphore, #tpu.memory_space<semaphore_mem>>)
    %dma_start3A_88 = arith.constant 4 : i32
    %dma_start3A_89 = arith.constant 500 : i32
    %dma_start3A_90 = arith.constant 0 : i32
    %dma_start3A_91 = tpu.memref_slice %arg7[%dma_start3A_89, %dma_start3A_90] : memref<625x64xf32, #tpu.memory_space<vmem>> -> memref<125x64xf32, #tpu.memory_space<vmem>>
    %dma_start3A_92 = arith.constant 0 : i32
    %dma_start3A_93 = tpu.memref_slice %arg5[%dma_start3A_88, %dma_start3A_92] : memref<80x125xi32, #tpu.memory_space<vmem>> -> memref<1x125xi32, #tpu.memory_space<vmem>>
    %dma_start3A_94 = tpu.memref_squeeze %dma_start3A_93 : memref<1x125xi32, #tpu.memory_space<vmem>> -> memref<125xi32, #tpu.memory_space<vmem>>
    %dma_start3A_95 = arith.constant 0 : i32
    %dma_start3A_96 = arith.constant 0 : i32
    %dma_start3A_97 = tpu.memref_slice %arg2[%dma_start3A_95, %dma_start3A_96] : memref<10000x64xf32, #tpu.memory_space<hbm>> -> memref<10000x64xf32, #tpu.memory_space<hbm>>
    tpu.enqueue_indirect_dma source(%dma_start3A_97 : memref<10000x64xf32, #tpu.memory_space<hbm>>) target(%dma_start3A_91 : memref<125x64xf32, #tpu.memory_space<vmem>>) offsets(%dma_start3A_94 : memref<125xi32, #tpu.memory_space<vmem>>) semaphore(%arg15 : memref<!tpu.dma_semaphore, #tpu.memory_space<semaphore_mem>>)
    %scan3A_98 = arith.constant 0 : i32
    %scan3A_99 = arith.constant 0 : i32
    %scan3A_100 = arith.constant 16 : i32
    %scan3A_101 = arith.addi %scan3A_99, %scan3A_100 : i32
    %scan3A_102 = arith.constant 1 : i32
    %scan3A_103 = scf.for %scan3A_106 = %scan3A_99 to %scan3A_101 step %scan3A_102 iter_args(%scan3A_107 = %scan3A_98) -> (i32)  : i32 {
      %mul3A_108 = arith.constant 5 : i32
      %mul3A_109 = arith.muli %scan3A_106, %mul3A_108 : i32
      %add3A_110 = arith.constant 0 : i32
      %add3A_111 = arith.addi %mul3A_109, %add3A_110 : i32
      %dma_wait3A_112 = arith.constant 0 : i32
      %dma_wait3A_113 = arith.constant 0 : i32
      %dma_wait3A_114 = tpu.memref_slice %arg7[%dma_wait3A_112, %dma_wait3A_113] : memref<625x64xf32, #tpu.memory_space<vmem>> -> memref<125x64xf32, #tpu.memory_space<vmem>>
      %dma_wait3A_115 = arith.constant 0 : i32
      %dma_wait3A_116 = tpu.memref_slice %arg5[%add3A_111, %dma_wait3A_115] : memref<80x125xi32, #tpu.memory_space<vmem>> -> memref<1x125xi32, #tpu.memory_space<vmem>>
      %dma_wait3A_117 = tpu.memref_squeeze %dma_wait3A_116 : memref<1x125xi32, #tpu.memory_space<vmem>> -> memref<125xi32, #tpu.memory_space<vmem>>
      %dma_wait3A_118 = arith.constant 0 : i32
      %dma_wait3A_119 = arith.constant 0 : i32
      %dma_wait3A_120 = tpu.memref_slice %arg2[%dma_wait3A_118, %dma_wait3A_119] : memref<10000x64xf32, #tpu.memory_space<hbm>> -> memref<10000x64xf32, #tpu.memory_space<hbm>>
      tpu.wait_indirect_dma semaphore(%arg11 : memref<!tpu.dma_semaphore, #tpu.memory_space<semaphore_mem>>) src(%dma_wait3A_120 : memref<10000x64xf32, #tpu.memory_space<hbm>>) dst(%dma_wait3A_114 : memref<125x64xf32, #tpu.memory_space<vmem>>)
      "tpu.region"() ({
        %run_scoped3A = tpu.sem_alloc : memref<!tpu.dma_semaphore, #tpu.memory_space<semaphore_mem>>
        %dma_start3A_206 = arith.constant 0 : i32
        %dma_start3A_207 = arith.constant 0 : i32
        %dma_start3A_208 = tpu.memref_slice %arg7[%dma_start3A_206, %dma_start3A_207] : memref<625x64xf32, #tpu.memory_space<vmem>> -> memref<125x64xf32, #tpu.memory_space<vmem>>
        %dma_start3A_209 = arith.constant 0 : i32
        %dma_start3A_210 = tpu.memref_slice %arg6[%add3A_111, %dma_start3A_209] : memref<80x125xi32, #tpu.memory_space<vmem>> -> memref<1x125xi32, #tpu.memory_space<vmem>>
        %dma_start3A_211 = tpu.memref_squeeze %dma_start3A_210 : memref<1x125xi32, #tpu.memory_space<vmem>> -> memref<125xi32, #tpu.memory_space<vmem>>
        %dma_start3A_212 = arith.constant 0 : i32
        %dma_start3A_213 = arith.constant 0 : i32
        %dma_start3A_214 = tpu.memref_slice %arg8[%dma_start3A_212, %dma_start3A_213] : memref<10240x64xf32, #tpu.memory_space<vmem_shared>> -> memref<10240x64xf32, #tpu.memory_space<vmem_shared>>
        tpu.enqueue_indirect_dma source(%dma_start3A_208 : memref<125x64xf32, #tpu.memory_space<vmem>>) target(%dma_start3A_214 : memref<10240x64xf32, #tpu.memory_space<vmem_shared>>) offsets(%dma_start3A_211 : memref<125xi32, #tpu.memory_space<vmem>>) semaphore(%run_scoped3A : memref<!tpu.dma_semaphore, #tpu.memory_space<semaphore_mem>>) {add = true}
        %dma_wait3A_215 = arith.constant 0 : i32
        %dma_wait3A_216 = arith.constant 0 : i32
        %dma_wait3A_217 = tpu.memref_slice %arg7[%dma_wait3A_215, %dma_wait3A_216] : memref<625x64xf32, #tpu.memory_space<vmem>> -> memref<125x64xf32, #tpu.memory_space<vmem>>
        %dma_wait3A_218 = arith.constant 0 : i32
        %dma_wait3A_219 = tpu.memref_slice %arg6[%add3A_111, %dma_wait3A_218] : memref<80x125xi32, #tpu.memory_space<vmem>> -> memref<1x125xi32, #tpu.memory_space<vmem>>
        %dma_wait3A_220 = tpu.memref_squeeze %dma_wait3A_219 : memref<1x125xi32, #tpu.memory_space<vmem>> -> memref<125xi32, #tpu.memory_space<vmem>>
        %dma_wait3A_221 = arith.constant 0 : i32
        %dma_wait3A_222 = arith.constant 0 : i32
        %dma_wait3A_223 = tpu.memref_slice %arg8[%dma_wait3A_221, %dma_wait3A_222] : memref<10240x64xf32, #tpu.memory_space<vmem_shared>> -> memref<10240x64xf32, #tpu.memory_space<vmem_shared>>
        tpu.wait_indirect_dma semaphore(%run_scoped3A : memref<!tpu.dma_semaphore, #tpu.memory_space<semaphore_mem>>) src(%dma_wait3A_217 : memref<125x64xf32, #tpu.memory_space<vmem>>) dst(%dma_wait3A_223 : memref<10240x64xf32, #tpu.memory_space<vmem_shared>>)
        tpu.yield
      }) : () -> ()
      %add3A_121 = arith.constant 5 : i32
      %add3A_122 = arith.addi %add3A_111, %add3A_121 : i32
      %lt3A = arith.constant 80 : i32
      %lt3A_123 = arith.cmpi slt, %add3A_122, %lt3A : i32
      %convert_element_type3A = arith.extui %lt3A_123 : i1 to i32
      %cond3A = arith.constant 0 : i32
      %cond3A_124 = arith.cmpi ne, %convert_element_type3A, %cond3A : i32
      scf.if %cond3A_124 {
        %add3A_206 = arith.constant 5 : i32
        %add3A_207 = arith.addi %add3A_111, %add3A_206 : i32
        %add3A_208 = arith.constant 5 : i32
        %add3A_209 = arith.addi %add3A_111, %add3A_208 : i32
        %dma_start3A_210 = arith.constant 0 : i32
        %dma_start3A_211 = arith.constant 0 : i32
        %dma_start3A_212 = tpu.memref_slice %arg7[%dma_start3A_210, %dma_start3A_211] : memref<625x64xf32, #tpu.memory_space<vmem>> -> memref<125x64xf32, #tpu.memory_space<vmem>>
        %dma_start3A_213 = arith.constant 0 : i32
        %dma_start3A_214 = tpu.memref_slice %arg5[%add3A_209, %dma_start3A_213] : memref<80x125xi32, #tpu.memory_space<vmem>> -> memref<1x125xi32, #tpu.memory_space<vmem>>
        %dma_start3A_215 = tpu.memref_squeeze %dma_start3A_214 : memref<1x125xi32, #tpu.memory_space<vmem>> -> memref<125xi32, #tpu.memory_space<vmem>>
        %dma_start3A_216 = arith.constant 0 : i32
        %dma_start3A_217 = arith.constant 0 : i32
        %dma_start3A_218 = tpu.memref_slice %arg2[%dma_start3A_216, %dma_start3A_217] : memref<10000x64xf32, #tpu.memory_space<hbm>> -> memref<10000x64xf32, #tpu.memory_space<hbm>>
        tpu.enqueue_indirect_dma source(%dma_start3A_218 : memref<10000x64xf32, #tpu.memory_space<hbm>>) target(%dma_start3A_212 : memref<125x64xf32, #tpu.memory_space<vmem>>) offsets(%dma_start3A_215 : memref<125xi32, #tpu.memory_space<vmem>>) semaphore(%arg11 : memref<!tpu.dma_semaphore, #tpu.memory_space<semaphore_mem>>)
      } else {
      }
      %mul3A_125 = arith.constant 5 : i32
      %mul3A_126 = arith.muli %scan3A_106, %mul3A_125 : i32
      %add3A_127 = arith.constant 1 : i32
      %add3A_128 = arith.addi %mul3A_126, %add3A_127 : i32
      %dma_wait3A_129 = arith.constant 125 : i32
      %dma_wait3A_130 = arith.constant 0 : i32
      %dma_wait3A_131 = tpu.memref_slice %arg7[%dma_wait3A_129, %dma_wait3A_130] : memref<625x64xf32, #tpu.memory_space<vmem>> -> memref<125x64xf32, #tpu.memory_space<vmem>>
      %dma_wait3A_132 = arith.constant 0 : i32
      %dma_wait3A_133 = tpu.memref_slice %arg5[%add3A_128, %dma_wait3A_132] : memref<80x125xi32, #tpu.memory_space<vmem>> -> memref<1x125xi32, #tpu.memory_space<vmem>>
      %dma_wait3A_134 = tpu.memref_squeeze %dma_wait3A_133 : memref<1x125xi32, #tpu.memory_space<vmem>> -> memref<125xi32, #tpu.memory_space<vmem>>
      %dma_wait3A_135 = arith.constant 0 : i32
      %dma_wait3A_136 = arith.constant 0 : i32
      %dma_wait3A_137 = tpu.memref_slice %arg2[%dma_wait3A_135, %dma_wait3A_136] : memref<10000x64xf32, #tpu.memory_space<hbm>> -> memref<10000x64xf32, #tpu.memory_space<hbm>>
      tpu.wait_indirect_dma semaphore(%arg12 : memref<!tpu.dma_semaphore, #tpu.memory_space<semaphore_mem>>) src(%dma_wait3A_137 : memref<10000x64xf32, #tpu.memory_space<hbm>>) dst(%dma_wait3A_131 : memref<125x64xf32, #tpu.memory_space<vmem>>)
      "tpu.region"() ({
        %run_scoped3A = tpu.sem_alloc : memref<!tpu.dma_semaphore, #tpu.memory_space<semaphore_mem>>
        %dma_start3A_206 = arith.constant 125 : i32
        %dma_start3A_207 = arith.constant 0 : i32
        %dma_start3A_208 = tpu.memref_slice %arg7[%dma_start3A_206, %dma_start3A_207] : memref<625x64xf32, #tpu.memory_space<vmem>> -> memref<125x64xf32, #tpu.memory_space<vmem>>
        %dma_start3A_209 = arith.constant 0 : i32
        %dma_start3A_210 = tpu.memref_slice %arg6[%add3A_128, %dma_start3A_209] : memref<80x125xi32, #tpu.memory_space<vmem>> -> memref<1x125xi32, #tpu.memory_space<vmem>>
        %dma_start3A_211 = tpu.memref_squeeze %dma_start3A_210 : memref<1x125xi32, #tpu.memory_space<vmem>> -> memref<125xi32, #tpu.memory_space<vmem>>
        %dma_start3A_212 = arith.constant 0 : i32
        %dma_start3A_213 = arith.constant 0 : i32
        %dma_start3A_214 = tpu.memref_slice %arg8[%dma_start3A_212, %dma_start3A_213] : memref<10240x64xf32, #tpu.memory_space<vmem_shared>> -> memref<10240x64xf32, #tpu.memory_space<vmem_shared>>
        tpu.enqueue_indirect_dma source(%dma_start3A_208 : memref<125x64xf32, #tpu.memory_space<vmem>>) target(%dma_start3A_214 : memref<10240x64xf32, #tpu.memory_space<vmem_shared>>) offsets(%dma_start3A_211 : memref<125xi32, #tpu.memory_space<vmem>>) semaphore(%run_scoped3A : memref<!tpu.dma_semaphore, #tpu.memory_space<semaphore_mem>>) {add = true}
        %dma_wait3A_215 = arith.constant 125 : i32
        %dma_wait3A_216 = arith.constant 0 : i32
        %dma_wait3A_217 = tpu.memref_slice %arg7[%dma_wait3A_215, %dma_wait3A_216] : memref<625x64xf32, #tpu.memory_space<vmem>> -> memref<125x64xf32, #tpu.memory_space<vmem>>
        %dma_wait3A_218 = arith.constant 0 : i32
        %dma_wait3A_219 = tpu.memref_slice %arg6[%add3A_128, %dma_wait3A_218] : memref<80x125xi32, #tpu.memory_space<vmem>> -> memref<1x125xi32, #tpu.memory_space<vmem>>
        %dma_wait3A_220 = tpu.memref_squeeze %dma_wait3A_219 : memref<1x125xi32, #tpu.memory_space<vmem>> -> memref<125xi32, #tpu.memory_space<vmem>>
        %dma_wait3A_221 = arith.constant 0 : i32
        %dma_wait3A_222 = arith.constant 0 : i32
        %dma_wait3A_223 = tpu.memref_slice %arg8[%dma_wait3A_221, %dma_wait3A_222] : memref<10240x64xf32, #tpu.memory_space<vmem_shared>> -> memref<10240x64xf32, #tpu.memory_space<vmem_shared>>
        tpu.wait_indirect_dma semaphore(%run_scoped3A : memref<!tpu.dma_semaphore, #tpu.memory_space<semaphore_mem>>) src(%dma_wait3A_217 : memref<125x64xf32, #tpu.memory_space<vmem>>) dst(%dma_wait3A_223 : memref<10240x64xf32, #tpu.memory_space<vmem_shared>>)
        tpu.yield
      }) : () -> ()
      %add3A_138 = arith.constant 5 : i32
      %add3A_139 = arith.addi %add3A_128, %add3A_138 : i32
      %lt3A_140 = arith.constant 80 : i32
      %lt3A_141 = arith.cmpi slt, %add3A_139, %lt3A_140 : i32
      %convert_element_type3A_142 = arith.extui %lt3A_141 : i1 to i32
      %cond3A_143 = arith.constant 0 : i32
      %cond3A_144 = arith.cmpi ne, %convert_element_type3A_142, %cond3A_143 : i32
      scf.if %cond3A_144 {
        %add3A_206 = arith.constant 5 : i32
        %add3A_207 = arith.addi %add3A_128, %add3A_206 : i32
        %add3A_208 = arith.constant 5 : i32
        %add3A_209 = arith.addi %add3A_128, %add3A_208 : i32
        %dma_start3A_210 = arith.constant 125 : i32
        %dma_start3A_211 = arith.constant 0 : i32
        %dma_start3A_212 = tpu.memref_slice %arg7[%dma_start3A_210, %dma_start3A_211] : memref<625x64xf32, #tpu.memory_space<vmem>> -> memref<125x64xf32, #tpu.memory_space<vmem>>
        %dma_start3A_213 = arith.constant 0 : i32
        %dma_start3A_214 = tpu.memref_slice %arg5[%add3A_209, %dma_start3A_213] : memref<80x125xi32, #tpu.memory_space<vmem>> -> memref<1x125xi32, #tpu.memory_space<vmem>>
        %dma_start3A_215 = tpu.memref_squeeze %dma_start3A_214 : memref<1x125xi32, #tpu.memory_space<vmem>> -> memref<125xi32, #tpu.memory_space<vmem>>
        %dma_start3A_216 = arith.constant 0 : i32
        %dma_start3A_217 = arith.constant 0 : i32
        %dma_start3A_218 = tpu.memref_slice %arg2[%dma_start3A_216, %dma_start3A_217] : memref<10000x64xf32, #tpu.memory_space<hbm>> -> memref<10000x64xf32, #tpu.memory_space<hbm>>
        tpu.enqueue_indirect_dma source(%dma_start3A_218 : memref<10000x64xf32, #tpu.memory_space<hbm>>) target(%dma_start3A_212 : memref<125x64xf32, #tpu.memory_space<vmem>>) offsets(%dma_start3A_215 : memref<125xi32, #tpu.memory_space<vmem>>) semaphore(%arg12 : memref<!tpu.dma_semaphore, #tpu.memory_space<semaphore_mem>>)
      } else {
      }
      %mul3A_145 = arith.constant 5 : i32
      %mul3A_146 = arith.muli %scan3A_106, %mul3A_145 : i32
      %add3A_147 = arith.constant 2 : i32
      %add3A_148 = arith.addi %mul3A_146, %add3A_147 : i32
      %dma_wait3A_149 = arith.constant 250 : i32
      %dma_wait3A_150 = arith.constant 0 : i32
      %dma_wait3A_151 = tpu.memref_slice %arg7[%dma_wait3A_149, %dma_wait3A_150] : memref<625x64xf32, #tpu.memory_space<vmem>> -> memref<125x64xf32, #tpu.memory_space<vmem>>
      %dma_wait3A_152 = arith.constant 0 : i32
      %dma_wait3A_153 = tpu.memref_slice %arg5[%add3A_148, %dma_wait3A_152] : memref<80x125xi32, #tpu.memory_space<vmem>> -> memref<1x125xi32, #tpu.memory_space<vmem>>
      %dma_wait3A_154 = tpu.memref_squeeze %dma_wait3A_153 : memref<1x125xi32, #tpu.memory_space<vmem>> -> memref<125xi32, #tpu.memory_space<vmem>>
      %dma_wait3A_155 = arith.constant 0 : i32
      %dma_wait3A_156 = arith.constant 0 : i32
      %dma_wait3A_157 = tpu.memref_slice %arg2[%dma_wait3A_155, %dma_wait3A_156] : memref<10000x64xf32, #tpu.memory_space<hbm>> -> memref<10000x64xf32, #tpu.memory_space<hbm>>
      tpu.wait_indirect_dma semaphore(%arg13 : memref<!tpu.dma_semaphore, #tpu.memory_space<semaphore_mem>>) src(%dma_wait3A_157 : memref<10000x64xf32, #tpu.memory_space<hbm>>) dst(%dma_wait3A_151 : memref<125x64xf32, #tpu.memory_space<vmem>>)
      "tpu.region"() ({
        %run_scoped3A = tpu.sem_alloc : memref<!tpu.dma_semaphore, #tpu.memory_space<semaphore_mem>>
        %dma_start3A_206 = arith.constant 250 : i32
        %dma_start3A_207 = arith.constant 0 : i32
        %dma_start3A_208 = tpu.memref_slice %arg7[%dma_start3A_206, %dma_start3A_207] : memref<625x64xf32, #tpu.memory_space<vmem>> -> memref<125x64xf32, #tpu.memory_space<vmem>>
        %dma_start3A_209 = arith.constant 0 : i32
        %dma_start3A_210 = tpu.memref_slice %arg6[%add3A_148, %dma_start3A_209] : memref<80x125xi32, #tpu.memory_space<vmem>> -> memref<1x125xi32, #tpu.memory_space<vmem>>
        %dma_start3A_211 = tpu.memref_squeeze %dma_start3A_210 : memref<1x125xi32, #tpu.memory_space<vmem>> -> memref<125xi32, #tpu.memory_space<vmem>>
        %dma_start3A_212 = arith.constant 0 : i32
        %dma_start3A_213 = arith.constant 0 : i32
        %dma_start3A_214 = tpu.memref_slice %arg8[%dma_start3A_212, %dma_start3A_213] : memref<10240x64xf32, #tpu.memory_space<vmem_shared>> -> memref<10240x64xf32, #tpu.memory_space<vmem_shared>>
        tpu.enqueue_indirect_dma source(%dma_start3A_208 : memref<125x64xf32, #tpu.memory_space<vmem>>) target(%dma_start3A_214 : memref<10240x64xf32, #tpu.memory_space<vmem_shared>>) offsets(%dma_start3A_211 : memref<125xi32, #tpu.memory_space<vmem>>) semaphore(%run_scoped3A : memref<!tpu.dma_semaphore, #tpu.memory_space<semaphore_mem>>) {add = true}
        %dma_wait3A_215 = arith.constant 250 : i32
        %dma_wait3A_216 = arith.constant 0 : i32
        %dma_wait3A_217 = tpu.memref_slice %arg7[%dma_wait3A_215, %dma_wait3A_216] : memref<625x64xf32, #tpu.memory_space<vmem>> -> memref<125x64xf32, #tpu.memory_space<vmem>>
        %dma_wait3A_218 = arith.constant 0 : i32
        %dma_wait3A_219 = tpu.memref_slice %arg6[%add3A_148, %dma_wait3A_218] : memref<80x125xi32, #tpu.memory_space<vmem>> -> memref<1x125xi32, #tpu.memory_space<vmem>>
        %dma_wait3A_220 = tpu.memref_squeeze %dma_wait3A_219 : memref<1x125xi32, #tpu.memory_space<vmem>> -> memref<125xi32, #tpu.memory_space<vmem>>
        %dma_wait3A_221 = arith.constant 0 : i32
        %dma_wait3A_222 = arith.constant 0 : i32
        %dma_wait3A_223 = tpu.memref_slice %arg8[%dma_wait3A_221, %dma_wait3A_222] : memref<10240x64xf32, #tpu.memory_space<vmem_shared>> -> memref<10240x64xf32, #tpu.memory_space<vmem_shared>>
        tpu.wait_indirect_dma semaphore(%run_scoped3A : memref<!tpu.dma_semaphore, #tpu.memory_space<semaphore_mem>>) src(%dma_wait3A_217 : memref<125x64xf32, #tpu.memory_space<vmem>>) dst(%dma_wait3A_223 : memref<10240x64xf32, #tpu.memory_space<vmem_shared>>)
        tpu.yield
      }) : () -> ()
      %add3A_158 = arith.constant 5 : i32
      %add3A_159 = arith.addi %add3A_148, %add3A_158 : i32
      %lt3A_160 = arith.constant 80 : i32
      %lt3A_161 = arith.cmpi slt, %add3A_159, %lt3A_160 : i32
      %convert_element_type3A_162 = arith.extui %lt3A_161 : i1 to i32
      %cond3A_163 = arith.constant 0 : i32
      %cond3A_164 = arith.cmpi ne, %convert_element_type3A_162, %cond3A_163 : i32
      scf.if %cond3A_164 {
        %add3A_206 = arith.constant 5 : i32
        %add3A_207 = arith.addi %add3A_148, %add3A_206 : i32
        %add3A_208 = arith.constant 5 : i32
        %add3A_209 = arith.addi %add3A_148, %add3A_208 : i32
        %dma_start3A_210 = arith.constant 250 : i32
        %dma_start3A_211 = arith.constant 0 : i32
        %dma_start3A_212 = tpu.memref_slice %arg7[%dma_start3A_210, %dma_start3A_211] : memref<625x64xf32, #tpu.memory_space<vmem>> -> memref<125x64xf32, #tpu.memory_space<vmem>>
        %dma_start3A_213 = arith.constant 0 : i32
        %dma_start3A_214 = tpu.memref_slice %arg5[%add3A_209, %dma_start3A_213] : memref<80x125xi32, #tpu.memory_space<vmem>> -> memref<1x125xi32, #tpu.memory_space<vmem>>
        %dma_start3A_215 = tpu.memref_squeeze %dma_start3A_214 : memref<1x125xi32, #tpu.memory_space<vmem>> -> memref<125xi32, #tpu.memory_space<vmem>>
        %dma_start3A_216 = arith.constant 0 : i32
        %dma_start3A_217 = arith.constant 0 : i32
        %dma_start3A_218 = tpu.memref_slice %arg2[%dma_start3A_216, %dma_start3A_217] : memref<10000x64xf32, #tpu.memory_space<hbm>> -> memref<10000x64xf32, #tpu.memory_space<hbm>>
        tpu.enqueue_indirect_dma source(%dma_start3A_218 : memref<10000x64xf32, #tpu.memory_space<hbm>>) target(%dma_start3A_212 : memref<125x64xf32, #tpu.memory_space<vmem>>) offsets(%dma_start3A_215 : memref<125xi32, #tpu.memory_space<vmem>>) semaphore(%arg13 : memref<!tpu.dma_semaphore, #tpu.memory_space<semaphore_mem>>)
      } else {
      }
      %mul3A_165 = arith.constant 5 : i32
      %mul3A_166 = arith.muli %scan3A_106, %mul3A_165 : i32
      %add3A_167 = arith.constant 3 : i32
      %add3A_168 = arith.addi %mul3A_166, %add3A_167 : i32
      %dma_wait3A_169 = arith.constant 375 : i32
      %dma_wait3A_170 = arith.constant 0 : i32
      %dma_wait3A_171 = tpu.memref_slice %arg7[%dma_wait3A_169, %dma_wait3A_170] : memref<625x64xf32, #tpu.memory_space<vmem>> -> memref<125x64xf32, #tpu.memory_space<vmem>>
      %dma_wait3A_172 = arith.constant 0 : i32
      %dma_wait3A_173 = tpu.memref_slice %arg5[%add3A_168, %dma_wait3A_172] : memref<80x125xi32, #tpu.memory_space<vmem>> -> memref<1x125xi32, #tpu.memory_space<vmem>>
      %dma_wait3A_174 = tpu.memref_squeeze %dma_wait3A_173 : memref<1x125xi32, #tpu.memory_space<vmem>> -> memref<125xi32, #tpu.memory_space<vmem>>
      %dma_wait3A_175 = arith.constant 0 : i32
      %dma_wait3A_176 = arith.constant 0 : i32
      %dma_wait3A_177 = tpu.memref_slice %arg2[%dma_wait3A_175, %dma_wait3A_176] : memref<10000x64xf32, #tpu.memory_space<hbm>> -> memref<10000x64xf32, #tpu.memory_space<hbm>>
      tpu.wait_indirect_dma semaphore(%arg14 : memref<!tpu.dma_semaphore, #tpu.memory_space<semaphore_mem>>) src(%dma_wait3A_177 : memref<10000x64xf32, #tpu.memory_space<hbm>>) dst(%dma_wait3A_171 : memref<125x64xf32, #tpu.memory_space<vmem>>)
      "tpu.region"() ({
        %run_scoped3A = tpu.sem_alloc : memref<!tpu.dma_semaphore, #tpu.memory_space<semaphore_mem>>
        %dma_start3A_206 = arith.constant 375 : i32
        %dma_start3A_207 = arith.constant 0 : i32
        %dma_start3A_208 = tpu.memref_slice %arg7[%dma_start3A_206, %dma_start3A_207] : memref<625x64xf32, #tpu.memory_space<vmem>> -> memref<125x64xf32, #tpu.memory_space<vmem>>
        %dma_start3A_209 = arith.constant 0 : i32
        %dma_start3A_210 = tpu.memref_slice %arg6[%add3A_168, %dma_start3A_209] : memref<80x125xi32, #tpu.memory_space<vmem>> -> memref<1x125xi32, #tpu.memory_space<vmem>>
        %dma_start3A_211 = tpu.memref_squeeze %dma_start3A_210 : memref<1x125xi32, #tpu.memory_space<vmem>> -> memref<125xi32, #tpu.memory_space<vmem>>
        %dma_start3A_212 = arith.constant 0 : i32
        %dma_start3A_213 = arith.constant 0 : i32
        %dma_start3A_214 = tpu.memref_slice %arg8[%dma_start3A_212, %dma_start3A_213] : memref<10240x64xf32, #tpu.memory_space<vmem_shared>> -> memref<10240x64xf32, #tpu.memory_space<vmem_shared>>
        tpu.enqueue_indirect_dma source(%dma_start3A_208 : memref<125x64xf32, #tpu.memory_space<vmem>>) target(%dma_start3A_214 : memref<10240x64xf32, #tpu.memory_space<vmem_shared>>) offsets(%dma_start3A_211 : memref<125xi32, #tpu.memory_space<vmem>>) semaphore(%run_scoped3A : memref<!tpu.dma_semaphore, #tpu.memory_space<semaphore_mem>>) {add = true}
        %dma_wait3A_215 = arith.constant 375 : i32
        %dma_wait3A_216 = arith.constant 0 : i32
        %dma_wait3A_217 = tpu.memref_slice %arg7[%dma_wait3A_215, %dma_wait3A_216] : memref<625x64xf32, #tpu.memory_space<vmem>> -> memref<125x64xf32, #tpu.memory_space<vmem>>
        %dma_wait3A_218 = arith.constant 0 : i32
        %dma_wait3A_219 = tpu.memref_slice %arg6[%add3A_168, %dma_wait3A_218] : memref<80x125xi32, #tpu.memory_space<vmem>> -> memref<1x125xi32, #tpu.memory_space<vmem>>
        %dma_wait3A_220 = tpu.memref_squeeze %dma_wait3A_219 : memref<1x125xi32, #tpu.memory_space<vmem>> -> memref<125xi32, #tpu.memory_space<vmem>>
        %dma_wait3A_221 = arith.constant 0 : i32
        %dma_wait3A_222 = arith.constant 0 : i32
        %dma_wait3A_223 = tpu.memref_slice %arg8[%dma_wait3A_221, %dma_wait3A_222] : memref<10240x64xf32, #tpu.memory_space<vmem_shared>> -> memref<10240x64xf32, #tpu.memory_space<vmem_shared>>
        tpu.wait_indirect_dma semaphore(%run_scoped3A : memref<!tpu.dma_semaphore, #tpu.memory_space<semaphore_mem>>) src(%dma_wait3A_217 : memref<125x64xf32, #tpu.memory_space<vmem>>) dst(%dma_wait3A_223 : memref<10240x64xf32, #tpu.memory_space<vmem_shared>>)
        tpu.yield
      }) : () -> ()
      %add3A_178 = arith.constant 5 : i32
      %add3A_179 = arith.addi %add3A_168, %add3A_178 : i32
      %lt3A_180 = arith.constant 80 : i32
      %lt3A_181 = arith.cmpi slt, %add3A_179, %lt3A_180 : i32
      %convert_element_type3A_182 = arith.extui %lt3A_181 : i1 to i32
      %cond3A_183 = arith.constant 0 : i32
      %cond3A_184 = arith.cmpi ne, %convert_element_type3A_182, %cond3A_183 : i32
      scf.if %cond3A_184 {
        %add3A_206 = arith.constant 5 : i32
        %add3A_207 = arith.addi %add3A_168, %add3A_206 : i32
        %add3A_208 = arith.constant 5 : i32
        %add3A_209 = arith.addi %add3A_168, %add3A_208 : i32
        %dma_start3A_210 = arith.constant 375 : i32
        %dma_start3A_211 = arith.constant 0 : i32
        %dma_start3A_212 = tpu.memref_slice %arg7[%dma_start3A_210, %dma_start3A_211] : memref<625x64xf32, #tpu.memory_space<vmem>> -> memref<125x64xf32, #tpu.memory_space<vmem>>
        %dma_start3A_213 = arith.constant 0 : i32
        %dma_start3A_214 = tpu.memref_slice %arg5[%add3A_209, %dma_start3A_213] : memref<80x125xi32, #tpu.memory_space<vmem>> -> memref<1x125xi32, #tpu.memory_space<vmem>>
        %dma_start3A_215 = tpu.memref_squeeze %dma_start3A_214 : memref<1x125xi32, #tpu.memory_space<vmem>> -> memref<125xi32, #tpu.memory_space<vmem>>
        %dma_start3A_216 = arith.constant 0 : i32
        %dma_start3A_217 = arith.constant 0 : i32
        %dma_start3A_218 = tpu.memref_slice %arg2[%dma_start3A_216, %dma_start3A_217] : memref<10000x64xf32, #tpu.memory_space<hbm>> -> memref<10000x64xf32, #tpu.memory_space<hbm>>
        tpu.enqueue_indirect_dma source(%dma_start3A_218 : memref<10000x64xf32, #tpu.memory_space<hbm>>) target(%dma_start3A_212 : memref<125x64xf32, #tpu.memory_space<vmem>>) offsets(%dma_start3A_215 : memref<125xi32, #tpu.memory_space<vmem>>) semaphore(%arg14 : memref<!tpu.dma_semaphore, #tpu.memory_space<semaphore_mem>>)
      } else {
      }
      %mul3A_185 = arith.constant 5 : i32
      %mul3A_186 = arith.muli %scan3A_106, %mul3A_185 : i32
      %add3A_187 = arith.constant 4 : i32
      %add3A_188 = arith.addi %mul3A_186, %add3A_187 : i32
      %dma_wait3A_189 = arith.constant 500 : i32
      %dma_wait3A_190 = arith.constant 0 : i32
      %dma_wait3A_191 = tpu.memref_slice %arg7[%dma_wait3A_189, %dma_wait3A_190] : memref<625x64xf32, #tpu.memory_space<vmem>> -> memref<125x64xf32, #tpu.memory_space<vmem>>
      %dma_wait3A_192 = arith.constant 0 : i32
      %dma_wait3A_193 = tpu.memref_slice %arg5[%add3A_188, %dma_wait3A_192] : memref<80x125xi32, #tpu.memory_space<vmem>> -> memref<1x125xi32, #tpu.memory_space<vmem>>
      %dma_wait3A_194 = tpu.memref_squeeze %dma_wait3A_193 : memref<1x125xi32, #tpu.memory_space<vmem>> -> memref<125xi32, #tpu.memory_space<vmem>>
      %dma_wait3A_195 = arith.constant 0 : i32
      %dma_wait3A_196 = arith.constant 0 : i32
      %dma_wait3A_197 = tpu.memref_slice %arg2[%dma_wait3A_195, %dma_wait3A_196] : memref<10000x64xf32, #tpu.memory_space<hbm>> -> memref<10000x64xf32, #tpu.memory_space<hbm>>
      tpu.wait_indirect_dma semaphore(%arg15 : memref<!tpu.dma_semaphore, #tpu.memory_space<semaphore_mem>>) src(%dma_wait3A_197 : memref<10000x64xf32, #tpu.memory_space<hbm>>) dst(%dma_wait3A_191 : memref<125x64xf32, #tpu.memory_space<vmem>>)
      "tpu.region"() ({
        %run_scoped3A = tpu.sem_alloc : memref<!tpu.dma_semaphore, #tpu.memory_space<semaphore_mem>>
        %dma_start3A_206 = arith.constant 500 : i32
        %dma_start3A_207 = arith.constant 0 : i32
        %dma_start3A_208 = tpu.memref_slice %arg7[%dma_start3A_206, %dma_start3A_207] : memref<625x64xf32, #tpu.memory_space<vmem>> -> memref<125x64xf32, #tpu.memory_space<vmem>>
        %dma_start3A_209 = arith.constant 0 : i32
        %dma_start3A_210 = tpu.memref_slice %arg6[%add3A_188, %dma_start3A_209] : memref<80x125xi32, #tpu.memory_space<vmem>> -> memref<1x125xi32, #tpu.memory_space<vmem>>
        %dma_start3A_211 = tpu.memref_squeeze %dma_start3A_210 : memref<1x125xi32, #tpu.memory_space<vmem>> -> memref<125xi32, #tpu.memory_space<vmem>>
        %dma_start3A_212 = arith.constant 0 : i32
        %dma_start3A_213 = arith.constant 0 : i32
        %dma_start3A_214 = tpu.memref_slice %arg8[%dma_start3A_212, %dma_start3A_213] : memref<10240x64xf32, #tpu.memory_space<vmem_shared>> -> memref<10240x64xf32, #tpu.memory_space<vmem_shared>>
        tpu.enqueue_indirect_dma source(%dma_start3A_208 : memref<125x64xf32, #tpu.memory_space<vmem>>) target(%dma_start3A_214 : memref<10240x64xf32, #tpu.memory_space<vmem_shared>>) offsets(%dma_start3A_211 : memref<125xi32, #tpu.memory_space<vmem>>) semaphore(%run_scoped3A : memref<!tpu.dma_semaphore, #tpu.memory_space<semaphore_mem>>) {add = true}
        %dma_wait3A_215 = arith.constant 500 : i32
        %dma_wait3A_216 = arith.constant 0 : i32
        %dma_wait3A_217 = tpu.memref_slice %arg7[%dma_wait3A_215, %dma_wait3A_216] : memref<625x64xf32, #tpu.memory_space<vmem>> -> memref<125x64xf32, #tpu.memory_space<vmem>>
        %dma_wait3A_218 = arith.constant 0 : i32
        %dma_wait3A_219 = tpu.memref_slice %arg6[%add3A_188, %dma_wait3A_218] : memref<80x125xi32, #tpu.memory_space<vmem>> -> memref<1x125xi32, #tpu.memory_space<vmem>>
        %dma_wait3A_220 = tpu.memref_squeeze %dma_wait3A_219 : memref<1x125xi32, #tpu.memory_space<vmem>> -> memref<125xi32, #tpu.memory_space<vmem>>
        %dma_wait3A_221 = arith.constant 0 : i32
        %dma_wait3A_222 = arith.constant 0 : i32
        %dma_wait3A_223 = tpu.memref_slice %arg8[%dma_wait3A_221, %dma_wait3A_222] : memref<10240x64xf32, #tpu.memory_space<vmem_shared>> -> memref<10240x64xf32, #tpu.memory_space<vmem_shared>>
        tpu.wait_indirect_dma semaphore(%run_scoped3A : memref<!tpu.dma_semaphore, #tpu.memory_space<semaphore_mem>>) src(%dma_wait3A_217 : memref<125x64xf32, #tpu.memory_space<vmem>>) dst(%dma_wait3A_223 : memref<10240x64xf32, #tpu.memory_space<vmem_shared>>)
        tpu.yield
      }) : () -> ()
      %add3A_198 = arith.constant 5 : i32
      %add3A_199 = arith.addi %add3A_188, %add3A_198 : i32
      %lt3A_200 = arith.constant 80 : i32
      %lt3A_201 = arith.cmpi slt, %add3A_199, %lt3A_200 : i32
      %convert_element_type3A_202 = arith.extui %lt3A_201 : i1 to i32
      %cond3A_203 = arith.constant 0 : i32
      %cond3A_204 = arith.cmpi ne, %convert_element_type3A_202, %cond3A_203 : i32
      scf.if %cond3A_204 {
        %add3A_206 = arith.constant 5 : i32
        %add3A_207 = arith.addi %add3A_188, %add3A_206 : i32
        %add3A_208 = arith.constant 5 : i32
        %add3A_209 = arith.addi %add3A_188, %add3A_208 : i32
        %dma_start3A_210 = arith.constant 500 : i32
        %dma_start3A_211 = arith.constant 0 : i32
        %dma_start3A_212 = tpu.memref_slice %arg7[%dma_start3A_210, %dma_start3A_211] : memref<625x64xf32, #tpu.memory_space<vmem>> -> memref<125x64xf32, #tpu.memory_space<vmem>>
        %dma_start3A_213 = arith.constant 0 : i32
        %dma_start3A_214 = tpu.memref_slice %arg5[%add3A_209, %dma_start3A_213] : memref<80x125xi32, #tpu.memory_space<vmem>> -> memref<1x125xi32, #tpu.memory_space<vmem>>
        %dma_start3A_215 = tpu.memref_squeeze %dma_start3A_214 : memref<1x125xi32, #tpu.memory_space<vmem>> -> memref<125xi32, #tpu.memory_space<vmem>>
        %dma_start3A_216 = arith.constant 0 : i32
        %dma_start3A_217 = arith.constant 0 : i32
        %dma_start3A_218 = tpu.memref_slice %arg2[%dma_start3A_216, %dma_start3A_217] : memref<10000x64xf32, #tpu.memory_space<hbm>> -> memref<10000x64xf32, #tpu.memory_space<hbm>>
        tpu.enqueue_indirect_dma source(%dma_start3A_218 : memref<10000x64xf32, #tpu.memory_space<hbm>>) target(%dma_start3A_212 : memref<125x64xf32, #tpu.memory_space<vmem>>) offsets(%dma_start3A_215 : memref<125xi32, #tpu.memory_space<vmem>>) semaphore(%arg15 : memref<!tpu.dma_semaphore, #tpu.memory_space<semaphore_mem>>)
      } else {
      }
      %scan3A_205 = arith.constant 0 : i32
      scf.yield %scan3A_205 : i32
    }
    %scan3A_104 = arith.constant 16 : i32
    %barrier3A_105 = arith.constant 0 : index
    tpu.barrier barrier_id(%barrier3A_105)
    "tpu.region"() ({
      %run_scoped3A = tpu.sem_alloc : memref<!tpu.dma_semaphore, #tpu.memory_space<semaphore_mem>>
      %dma_start3A_106 = arith.constant 0 : i32
      %dma_start3A_107 = tpu.memref_slice %arg4[%arg0, %mul3A_24, %dma_start3A_106] : memref<2x10240x64xf32, #tpu.memory_space<hbm>> -> memref<1x640x64xf32, #tpu.memory_space<hbm>>
      %dma_start3A_108 = tpu.memref_squeeze %dma_start3A_107 : memref<1x640x64xf32, #tpu.memory_space<hbm>> -> memref<640x64xf32, #tpu.memory_space<hbm>>
      %dma_start3A_109 = arith.constant 0 : i32
      %dma_start3A_110 = tpu.memref_slice %arg8[%mul3A_24, %dma_start3A_109] : memref<10240x64xf32, #tpu.memory_space<vmem_shared>> -> memref<640x64xf32, #tpu.memory_space<vmem_shared>>
      tpu.enqueue_dma source(%dma_start3A_110 : memref<640x64xf32, #tpu.memory_space<vmem_shared>>) target(%dma_start3A_108 : memref<640x64xf32, #tpu.memory_space<hbm>>) target_semaphore(%run_scoped3A : memref<!tpu.dma_semaphore, #tpu.memory_space<semaphore_mem>>)
      %dma_wait3A_111 = arith.constant 0 : i32
      %dma_wait3A_112 = tpu.memref_slice %arg4[%arg0, %mul3A_24, %dma_wait3A_111] : memref<2x10240x64xf32, #tpu.memory_space<hbm>> -> memref<1x640x64xf32, #tpu.memory_space<hbm>>
      %dma_wait3A_113 = tpu.memref_squeeze %dma_wait3A_112 : memref<1x640x64xf32, #tpu.memory_space<hbm>> -> memref<640x64xf32, #tpu.memory_space<hbm>>
      %dma_wait3A_114 = arith.constant 0 : i32
      %dma_wait3A_115 = tpu.memref_slice %arg8[%mul3A_24, %dma_wait3A_114] : memref<10240x64xf32, #tpu.memory_space<vmem_shared>> -> memref<640x64xf32, #tpu.memory_space<vmem_shared>>
      tpu.wait_dma2 semaphore(%run_scoped3A : memref<!tpu.dma_semaphore, #tpu.memory_space<semaphore_mem>>) src(%dma_wait3A_115 : memref<640x64xf32, #tpu.memory_space<vmem_shared>>) dst(%dma_wait3A_113 : memref<640x64xf32, #tpu.memory_space<hbm>>)
      tpu.yield
    }) : () -> ()
    return
  }
}

#map = affine_map<(d0, d1) -> (0, 0, 0)>
#map1 = affine_map<(d0, d1) -> (0, 0)>
module attributes {stable_mosaic.version = 14 : i64} {
  func.func @deg_kernel(%arg0: i32, %arg1: i32, %arg2: memref<2x2560x125xi32, #tpu.memory_space<hbm>>, %arg3: memref<2x10240xf32, #tpu.memory_space<hbm>>, %arg4: memref<80x125xi32, #tpu.memory_space<vmem>>, %arg5: memref<128xf32, #tpu.memory_space<vmem>>, %arg6: memref<640xf32, #tpu.memory_space<vmem>>, %arg7: memref<10240xf32, #tpu.memory_space<vmem_shared>>, %arg8: memref<!tpu.dma_semaphore, #tpu.memory_space<semaphore_mem>>, %arg9: memref<!tpu.dma_semaphore, #tpu.memory_space<semaphore_mem>>) attributes {dimension_semantics = [#tpu.dimension_semantics<core_parallel>, #tpu.dimension_semantics<subcore_parallel>], iteration_bounds = array<i64: 2, 16>, scalar_prefetch = 0 : i64, scratch_operands = 6 : i64, tpu.core_type = #tpu.core_type<sc_vector_subcore>, window_params = [{transform_indices = #map}, {transform_indices = #map1}]} {
    %mul3A = arith.constant 2 : i32
    %mul3A_0 = arith.muli %arg1, %mul3A : i32
    %add3A = arith.addi %mul3A_0, %arg0 : i32
    %broadcast_in_dim3A = arith.constant 0.000000e+00 : f32
    %broadcast_in_dim3A_1 = vector.broadcast %broadcast_in_dim3A : f32 to vector<16xf32>
    %broadcast_in_dim3A_2 = arith.constant 1.000000e+00 : f32
    %broadcast_in_dim3A_3 = vector.broadcast %broadcast_in_dim3A_2 : f32 to vector<16xf32>
    %mul3A_4 = arith.constant 80 : i32
    %mul3A_5 = arith.muli %add3A, %mul3A_4 : i32
    %dma_start3A = arith.constant 1 : i32
    %dma_start3A_6 = arith.constant 0 : i32
    %dma_start3A_7 = tpu.memref_slice %arg2[%dma_start3A, %mul3A_5, %dma_start3A_6] : memref<2x2560x125xi32, #tpu.memory_space<hbm>> -> memref<1x80x125xi32, #tpu.memory_space<hbm>>
    %dma_start3A_8 = tpu.memref_squeeze %dma_start3A_7 : memref<1x80x125xi32, #tpu.memory_space<hbm>> -> memref<80x125xi32, #tpu.memory_space<hbm>>
    %dma_start3A_9 = arith.constant 0 : i32
    %dma_start3A_10 = tpu.memref_slice %arg2[%dma_start3A, %mul3A_5, %dma_start3A_9] : memref<2x2560x125xi32, #tpu.memory_space<hbm>> -> memref<1x80x125xi32, #tpu.memory_space<hbm>>
    %dma_start3A_11 = tpu.memref_squeeze %dma_start3A_10 : memref<1x80x125xi32, #tpu.memory_space<hbm>> -> memref<80x125xi32, #tpu.memory_space<hbm>>
    tpu.enqueue_dma source(%dma_start3A_11 : memref<80x125xi32, #tpu.memory_space<hbm>>) target(%arg4 : memref<80x125xi32, #tpu.memory_space<vmem>>) target_semaphore(%arg8 : memref<!tpu.dma_semaphore, #tpu.memory_space<semaphore_mem>>)
    %scan3A = arith.constant 0 : i32
    %scan3A_12 = arith.constant 0 : i32
    %scan3A_13 = arith.constant 40 : i32
    %scan3A_14 = arith.addi %scan3A_12, %scan3A_13 : i32
    %scan3A_15 = arith.constant 1 : i32
    %scan3A_16 = scf.for %scan3A_48 = %scan3A_12 to %scan3A_14 step %scan3A_15 iter_args(%scan3A_49 = %scan3A) -> (i32)  : i32 {
      %mul3A_50 = arith.constant 16 : i32
      %mul3A_51 = arith.muli %scan3A_48, %mul3A_50 : i32
      %swap3A = arith.index_cast %mul3A_51 : i32 to index
      %swap3A_52 = tpu.vector_load %arg6[%swap3A] {strides = array<i32>} : memref<640xf32, #tpu.memory_space<vmem>>, vector<16xf32>,
      %swap3A_53 = vector.shape_cast %swap3A_52 : vector<16xf32> to vector<16xf32>
      %swap3A_54 = vector.shape_cast %broadcast_in_dim3A_1 : vector<16xf32> to vector<16xf32>
      tpu.vector_store %arg6[%swap3A], %swap3A_54 {strides = array<i32>} : memref<640xf32, #tpu.memory_space<vmem>>, vector<16xf32>,
      %scan3A_55 = arith.constant 0 : i32
      scf.yield %scan3A_55 : i32
    }
    %scan3A_17 = arith.constant 40 : i32
    %scan3A_18 = arith.constant 0 : i32
    %scan3A_19 = arith.constant 0 : i32
    %scan3A_20 = arith.constant 8 : i32
    %scan3A_21 = arith.addi %scan3A_19, %scan3A_20 : i32
    %scan3A_22 = arith.constant 1 : i32
    %scan3A_23 = scf.for %scan3A_48 = %scan3A_19 to %scan3A_21 step %scan3A_22 iter_args(%scan3A_49 = %scan3A_18) -> (i32)  : i32 {
      %mul3A_50 = arith.constant 16 : i32
      %mul3A_51 = arith.muli %scan3A_48, %mul3A_50 : i32
      %swap3A = arith.index_cast %mul3A_51 : i32 to index
      %swap3A_52 = tpu.vector_load %arg5[%swap3A] {strides = array<i32>} : memref<128xf32, #tpu.memory_space<vmem>>, vector<16xf32>,
      %swap3A_53 = vector.shape_cast %swap3A_52 : vector<16xf32> to vector<16xf32>
      %swap3A_54 = vector.shape_cast %broadcast_in_dim3A_3 : vector<16xf32> to vector<16xf32>
      tpu.vector_store %arg5[%swap3A], %swap3A_54 {strides = array<i32>} : memref<128xf32, #tpu.memory_space<vmem>>, vector<16xf32>,
      %scan3A_55 = arith.constant 0 : i32
      scf.yield %scan3A_55 : i32
    }
    %scan3A_24 = arith.constant 8 : i32
    %mul3A_25 = arith.constant 640 : i32
    %mul3A_26 = arith.muli %arg1, %mul3A_25 : i32
    "tpu.region"() ({
      %run_scoped3A = tpu.sem_alloc : memref<!tpu.dma_semaphore, #tpu.memory_space<semaphore_mem>>
      %dma_start3A_48 = tpu.memref_slice %arg7[%mul3A_26] : memref<10240xf32, #tpu.memory_space<vmem_shared>> -> memref<640xf32, #tpu.memory_space<vmem_shared>>
      %dma_start3A_49 = tpu.memref_slice %arg7[%mul3A_26] : memref<10240xf32, #tpu.memory_space<vmem_shared>> -> memref<640xf32, #tpu.memory_space<vmem_shared>>
      tpu.enqueue_dma source(%arg6 : memref<640xf32, #tpu.memory_space<vmem>>) target(%dma_start3A_49 : memref<640xf32, #tpu.memory_space<vmem_shared>>) target_semaphore(%run_scoped3A : memref<!tpu.dma_semaphore, #tpu.memory_space<semaphore_mem>>)
      %dma_wait3A_50 = tpu.memref_slice %arg7[%mul3A_26] : memref<10240xf32, #tpu.memory_space<vmem_shared>> -> memref<640xf32, #tpu.memory_space<vmem_shared>>
      %dma_wait3A_51 = tpu.memref_slice %arg7[%mul3A_26] : memref<10240xf32, #tpu.memory_space<vmem_shared>> -> memref<640xf32, #tpu.memory_space<vmem_shared>>
      tpu.wait_dma2 semaphore(%run_scoped3A : memref<!tpu.dma_semaphore, #tpu.memory_space<semaphore_mem>>) src(%arg6 : memref<640xf32, #tpu.memory_space<vmem>>) dst(%dma_wait3A_51 : memref<640xf32, #tpu.memory_space<vmem_shared>>)
      tpu.yield
    }) : () -> ()
    %dma_wait3A = arith.constant 1 : i32
    %dma_wait3A_27 = arith.constant 0 : i32
    %dma_wait3A_28 = tpu.memref_slice %arg2[%dma_wait3A, %mul3A_5, %dma_wait3A_27] : memref<2x2560x125xi32, #tpu.memory_space<hbm>> -> memref<1x80x125xi32, #tpu.memory_space<hbm>>
    %dma_wait3A_29 = tpu.memref_squeeze %dma_wait3A_28 : memref<1x80x125xi32, #tpu.memory_space<hbm>> -> memref<80x125xi32, #tpu.memory_space<hbm>>
    %dma_wait3A_30 = arith.constant 0 : i32
    %dma_wait3A_31 = tpu.memref_slice %arg2[%dma_wait3A, %mul3A_5, %dma_wait3A_30] : memref<2x2560x125xi32, #tpu.memory_space<hbm>> -> memref<1x80x125xi32, #tpu.memory_space<hbm>>
    %dma_wait3A_32 = tpu.memref_squeeze %dma_wait3A_31 : memref<1x80x125xi32, #tpu.memory_space<hbm>> -> memref<80x125xi32, #tpu.memory_space<hbm>>
    tpu.wait_dma2 semaphore(%arg8 : memref<!tpu.dma_semaphore, #tpu.memory_space<semaphore_mem>>) src(%dma_wait3A_32 : memref<80x125xi32, #tpu.memory_space<hbm>>) dst(%arg4 : memref<80x125xi32, #tpu.memory_space<vmem>>)
    %barrier3A = arith.constant 0 : index
    tpu.barrier barrier_id(%barrier3A)
    %scan3A_33 = arith.constant 0 : i32
    %scan3A_34 = arith.constant 0 : i32
    %scan3A_35 = arith.constant 80 : i32
    %scan3A_36 = arith.addi %scan3A_34, %scan3A_35 : i32
    %scan3A_37 = arith.constant 1 : i32
    %scan3A_38 = scf.for %scan3A_48 = %scan3A_34 to %scan3A_36 step %scan3A_37 iter_args(%scan3A_49 = %scan3A_33) -> (i32)  : i32 {
      %dma_start3A_50 = arith.constant 0 : i32
      %dma_start3A_51 = tpu.memref_slice %arg5[%dma_start3A_50] : memref<128xf32, #tpu.memory_space<vmem>> -> memref<125xf32, #tpu.memory_space<vmem>>
      %dma_start3A_52 = arith.constant 0 : i32
      %dma_start3A_53 = tpu.memref_slice %arg4[%scan3A_48, %dma_start3A_52] : memref<80x125xi32, #tpu.memory_space<vmem>> -> memref<1x125xi32, #tpu.memory_space<vmem>>
      %dma_start3A_54 = tpu.memref_squeeze %dma_start3A_53 : memref<1x125xi32, #tpu.memory_space<vmem>> -> memref<125xi32, #tpu.memory_space<vmem>>
      %dma_start3A_55 = arith.constant 0 : i32
      %dma_start3A_56 = tpu.memref_slice %arg7[%dma_start3A_55] : memref<10240xf32, #tpu.memory_space<vmem_shared>> -> memref<10240xf32, #tpu.memory_space<vmem_shared>>
      tpu.enqueue_indirect_dma source(%dma_start3A_51 : memref<125xf32, #tpu.memory_space<vmem>>) target(%dma_start3A_56 : memref<10240xf32, #tpu.memory_space<vmem_shared>>) offsets(%dma_start3A_54 : memref<125xi32, #tpu.memory_space<vmem>>) semaphore(%arg9 : memref<!tpu.dma_semaphore, #tpu.memory_space<semaphore_mem>>) {add = true}
      %scan3A_57 = arith.constant 0 : i32
      scf.yield %scan3A_57 : i32
    }
    %scan3A_39 = arith.constant 80 : i32
    %scan3A_40 = arith.constant 0 : i32
    %scan3A_41 = arith.constant 0 : i32
    %scan3A_42 = arith.constant 80 : i32
    %scan3A_43 = arith.addi %scan3A_41, %scan3A_42 : i32
    %scan3A_44 = arith.constant 1 : i32
    %scan3A_45 = scf.for %scan3A_48 = %scan3A_41 to %scan3A_43 step %scan3A_44 iter_args(%scan3A_49 = %scan3A_40) -> (i32)  : i32 {
      %dma_wait3A_50 = arith.constant 0 : i32
      %dma_wait3A_51 = tpu.memref_slice %arg5[%dma_wait3A_50] : memref<128xf32, #tpu.memory_space<vmem>> -> memref<125xf32, #tpu.memory_space<vmem>>
      %dma_wait3A_52 = arith.constant 0 : i32
      %dma_wait3A_53 = tpu.memref_slice %arg4[%scan3A_48, %dma_wait3A_52] : memref<80x125xi32, #tpu.memory_space<vmem>> -> memref<1x125xi32, #tpu.memory_space<vmem>>
      %dma_wait3A_54 = tpu.memref_squeeze %dma_wait3A_53 : memref<1x125xi32, #tpu.memory_space<vmem>> -> memref<125xi32, #tpu.memory_space<vmem>>
      %dma_wait3A_55 = arith.constant 0 : i32
      %dma_wait3A_56 = tpu.memref_slice %arg7[%dma_wait3A_55] : memref<10240xf32, #tpu.memory_space<vmem_shared>> -> memref<10240xf32, #tpu.memory_space<vmem_shared>>
      tpu.wait_indirect_dma semaphore(%arg9 : memref<!tpu.dma_semaphore, #tpu.memory_space<semaphore_mem>>) src(%dma_wait3A_51 : memref<125xf32, #tpu.memory_space<vmem>>) dst(%dma_wait3A_56 : memref<10240xf32, #tpu.memory_space<vmem_shared>>)
      %scan3A_57 = arith.constant 0 : i32
      scf.yield %scan3A_57 : i32
    }
    %scan3A_46 = arith.constant 80 : i32
    %barrier3A_47 = arith.constant 0 : index
    tpu.barrier barrier_id(%barrier3A_47)
    "tpu.region"() ({
      %run_scoped3A = tpu.sem_alloc : memref<!tpu.dma_semaphore, #tpu.memory_space<semaphore_mem>>
      %dma_start3A_48 = tpu.memref_slice %arg3[%arg0, %mul3A_26] : memref<2x10240xf32, #tpu.memory_space<hbm>> -> memref<1x640xf32, #tpu.memory_space<hbm>>
      %dma_start3A_49 = tpu.memref_squeeze %dma_start3A_48 : memref<1x640xf32, #tpu.memory_space<hbm>> -> memref<640xf32, #tpu.memory_space<hbm>>
      %dma_start3A_50 = tpu.memref_slice %arg7[%mul3A_26] : memref<10240xf32, #tpu.memory_space<vmem_shared>> -> memref<640xf32, #tpu.memory_space<vmem_shared>>
      tpu.enqueue_dma source(%dma_start3A_50 : memref<640xf32, #tpu.memory_space<vmem_shared>>) target(%dma_start3A_49 : memref<640xf32, #tpu.memory_space<hbm>>) target_semaphore(%run_scoped3A : memref<!tpu.dma_semaphore, #tpu.memory_space<semaphore_mem>>)
      %dma_wait3A_51 = tpu.memref_slice %arg3[%arg0, %mul3A_26] : memref<2x10240xf32, #tpu.memory_space<hbm>> -> memref<1x640xf32, #tpu.memory_space<hbm>>
      %dma_wait3A_52 = tpu.memref_squeeze %dma_wait3A_51 : memref<1x640xf32, #tpu.memory_space<hbm>> -> memref<640xf32, #tpu.memory_space<hbm>>
      %dma_wait3A_53 = tpu.memref_slice %arg7[%mul3A_26] : memref<10240xf32, #tpu.memory_space<vmem_shared>> -> memref<640xf32, #tpu.memory_space<vmem_shared>>
      tpu.wait_dma2 semaphore(%run_scoped3A : memref<!tpu.dma_semaphore, #tpu.memory_space<semaphore_mem>>) src(%dma_wait3A_53 : memref<640xf32, #tpu.memory_space<vmem_shared>>) dst(%dma_wait3A_52 : memref<640xf32, #tpu.memory_space<hbm>>)
      tpu.yield
    }) : () -> ()
    return
  }
}

#map = affine_map<(d0, d1) -> (0, 0)>
#map1 = affine_map<(d0, d1) -> (0, 0, 0)>
module attributes {stable_mosaic.version = 14 : i64} {
  func.func @edge_kernel(%arg0: i32, %arg1: i32, %arg2: memref<10000x32xf32, #tpu.memory_space<hbm>>, %arg3: memref<2x2560x125xi32, #tpu.memory_space<hbm>>, %arg4: memref<2x10240x32xf32, #tpu.memory_space<hbm>>, %arg5: memref<80x125xi32, #tpu.memory_space<vmem>>, %arg6: memref<80x125xi32, #tpu.memory_space<vmem>>, %arg7: memref<625x32xf32, #tpu.memory_space<vmem>>, %arg8: memref<10240x32xf32, #tpu.memory_space<vmem_shared>>, %arg9: memref<!tpu.dma_semaphore, #tpu.memory_space<semaphore_mem>>, %arg10: memref<!tpu.dma_semaphore, #tpu.memory_space<semaphore_mem>>, %arg11: memref<!tpu.dma_semaphore, #tpu.memory_space<semaphore_mem>>, %arg12: memref<!tpu.dma_semaphore, #tpu.memory_space<semaphore_mem>>, %arg13: memref<!tpu.dma_semaphore, #tpu.memory_space<semaphore_mem>>, %arg14: memref<!tpu.dma_semaphore, #tpu.memory_space<semaphore_mem>>, %arg15: memref<!tpu.dma_semaphore, #tpu.memory_space<semaphore_mem>>, %arg16: memref<!tpu.dma_semaphore, #tpu.memory_space<semaphore_mem>>, %arg17: memref<!tpu.dma_semaphore, #tpu.memory_space<semaphore_mem>>, %arg18: memref<!tpu.dma_semaphore, #tpu.memory_space<semaphore_mem>>, %arg19: memref<!tpu.dma_semaphore, #tpu.memory_space<semaphore_mem>>, %arg20: memref<!tpu.dma_semaphore, #tpu.memory_space<semaphore_mem>>) attributes {dimension_semantics = [#tpu.dimension_semantics<core_parallel>, #tpu.dimension_semantics<subcore_parallel>], iteration_bounds = array<i64: 2, 16>, scalar_prefetch = 0 : i64, scratch_operands = 16 : i64, tpu.core_type = #tpu.core_type<sc_vector_subcore>, window_params = [{transform_indices = #map}, {transform_indices = #map1}, {transform_indices = #map1}]} {
    %mul3A = arith.constant 2 : i32
    %mul3A_0 = arith.muli %arg1, %mul3A : i32
    %add3A = arith.addi %mul3A_0, %arg0 : i32
    %broadcast_in_dim3A = arith.constant 0.000000e+00 : f32
    %broadcast_in_dim3A_1 = vector.broadcast %broadcast_in_dim3A : f32 to vector<16xf32>
    %mul3A_2 = arith.constant 80 : i32
    %mul3A_3 = arith.muli %add3A, %mul3A_2 : i32
    %dma_start3A = arith.constant 0 : i32
    %dma_start3A_4 = arith.constant 0 : i32
    %dma_start3A_5 = tpu.memref_slice %arg3[%dma_start3A, %mul3A_3, %dma_start3A_4] : memref<2x2560x125xi32, #tpu.memory_space<hbm>> -> memref<1x80x125xi32, #tpu.memory_space<hbm>>
    %dma_start3A_6 = tpu.memref_squeeze %dma_start3A_5 : memref<1x80x125xi32, #tpu.memory_space<hbm>> -> memref<80x125xi32, #tpu.memory_space<hbm>>
    %dma_start3A_7 = arith.constant 0 : i32
    %dma_start3A_8 = tpu.memref_slice %arg3[%dma_start3A, %mul3A_3, %dma_start3A_7] : memref<2x2560x125xi32, #tpu.memory_space<hbm>> -> memref<1x80x125xi32, #tpu.memory_space<hbm>>
    %dma_start3A_9 = tpu.memref_squeeze %dma_start3A_8 : memref<1x80x125xi32, #tpu.memory_space<hbm>> -> memref<80x125xi32, #tpu.memory_space<hbm>>
    tpu.enqueue_dma source(%dma_start3A_9 : memref<80x125xi32, #tpu.memory_space<hbm>>) target(%arg5 : memref<80x125xi32, #tpu.memory_space<vmem>>) target_semaphore(%arg9 : memref<!tpu.dma_semaphore, #tpu.memory_space<semaphore_mem>>)
    %dma_start3A_10 = arith.constant 1 : i32
    %dma_start3A_11 = arith.constant 0 : i32
    %dma_start3A_12 = tpu.memref_slice %arg3[%dma_start3A_10, %mul3A_3, %dma_start3A_11] : memref<2x2560x125xi32, #tpu.memory_space<hbm>> -> memref<1x80x125xi32, #tpu.memory_space<hbm>>
    %dma_start3A_13 = tpu.memref_squeeze %dma_start3A_12 : memref<1x80x125xi32, #tpu.memory_space<hbm>> -> memref<80x125xi32, #tpu.memory_space<hbm>>
    %dma_start3A_14 = arith.constant 0 : i32
    %dma_start3A_15 = tpu.memref_slice %arg3[%dma_start3A_10, %mul3A_3, %dma_start3A_14] : memref<2x2560x125xi32, #tpu.memory_space<hbm>> -> memref<1x80x125xi32, #tpu.memory_space<hbm>>
    %dma_start3A_16 = tpu.memref_squeeze %dma_start3A_15 : memref<1x80x125xi32, #tpu.memory_space<hbm>> -> memref<80x125xi32, #tpu.memory_space<hbm>>
    tpu.enqueue_dma source(%dma_start3A_16 : memref<80x125xi32, #tpu.memory_space<hbm>>) target(%arg6 : memref<80x125xi32, #tpu.memory_space<vmem>>) target_semaphore(%arg10 : memref<!tpu.dma_semaphore, #tpu.memory_space<semaphore_mem>>)
    %scan3A = arith.constant 0 : i32
    %scan3A_17 = arith.constant 0 : i32
    %scan3A_18 = arith.constant 128 : i32
    %scan3A_19 = arith.addi %scan3A_17, %scan3A_18 : i32
    %scan3A_20 = arith.constant 1 : i32
    %scan3A_21 = scf.for %scan3A_106 = %scan3A_17 to %scan3A_19 step %scan3A_20 iter_args(%scan3A_107 = %scan3A) -> (i32)  : i32 {
      %swap3A = arith.index_cast %scan3A_106 : i32 to index
      %swap3A_108 = arith.constant 0 : index
      %swap3A_109 = tpu.vector_load %arg7[%swap3A, %swap3A_108] {strides = array<i32>} : memref<625x32xf32, #tpu.memory_space<vmem>>, vector<1x16xf32>,
      %swap3A_110 = vector.shape_cast %swap3A_109 : vector<1x16xf32> to vector<16xf32>
      %swap3A_111 = vector.shape_cast %broadcast_in_dim3A_1 : vector<16xf32> to vector<1x16xf32>
      tpu.vector_store %arg7[%swap3A, %swap3A_108], %swap3A_111 {strides = array<i32>} : memref<625x32xf32, #tpu.memory_space<vmem>>, vector<1x16xf32>,
      %swap3A_112 = arith.index_cast %scan3A_106 : i32 to index
      %swap3A_113 = arith.constant 16 : index
      %swap3A_114 = tpu.vector_load %arg7[%swap3A_112, %swap3A_113] {strides = array<i32>} : memref<625x32xf32, #tpu.memory_space<vmem>>, vector<1x16xf32>,
      %swap3A_115 = vector.shape_cast %swap3A_114 : vector<1x16xf32> to vector<16xf32>
      %swap3A_116 = vector.shape_cast %broadcast_in_dim3A_1 : vector<16xf32> to vector<1x16xf32>
      tpu.vector_store %arg7[%swap3A_112, %swap3A_113], %swap3A_116 {strides = array<i32>} : memref<625x32xf32, #tpu.memory_space<vmem>>, vector<1x16xf32>,
      %scan3A_117 = arith.constant 0 : i32
      scf.yield %scan3A_117 : i32
    }
    %scan3A_22 = arith.constant 128 : i32
    %mul3A_23 = arith.constant 640 : i32
    %mul3A_24 = arith.muli %arg1, %mul3A_23 : i32
    %add3A_25 = arith.constant 0 : i32
    %add3A_26 = arith.addi %mul3A_24, %add3A_25 : i32
    "tpu.region"() ({
      %run_scoped3A = tpu.sem_alloc : memref<!tpu.dma_semaphore, #tpu.memory_space<semaphore_mem>>
      %dma_start3A_106 = arith.constant 0 : i32
      %dma_start3A_107 = arith.constant 0 : i32
      %dma_start3A_108 = tpu.memref_slice %arg7[%dma_start3A_106, %dma_start3A_107] : memref<625x32xf32, #tpu.memory_space<vmem>> -> memref<128x32xf32, #tpu.memory_space<vmem>>
      %dma_start3A_109 = arith.constant 0 : i32
      %dma_start3A_110 = tpu.memref_slice %arg8[%add3A_26, %dma_start3A_109] : memref<10240x32xf32, #tpu.memory_space<vmem_shared>> -> memref<128x32xf32, #tpu.memory_space<vmem_shared>>
      %dma_start3A_111 = arith.constant 0 : i32
      %dma_start3A_112 = tpu.memref_slice %arg8[%add3A_26, %dma_start3A_111] : memref<10240x32xf32, #tpu.memory_space<vmem_shared>> -> memref<128x32xf32, #tpu.memory_space<vmem_shared>>
      %dma_start3A_113 = arith.constant 0 : i32
      %dma_start3A_114 = arith.constant 0 : i32
      %dma_start3A_115 = tpu.memref_slice %arg7[%dma_start3A_113, %dma_start3A_114] : memref<625x32xf32, #tpu.memory_space<vmem>> -> memref<128x32xf32, #tpu.memory_space<vmem>>
      tpu.enqueue_dma source(%dma_start3A_115 : memref<128x32xf32, #tpu.memory_space<vmem>>) target(%dma_start3A_112 : memref<128x32xf32, #tpu.memory_space<vmem_shared>>) target_semaphore(%run_scoped3A : memref<!tpu.dma_semaphore, #tpu.memory_space<semaphore_mem>>)
      %dma_wait3A_116 = arith.constant 0 : i32
      %dma_wait3A_117 = arith.constant 0 : i32
      %dma_wait3A_118 = tpu.memref_slice %arg7[%dma_wait3A_116, %dma_wait3A_117] : memref<625x32xf32, #tpu.memory_space<vmem>> -> memref<128x32xf32, #tpu.memory_space<vmem>>
      %dma_wait3A_119 = arith.constant 0 : i32
      %dma_wait3A_120 = tpu.memref_slice %arg8[%add3A_26, %dma_wait3A_119] : memref<10240x32xf32, #tpu.memory_space<vmem_shared>> -> memref<128x32xf32, #tpu.memory_space<vmem_shared>>
      %dma_wait3A_121 = arith.constant 0 : i32
      %dma_wait3A_122 = tpu.memref_slice %arg8[%add3A_26, %dma_wait3A_121] : memref<10240x32xf32, #tpu.memory_space<vmem_shared>> -> memref<128x32xf32, #tpu.memory_space<vmem_shared>>
      %dma_wait3A_123 = arith.constant 0 : i32
      %dma_wait3A_124 = arith.constant 0 : i32
      %dma_wait3A_125 = tpu.memref_slice %arg7[%dma_wait3A_123, %dma_wait3A_124] : memref<625x32xf32, #tpu.memory_space<vmem>> -> memref<128x32xf32, #tpu.memory_space<vmem>>
      tpu.wait_dma2 semaphore(%run_scoped3A : memref<!tpu.dma_semaphore, #tpu.memory_space<semaphore_mem>>) src(%dma_wait3A_125 : memref<128x32xf32, #tpu.memory_space<vmem>>) dst(%dma_wait3A_122 : memref<128x32xf32, #tpu.memory_space<vmem_shared>>)
      tpu.yield
    }) : () -> ()
    %add3A_27 = arith.constant 128 : i32
    %add3A_28 = arith.addi %mul3A_24, %add3A_27 : i32
    "tpu.region"() ({
      %run_scoped3A = tpu.sem_alloc : memref<!tpu.dma_semaphore, #tpu.memory_space<semaphore_mem>>
      %dma_start3A_106 = arith.constant 0 : i32
      %dma_start3A_107 = arith.constant 0 : i32
      %dma_start3A_108 = tpu.memref_slice %arg7[%dma_start3A_106, %dma_start3A_107] : memref<625x32xf32, #tpu.memory_space<vmem>> -> memref<128x32xf32, #tpu.memory_space<vmem>>
      %dma_start3A_109 = arith.constant 0 : i32
      %dma_start3A_110 = tpu.memref_slice %arg8[%add3A_28, %dma_start3A_109] : memref<10240x32xf32, #tpu.memory_space<vmem_shared>> -> memref<128x32xf32, #tpu.memory_space<vmem_shared>>
      %dma_start3A_111 = arith.constant 0 : i32
      %dma_start3A_112 = tpu.memref_slice %arg8[%add3A_28, %dma_start3A_111] : memref<10240x32xf32, #tpu.memory_space<vmem_shared>> -> memref<128x32xf32, #tpu.memory_space<vmem_shared>>
      %dma_start3A_113 = arith.constant 0 : i32
      %dma_start3A_114 = arith.constant 0 : i32
      %dma_start3A_115 = tpu.memref_slice %arg7[%dma_start3A_113, %dma_start3A_114] : memref<625x32xf32, #tpu.memory_space<vmem>> -> memref<128x32xf32, #tpu.memory_space<vmem>>
      tpu.enqueue_dma source(%dma_start3A_115 : memref<128x32xf32, #tpu.memory_space<vmem>>) target(%dma_start3A_112 : memref<128x32xf32, #tpu.memory_space<vmem_shared>>) target_semaphore(%run_scoped3A : memref<!tpu.dma_semaphore, #tpu.memory_space<semaphore_mem>>)
      %dma_wait3A_116 = arith.constant 0 : i32
      %dma_wait3A_117 = arith.constant 0 : i32
      %dma_wait3A_118 = tpu.memref_slice %arg7[%dma_wait3A_116, %dma_wait3A_117] : memref<625x32xf32, #tpu.memory_space<vmem>> -> memref<128x32xf32, #tpu.memory_space<vmem>>
      %dma_wait3A_119 = arith.constant 0 : i32
      %dma_wait3A_120 = tpu.memref_slice %arg8[%add3A_28, %dma_wait3A_119] : memref<10240x32xf32, #tpu.memory_space<vmem_shared>> -> memref<128x32xf32, #tpu.memory_space<vmem_shared>>
      %dma_wait3A_121 = arith.constant 0 : i32
      %dma_wait3A_122 = tpu.memref_slice %arg8[%add3A_28, %dma_wait3A_121] : memref<10240x32xf32, #tpu.memory_space<vmem_shared>> -> memref<128x32xf32, #tpu.memory_space<vmem_shared>>
      %dma_wait3A_123 = arith.constant 0 : i32
      %dma_wait3A_124 = arith.constant 0 : i32
      %dma_wait3A_125 = tpu.memref_slice %arg7[%dma_wait3A_123, %dma_wait3A_124] : memref<625x32xf32, #tpu.memory_space<vmem>> -> memref<128x32xf32, #tpu.memory_space<vmem>>
      tpu.wait_dma2 semaphore(%run_scoped3A : memref<!tpu.dma_semaphore, #tpu.memory_space<semaphore_mem>>) src(%dma_wait3A_125 : memref<128x32xf32, #tpu.memory_space<vmem>>) dst(%dma_wait3A_122 : memref<128x32xf32, #tpu.memory_space<vmem_shared>>)
      tpu.yield
    }) : () -> ()
    %add3A_29 = arith.constant 256 : i32
    %add3A_30 = arith.addi %mul3A_24, %add3A_29 : i32
    "tpu.region"() ({
      %run_scoped3A = tpu.sem_alloc : memref<!tpu.dma_semaphore, #tpu.memory_space<semaphore_mem>>
      %dma_start3A_106 = arith.constant 0 : i32
      %dma_start3A_107 = arith.constant 0 : i32
      %dma_start3A_108 = tpu.memref_slice %arg7[%dma_start3A_106, %dma_start3A_107] : memref<625x32xf32, #tpu.memory_space<vmem>> -> memref<128x32xf32, #tpu.memory_space<vmem>>
      %dma_start3A_109 = arith.constant 0 : i32
      %dma_start3A_110 = tpu.memref_slice %arg8[%add3A_30, %dma_start3A_109] : memref<10240x32xf32, #tpu.memory_space<vmem_shared>> -> memref<128x32xf32, #tpu.memory_space<vmem_shared>>
      %dma_start3A_111 = arith.constant 0 : i32
      %dma_start3A_112 = tpu.memref_slice %arg8[%add3A_30, %dma_start3A_111] : memref<10240x32xf32, #tpu.memory_space<vmem_shared>> -> memref<128x32xf32, #tpu.memory_space<vmem_shared>>
      %dma_start3A_113 = arith.constant 0 : i32
      %dma_start3A_114 = arith.constant 0 : i32
      %dma_start3A_115 = tpu.memref_slice %arg7[%dma_start3A_113, %dma_start3A_114] : memref<625x32xf32, #tpu.memory_space<vmem>> -> memref<128x32xf32, #tpu.memory_space<vmem>>
      tpu.enqueue_dma source(%dma_start3A_115 : memref<128x32xf32, #tpu.memory_space<vmem>>) target(%dma_start3A_112 : memref<128x32xf32, #tpu.memory_space<vmem_shared>>) target_semaphore(%run_scoped3A : memref<!tpu.dma_semaphore, #tpu.memory_space<semaphore_mem>>)
      %dma_wait3A_116 = arith.constant 0 : i32
      %dma_wait3A_117 = arith.constant 0 : i32
      %dma_wait3A_118 = tpu.memref_slice %arg7[%dma_wait3A_116, %dma_wait3A_117] : memref<625x32xf32, #tpu.memory_space<vmem>> -> memref<128x32xf32, #tpu.memory_space<vmem>>
      %dma_wait3A_119 = arith.constant 0 : i32
      %dma_wait3A_120 = tpu.memref_slice %arg8[%add3A_30, %dma_wait3A_119] : memref<10240x32xf32, #tpu.memory_space<vmem_shared>> -> memref<128x32xf32, #tpu.memory_space<vmem_shared>>
      %dma_wait3A_121 = arith.constant 0 : i32
      %dma_wait3A_122 = tpu.memref_slice %arg8[%add3A_30, %dma_wait3A_121] : memref<10240x32xf32, #tpu.memory_space<vmem_shared>> -> memref<128x32xf32, #tpu.memory_space<vmem_shared>>
      %dma_wait3A_123 = arith.constant 0 : i32
      %dma_wait3A_124 = arith.constant 0 : i32
      %dma_wait3A_125 = tpu.memref_slice %arg7[%dma_wait3A_123, %dma_wait3A_124] : memref<625x32xf32, #tpu.memory_space<vmem>> -> memref<128x32xf32, #tpu.memory_space<vmem>>
      tpu.wait_dma2 semaphore(%run_scoped3A : memref<!tpu.dma_semaphore, #tpu.memory_space<semaphore_mem>>) src(%dma_wait3A_125 : memref<128x32xf32, #tpu.memory_space<vmem>>) dst(%dma_wait3A_122 : memref<128x32xf32, #tpu.memory_space<vmem_shared>>)
      tpu.yield
    }) : () -> ()
    %add3A_31 = arith.constant 384 : i32
    %add3A_32 = arith.addi %mul3A_24, %add3A_31 : i32
    "tpu.region"() ({
      %run_scoped3A = tpu.sem_alloc : memref<!tpu.dma_semaphore, #tpu.memory_space<semaphore_mem>>
      %dma_start3A_106 = arith.constant 0 : i32
      %dma_start3A_107 = arith.constant 0 : i32
      %dma_start3A_108 = tpu.memref_slice %arg7[%dma_start3A_106, %dma_start3A_107] : memref<625x32xf32, #tpu.memory_space<vmem>> -> memref<128x32xf32, #tpu.memory_space<vmem>>
      %dma_start3A_109 = arith.constant 0 : i32
      %dma_start3A_110 = tpu.memref_slice %arg8[%add3A_32, %dma_start3A_109] : memref<10240x32xf32, #tpu.memory_space<vmem_shared>> -> memref<128x32xf32, #tpu.memory_space<vmem_shared>>
      %dma_start3A_111 = arith.constant 0 : i32
      %dma_start3A_112 = tpu.memref_slice %arg8[%add3A_32, %dma_start3A_111] : memref<10240x32xf32, #tpu.memory_space<vmem_shared>> -> memref<128x32xf32, #tpu.memory_space<vmem_shared>>
      %dma_start3A_113 = arith.constant 0 : i32
      %dma_start3A_114 = arith.constant 0 : i32
      %dma_start3A_115 = tpu.memref_slice %arg7[%dma_start3A_113, %dma_start3A_114] : memref<625x32xf32, #tpu.memory_space<vmem>> -> memref<128x32xf32, #tpu.memory_space<vmem>>
      tpu.enqueue_dma source(%dma_start3A_115 : memref<128x32xf32, #tpu.memory_space<vmem>>) target(%dma_start3A_112 : memref<128x32xf32, #tpu.memory_space<vmem_shared>>) target_semaphore(%run_scoped3A : memref<!tpu.dma_semaphore, #tpu.memory_space<semaphore_mem>>)
      %dma_wait3A_116 = arith.constant 0 : i32
      %dma_wait3A_117 = arith.constant 0 : i32
      %dma_wait3A_118 = tpu.memref_slice %arg7[%dma_wait3A_116, %dma_wait3A_117] : memref<625x32xf32, #tpu.memory_space<vmem>> -> memref<128x32xf32, #tpu.memory_space<vmem>>
      %dma_wait3A_119 = arith.constant 0 : i32
      %dma_wait3A_120 = tpu.memref_slice %arg8[%add3A_32, %dma_wait3A_119] : memref<10240x32xf32, #tpu.memory_space<vmem_shared>> -> memref<128x32xf32, #tpu.memory_space<vmem_shared>>
      %dma_wait3A_121 = arith.constant 0 : i32
      %dma_wait3A_122 = tpu.memref_slice %arg8[%add3A_32, %dma_wait3A_121] : memref<10240x32xf32, #tpu.memory_space<vmem_shared>> -> memref<128x32xf32, #tpu.memory_space<vmem_shared>>
      %dma_wait3A_123 = arith.constant 0 : i32
      %dma_wait3A_124 = arith.constant 0 : i32
      %dma_wait3A_125 = tpu.memref_slice %arg7[%dma_wait3A_123, %dma_wait3A_124] : memref<625x32xf32, #tpu.memory_space<vmem>> -> memref<128x32xf32, #tpu.memory_space<vmem>>
      tpu.wait_dma2 semaphore(%run_scoped3A : memref<!tpu.dma_semaphore, #tpu.memory_space<semaphore_mem>>) src(%dma_wait3A_125 : memref<128x32xf32, #tpu.memory_space<vmem>>) dst(%dma_wait3A_122 : memref<128x32xf32, #tpu.memory_space<vmem_shared>>)
      tpu.yield
    }) : () -> ()
    %add3A_33 = arith.constant 512 : i32
    %add3A_34 = arith.addi %mul3A_24, %add3A_33 : i32
    "tpu.region"() ({
      %run_scoped3A = tpu.sem_alloc : memref<!tpu.dma_semaphore, #tpu.memory_space<semaphore_mem>>
      %dma_start3A_106 = arith.constant 0 : i32
      %dma_start3A_107 = arith.constant 0 : i32
      %dma_start3A_108 = tpu.memref_slice %arg7[%dma_start3A_106, %dma_start3A_107] : memref<625x32xf32, #tpu.memory_space<vmem>> -> memref<128x32xf32, #tpu.memory_space<vmem>>
      %dma_start3A_109 = arith.constant 0 : i32
      %dma_start3A_110 = tpu.memref_slice %arg8[%add3A_34, %dma_start3A_109] : memref<10240x32xf32, #tpu.memory_space<vmem_shared>> -> memref<128x32xf32, #tpu.memory_space<vmem_shared>>
      %dma_start3A_111 = arith.constant 0 : i32
      %dma_start3A_112 = tpu.memref_slice %arg8[%add3A_34, %dma_start3A_111] : memref<10240x32xf32, #tpu.memory_space<vmem_shared>> -> memref<128x32xf32, #tpu.memory_space<vmem_shared>>
      %dma_start3A_113 = arith.constant 0 : i32
      %dma_start3A_114 = arith.constant 0 : i32
      %dma_start3A_115 = tpu.memref_slice %arg7[%dma_start3A_113, %dma_start3A_114] : memref<625x32xf32, #tpu.memory_space<vmem>> -> memref<128x32xf32, #tpu.memory_space<vmem>>
      tpu.enqueue_dma source(%dma_start3A_115 : memref<128x32xf32, #tpu.memory_space<vmem>>) target(%dma_start3A_112 : memref<128x32xf32, #tpu.memory_space<vmem_shared>>) target_semaphore(%run_scoped3A : memref<!tpu.dma_semaphore, #tpu.memory_space<semaphore_mem>>)
      %dma_wait3A_116 = arith.constant 0 : i32
      %dma_wait3A_117 = arith.constant 0 : i32
      %dma_wait3A_118 = tpu.memref_slice %arg7[%dma_wait3A_116, %dma_wait3A_117] : memref<625x32xf32, #tpu.memory_space<vmem>> -> memref<128x32xf32, #tpu.memory_space<vmem>>
      %dma_wait3A_119 = arith.constant 0 : i32
      %dma_wait3A_120 = tpu.memref_slice %arg8[%add3A_34, %dma_wait3A_119] : memref<10240x32xf32, #tpu.memory_space<vmem_shared>> -> memref<128x32xf32, #tpu.memory_space<vmem_shared>>
      %dma_wait3A_121 = arith.constant 0 : i32
      %dma_wait3A_122 = tpu.memref_slice %arg8[%add3A_34, %dma_wait3A_121] : memref<10240x32xf32, #tpu.memory_space<vmem_shared>> -> memref<128x32xf32, #tpu.memory_space<vmem_shared>>
      %dma_wait3A_123 = arith.constant 0 : i32
      %dma_wait3A_124 = arith.constant 0 : i32
      %dma_wait3A_125 = tpu.memref_slice %arg7[%dma_wait3A_123, %dma_wait3A_124] : memref<625x32xf32, #tpu.memory_space<vmem>> -> memref<128x32xf32, #tpu.memory_space<vmem>>
      tpu.wait_dma2 semaphore(%run_scoped3A : memref<!tpu.dma_semaphore, #tpu.memory_space<semaphore_mem>>) src(%dma_wait3A_125 : memref<128x32xf32, #tpu.memory_space<vmem>>) dst(%dma_wait3A_122 : memref<128x32xf32, #tpu.memory_space<vmem_shared>>)
      tpu.yield
    }) : () -> ()
    %dma_wait3A = arith.constant 0 : i32
    %dma_wait3A_35 = arith.constant 0 : i32
    %dma_wait3A_36 = tpu.memref_slice %arg3[%dma_wait3A, %mul3A_3, %dma_wait3A_35] : memref<2x2560x125xi32, #tpu.memory_space<hbm>> -> memref<1x80x125xi32, #tpu.memory_space<hbm>>
    %dma_wait3A_37 = tpu.memref_squeeze %dma_wait3A_36 : memref<1x80x125xi32, #tpu.memory_space<hbm>> -> memref<80x125xi32, #tpu.memory_space<hbm>>
    %dma_wait3A_38 = arith.constant 0 : i32
    %dma_wait3A_39 = tpu.memref_slice %arg3[%dma_wait3A, %mul3A_3, %dma_wait3A_38] : memref<2x2560x125xi32, #tpu.memory_space<hbm>> -> memref<1x80x125xi32, #tpu.memory_space<hbm>>
    %dma_wait3A_40 = tpu.memref_squeeze %dma_wait3A_39 : memref<1x80x125xi32, #tpu.memory_space<hbm>> -> memref<80x125xi32, #tpu.memory_space<hbm>>
    tpu.wait_dma2 semaphore(%arg9 : memref<!tpu.dma_semaphore, #tpu.memory_space<semaphore_mem>>) src(%dma_wait3A_40 : memref<80x125xi32, #tpu.memory_space<hbm>>) dst(%arg5 : memref<80x125xi32, #tpu.memory_space<vmem>>)
    %dma_wait3A_41 = arith.constant 1 : i32
    %dma_wait3A_42 = arith.constant 0 : i32
    %dma_wait3A_43 = tpu.memref_slice %arg3[%dma_wait3A_41, %mul3A_3, %dma_wait3A_42] : memref<2x2560x125xi32, #tpu.memory_space<hbm>> -> memref<1x80x125xi32, #tpu.memory_space<hbm>>
    %dma_wait3A_44 = tpu.memref_squeeze %dma_wait3A_43 : memref<1x80x125xi32, #tpu.memory_space<hbm>> -> memref<80x125xi32, #tpu.memory_space<hbm>>
    %dma_wait3A_45 = arith.constant 0 : i32
    %dma_wait3A_46 = tpu.memref_slice %arg3[%dma_wait3A_41, %mul3A_3, %dma_wait3A_45] : memref<2x2560x125xi32, #tpu.memory_space<hbm>> -> memref<1x80x125xi32, #tpu.memory_space<hbm>>
    %dma_wait3A_47 = tpu.memref_squeeze %dma_wait3A_46 : memref<1x80x125xi32, #tpu.memory_space<hbm>> -> memref<80x125xi32, #tpu.memory_space<hbm>>
    tpu.wait_dma2 semaphore(%arg10 : memref<!tpu.dma_semaphore, #tpu.memory_space<semaphore_mem>>) src(%dma_wait3A_47 : memref<80x125xi32, #tpu.memory_space<hbm>>) dst(%arg6 : memref<80x125xi32, #tpu.memory_space<vmem>>)
    %barrier3A = arith.constant 0 : index
    tpu.barrier barrier_id(%barrier3A)
    %dma_start3A_48 = arith.constant 0 : i32
    %dma_start3A_49 = arith.constant 0 : i32
    %dma_start3A_50 = arith.constant 0 : i32
    %dma_start3A_51 = tpu.memref_slice %arg7[%dma_start3A_49, %dma_start3A_50] : memref<625x32xf32, #tpu.memory_space<vmem>> -> memref<125x32xf32, #tpu.memory_space<vmem>>
    %dma_start3A_52 = arith.constant 0 : i32
    %dma_start3A_53 = tpu.memref_slice %arg5[%dma_start3A_48, %dma_start3A_52] : memref<80x125xi32, #tpu.memory_space<vmem>> -> memref<1x125xi32, #tpu.memory_space<vmem>>
    %dma_start3A_54 = tpu.memref_squeeze %dma_start3A_53 : memref<1x125xi32, #tpu.memory_space<vmem>> -> memref<125xi32, #tpu.memory_space<vmem>>
    %dma_start3A_55 = arith.constant 0 : i32
    %dma_start3A_56 = arith.constant 0 : i32
    %dma_start3A_57 = tpu.memref_slice %arg2[%dma_start3A_55, %dma_start3A_56] : memref<10000x32xf32, #tpu.memory_space<hbm>> -> memref<10000x32xf32, #tpu.memory_space<hbm>>
    tpu.enqueue_indirect_dma source(%dma_start3A_57 : memref<10000x32xf32, #tpu.memory_space<hbm>>) target(%dma_start3A_51 : memref<125x32xf32, #tpu.memory_space<vmem>>) offsets(%dma_start3A_54 : memref<125xi32, #tpu.memory_space<vmem>>) semaphore(%arg11 : memref<!tpu.dma_semaphore, #tpu.memory_space<semaphore_mem>>)
    %dma_start3A_58 = arith.constant 1 : i32
    %dma_start3A_59 = arith.constant 125 : i32
    %dma_start3A_60 = arith.constant 0 : i32
    %dma_start3A_61 = tpu.memref_slice %arg7[%dma_start3A_59, %dma_start3A_60] : memref<625x32xf32, #tpu.memory_space<vmem>> -> memref<125x32xf32, #tpu.memory_space<vmem>>
    %dma_start3A_62 = arith.constant 0 : i32
    %dma_start3A_63 = tpu.memref_slice %arg5[%dma_start3A_58, %dma_start3A_62] : memref<80x125xi32, #tpu.memory_space<vmem>> -> memref<1x125xi32, #tpu.memory_space<vmem>>
    %dma_start3A_64 = tpu.memref_squeeze %dma_start3A_63 : memref<1x125xi32, #tpu.memory_space<vmem>> -> memref<125xi32, #tpu.memory_space<vmem>>
    %dma_start3A_65 = arith.constant 0 : i32
    %dma_start3A_66 = arith.constant 0 : i32
    %dma_start3A_67 = tpu.memref_slice %arg2[%dma_start3A_65, %dma_start3A_66] : memref<10000x32xf32, #tpu.memory_space<hbm>> -> memref<10000x32xf32, #tpu.memory_space<hbm>>
    tpu.enqueue_indirect_dma source(%dma_start3A_67 : memref<10000x32xf32, #tpu.memory_space<hbm>>) target(%dma_start3A_61 : memref<125x32xf32, #tpu.memory_space<vmem>>) offsets(%dma_start3A_64 : memref<125xi32, #tpu.memory_space<vmem>>) semaphore(%arg12 : memref<!tpu.dma_semaphore, #tpu.memory_space<semaphore_mem>>)
    %dma_start3A_68 = arith.constant 2 : i32
    %dma_start3A_69 = arith.constant 250 : i32
    %dma_start3A_70 = arith.constant 0 : i32
    %dma_start3A_71 = tpu.memref_slice %arg7[%dma_start3A_69, %dma_start3A_70] : memref<625x32xf32, #tpu.memory_space<vmem>> -> memref<125x32xf32, #tpu.memory_space<vmem>>
    %dma_start3A_72 = arith.constant 0 : i32
    %dma_start3A_73 = tpu.memref_slice %arg5[%dma_start3A_68, %dma_start3A_72] : memref<80x125xi32, #tpu.memory_space<vmem>> -> memref<1x125xi32, #tpu.memory_space<vmem>>
    %dma_start3A_74 = tpu.memref_squeeze %dma_start3A_73 : memref<1x125xi32, #tpu.memory_space<vmem>> -> memref<125xi32, #tpu.memory_space<vmem>>
    %dma_start3A_75 = arith.constant 0 : i32
    %dma_start3A_76 = arith.constant 0 : i32
    %dma_start3A_77 = tpu.memref_slice %arg2[%dma_start3A_75, %dma_start3A_76] : memref<10000x32xf32, #tpu.memory_space<hbm>> -> memref<10000x32xf32, #tpu.memory_space<hbm>>
    tpu.enqueue_indirect_dma source(%dma_start3A_77 : memref<10000x32xf32, #tpu.memory_space<hbm>>) target(%dma_start3A_71 : memref<125x32xf32, #tpu.memory_space<vmem>>) offsets(%dma_start3A_74 : memref<125xi32, #tpu.memory_space<vmem>>) semaphore(%arg13 : memref<!tpu.dma_semaphore, #tpu.memory_space<semaphore_mem>>)
    %dma_start3A_78 = arith.constant 3 : i32
    %dma_start3A_79 = arith.constant 375 : i32
    %dma_start3A_80 = arith.constant 0 : i32
    %dma_start3A_81 = tpu.memref_slice %arg7[%dma_start3A_79, %dma_start3A_80] : memref<625x32xf32, #tpu.memory_space<vmem>> -> memref<125x32xf32, #tpu.memory_space<vmem>>
    %dma_start3A_82 = arith.constant 0 : i32
    %dma_start3A_83 = tpu.memref_slice %arg5[%dma_start3A_78, %dma_start3A_82] : memref<80x125xi32, #tpu.memory_space<vmem>> -> memref<1x125xi32, #tpu.memory_space<vmem>>
    %dma_start3A_84 = tpu.memref_squeeze %dma_start3A_83 : memref<1x125xi32, #tpu.memory_space<vmem>> -> memref<125xi32, #tpu.memory_space<vmem>>
    %dma_start3A_85 = arith.constant 0 : i32
    %dma_start3A_86 = arith.constant 0 : i32
    %dma_start3A_87 = tpu.memref_slice %arg2[%dma_start3A_85, %dma_start3A_86] : memref<10000x32xf32, #tpu.memory_space<hbm>> -> memref<10000x32xf32, #tpu.memory_space<hbm>>
    tpu.enqueue_indirect_dma source(%dma_start3A_87 : memref<10000x32xf32, #tpu.memory_space<hbm>>) target(%dma_start3A_81 : memref<125x32xf32, #tpu.memory_space<vmem>>) offsets(%dma_start3A_84 : memref<125xi32, #tpu.memory_space<vmem>>) semaphore(%arg14 : memref<!tpu.dma_semaphore, #tpu.memory_space<semaphore_mem>>)
    %dma_start3A_88 = arith.constant 4 : i32
    %dma_start3A_89 = arith.constant 500 : i32
    %dma_start3A_90 = arith.constant 0 : i32
    %dma_start3A_91 = tpu.memref_slice %arg7[%dma_start3A_89, %dma_start3A_90] : memref<625x32xf32, #tpu.memory_space<vmem>> -> memref<125x32xf32, #tpu.memory_space<vmem>>
    %dma_start3A_92 = arith.constant 0 : i32
    %dma_start3A_93 = tpu.memref_slice %arg5[%dma_start3A_88, %dma_start3A_92] : memref<80x125xi32, #tpu.memory_space<vmem>> -> memref<1x125xi32, #tpu.memory_space<vmem>>
    %dma_start3A_94 = tpu.memref_squeeze %dma_start3A_93 : memref<1x125xi32, #tpu.memory_space<vmem>> -> memref<125xi32, #tpu.memory_space<vmem>>
    %dma_start3A_95 = arith.constant 0 : i32
    %dma_start3A_96 = arith.constant 0 : i32
    %dma_start3A_97 = tpu.memref_slice %arg2[%dma_start3A_95, %dma_start3A_96] : memref<10000x32xf32, #tpu.memory_space<hbm>> -> memref<10000x32xf32, #tpu.memory_space<hbm>>
    tpu.enqueue_indirect_dma source(%dma_start3A_97 : memref<10000x32xf32, #tpu.memory_space<hbm>>) target(%dma_start3A_91 : memref<125x32xf32, #tpu.memory_space<vmem>>) offsets(%dma_start3A_94 : memref<125xi32, #tpu.memory_space<vmem>>) semaphore(%arg15 : memref<!tpu.dma_semaphore, #tpu.memory_space<semaphore_mem>>)
    %scan3A_98 = arith.constant 0 : i32
    %scan3A_99 = arith.constant 0 : i32
    %scan3A_100 = arith.constant 16 : i32
    %scan3A_101 = arith.addi %scan3A_99, %scan3A_100 : i32
    %scan3A_102 = arith.constant 1 : i32
    %scan3A_103 = scf.for %scan3A_106 = %scan3A_99 to %scan3A_101 step %scan3A_102 iter_args(%scan3A_107 = %scan3A_98) -> (i32)  : i32 {
      %mul3A_108 = arith.constant 5 : i32
      %mul3A_109 = arith.muli %scan3A_106, %mul3A_108 : i32
      %add3A_110 = arith.constant 0 : i32
      %add3A_111 = arith.addi %mul3A_109, %add3A_110 : i32
      %dma_wait3A_112 = arith.constant 0 : i32
      %dma_wait3A_113 = arith.constant 0 : i32
      %dma_wait3A_114 = tpu.memref_slice %arg7[%dma_wait3A_112, %dma_wait3A_113] : memref<625x32xf32, #tpu.memory_space<vmem>> -> memref<125x32xf32, #tpu.memory_space<vmem>>
      %dma_wait3A_115 = arith.constant 0 : i32
      %dma_wait3A_116 = tpu.memref_slice %arg5[%add3A_111, %dma_wait3A_115] : memref<80x125xi32, #tpu.memory_space<vmem>> -> memref<1x125xi32, #tpu.memory_space<vmem>>
      %dma_wait3A_117 = tpu.memref_squeeze %dma_wait3A_116 : memref<1x125xi32, #tpu.memory_space<vmem>> -> memref<125xi32, #tpu.memory_space<vmem>>
      %dma_wait3A_118 = arith.constant 0 : i32
      %dma_wait3A_119 = arith.constant 0 : i32
      %dma_wait3A_120 = tpu.memref_slice %arg2[%dma_wait3A_118, %dma_wait3A_119] : memref<10000x32xf32, #tpu.memory_space<hbm>> -> memref<10000x32xf32, #tpu.memory_space<hbm>>
      tpu.wait_indirect_dma semaphore(%arg11 : memref<!tpu.dma_semaphore, #tpu.memory_space<semaphore_mem>>) src(%dma_wait3A_120 : memref<10000x32xf32, #tpu.memory_space<hbm>>) dst(%dma_wait3A_114 : memref<125x32xf32, #tpu.memory_space<vmem>>)
      "tpu.region"() ({
        %run_scoped3A = tpu.sem_alloc : memref<!tpu.dma_semaphore, #tpu.memory_space<semaphore_mem>>
        %dma_start3A_206 = arith.constant 0 : i32
        %dma_start3A_207 = arith.constant 0 : i32
        %dma_start3A_208 = tpu.memref_slice %arg7[%dma_start3A_206, %dma_start3A_207] : memref<625x32xf32, #tpu.memory_space<vmem>> -> memref<125x32xf32, #tpu.memory_space<vmem>>
        %dma_start3A_209 = arith.constant 0 : i32
        %dma_start3A_210 = tpu.memref_slice %arg6[%add3A_111, %dma_start3A_209] : memref<80x125xi32, #tpu.memory_space<vmem>> -> memref<1x125xi32, #tpu.memory_space<vmem>>
        %dma_start3A_211 = tpu.memref_squeeze %dma_start3A_210 : memref<1x125xi32, #tpu.memory_space<vmem>> -> memref<125xi32, #tpu.memory_space<vmem>>
        %dma_start3A_212 = arith.constant 0 : i32
        %dma_start3A_213 = arith.constant 0 : i32
        %dma_start3A_214 = tpu.memref_slice %arg8[%dma_start3A_212, %dma_start3A_213] : memref<10240x32xf32, #tpu.memory_space<vmem_shared>> -> memref<10240x32xf32, #tpu.memory_space<vmem_shared>>
        tpu.enqueue_indirect_dma source(%dma_start3A_208 : memref<125x32xf32, #tpu.memory_space<vmem>>) target(%dma_start3A_214 : memref<10240x32xf32, #tpu.memory_space<vmem_shared>>) offsets(%dma_start3A_211 : memref<125xi32, #tpu.memory_space<vmem>>) semaphore(%run_scoped3A : memref<!tpu.dma_semaphore, #tpu.memory_space<semaphore_mem>>) {add = true}
        %dma_wait3A_215 = arith.constant 0 : i32
        %dma_wait3A_216 = arith.constant 0 : i32
        %dma_wait3A_217 = tpu.memref_slice %arg7[%dma_wait3A_215, %dma_wait3A_216] : memref<625x32xf32, #tpu.memory_space<vmem>> -> memref<125x32xf32, #tpu.memory_space<vmem>>
        %dma_wait3A_218 = arith.constant 0 : i32
        %dma_wait3A_219 = tpu.memref_slice %arg6[%add3A_111, %dma_wait3A_218] : memref<80x125xi32, #tpu.memory_space<vmem>> -> memref<1x125xi32, #tpu.memory_space<vmem>>
        %dma_wait3A_220 = tpu.memref_squeeze %dma_wait3A_219 : memref<1x125xi32, #tpu.memory_space<vmem>> -> memref<125xi32, #tpu.memory_space<vmem>>
        %dma_wait3A_221 = arith.constant 0 : i32
        %dma_wait3A_222 = arith.constant 0 : i32
        %dma_wait3A_223 = tpu.memref_slice %arg8[%dma_wait3A_221, %dma_wait3A_222] : memref<10240x32xf32, #tpu.memory_space<vmem_shared>> -> memref<10240x32xf32, #tpu.memory_space<vmem_shared>>
        tpu.wait_indirect_dma semaphore(%run_scoped3A : memref<!tpu.dma_semaphore, #tpu.memory_space<semaphore_mem>>) src(%dma_wait3A_217 : memref<125x32xf32, #tpu.memory_space<vmem>>) dst(%dma_wait3A_223 : memref<10240x32xf32, #tpu.memory_space<vmem_shared>>)
        tpu.yield
      }) : () -> ()
      %add3A_121 = arith.constant 5 : i32
      %add3A_122 = arith.addi %add3A_111, %add3A_121 : i32
      %lt3A = arith.constant 80 : i32
      %lt3A_123 = arith.cmpi slt, %add3A_122, %lt3A : i32
      %convert_element_type3A = arith.extui %lt3A_123 : i1 to i32
      %cond3A = arith.constant 0 : i32
      %cond3A_124 = arith.cmpi ne, %convert_element_type3A, %cond3A : i32
      scf.if %cond3A_124 {
        %add3A_206 = arith.constant 5 : i32
        %add3A_207 = arith.addi %add3A_111, %add3A_206 : i32
        %add3A_208 = arith.constant 5 : i32
        %add3A_209 = arith.addi %add3A_111, %add3A_208 : i32
        %dma_start3A_210 = arith.constant 0 : i32
        %dma_start3A_211 = arith.constant 0 : i32
        %dma_start3A_212 = tpu.memref_slice %arg7[%dma_start3A_210, %dma_start3A_211] : memref<625x32xf32, #tpu.memory_space<vmem>> -> memref<125x32xf32, #tpu.memory_space<vmem>>
        %dma_start3A_213 = arith.constant 0 : i32
        %dma_start3A_214 = tpu.memref_slice %arg5[%add3A_209, %dma_start3A_213] : memref<80x125xi32, #tpu.memory_space<vmem>> -> memref<1x125xi32, #tpu.memory_space<vmem>>
        %dma_start3A_215 = tpu.memref_squeeze %dma_start3A_214 : memref<1x125xi32, #tpu.memory_space<vmem>> -> memref<125xi32, #tpu.memory_space<vmem>>
        %dma_start3A_216 = arith.constant 0 : i32
        %dma_start3A_217 = arith.constant 0 : i32
        %dma_start3A_218 = tpu.memref_slice %arg2[%dma_start3A_216, %dma_start3A_217] : memref<10000x32xf32, #tpu.memory_space<hbm>> -> memref<10000x32xf32, #tpu.memory_space<hbm>>
        tpu.enqueue_indirect_dma source(%dma_start3A_218 : memref<10000x32xf32, #tpu.memory_space<hbm>>) target(%dma_start3A_212 : memref<125x32xf32, #tpu.memory_space<vmem>>) offsets(%dma_start3A_215 : memref<125xi32, #tpu.memory_space<vmem>>) semaphore(%arg11 : memref<!tpu.dma_semaphore, #tpu.memory_space<semaphore_mem>>)
      } else {
      }
      %mul3A_125 = arith.constant 5 : i32
      %mul3A_126 = arith.muli %scan3A_106, %mul3A_125 : i32
      %add3A_127 = arith.constant 1 : i32
      %add3A_128 = arith.addi %mul3A_126, %add3A_127 : i32
      %dma_wait3A_129 = arith.constant 125 : i32
      %dma_wait3A_130 = arith.constant 0 : i32
      %dma_wait3A_131 = tpu.memref_slice %arg7[%dma_wait3A_129, %dma_wait3A_130] : memref<625x32xf32, #tpu.memory_space<vmem>> -> memref<125x32xf32, #tpu.memory_space<vmem>>
      %dma_wait3A_132 = arith.constant 0 : i32
      %dma_wait3A_133 = tpu.memref_slice %arg5[%add3A_128, %dma_wait3A_132] : memref<80x125xi32, #tpu.memory_space<vmem>> -> memref<1x125xi32, #tpu.memory_space<vmem>>
      %dma_wait3A_134 = tpu.memref_squeeze %dma_wait3A_133 : memref<1x125xi32, #tpu.memory_space<vmem>> -> memref<125xi32, #tpu.memory_space<vmem>>
      %dma_wait3A_135 = arith.constant 0 : i32
      %dma_wait3A_136 = arith.constant 0 : i32
      %dma_wait3A_137 = tpu.memref_slice %arg2[%dma_wait3A_135, %dma_wait3A_136] : memref<10000x32xf32, #tpu.memory_space<hbm>> -> memref<10000x32xf32, #tpu.memory_space<hbm>>
      tpu.wait_indirect_dma semaphore(%arg12 : memref<!tpu.dma_semaphore, #tpu.memory_space<semaphore_mem>>) src(%dma_wait3A_137 : memref<10000x32xf32, #tpu.memory_space<hbm>>) dst(%dma_wait3A_131 : memref<125x32xf32, #tpu.memory_space<vmem>>)
      "tpu.region"() ({
        %run_scoped3A = tpu.sem_alloc : memref<!tpu.dma_semaphore, #tpu.memory_space<semaphore_mem>>
        %dma_start3A_206 = arith.constant 125 : i32
        %dma_start3A_207 = arith.constant 0 : i32
        %dma_start3A_208 = tpu.memref_slice %arg7[%dma_start3A_206, %dma_start3A_207] : memref<625x32xf32, #tpu.memory_space<vmem>> -> memref<125x32xf32, #tpu.memory_space<vmem>>
        %dma_start3A_209 = arith.constant 0 : i32
        %dma_start3A_210 = tpu.memref_slice %arg6[%add3A_128, %dma_start3A_209] : memref<80x125xi32, #tpu.memory_space<vmem>> -> memref<1x125xi32, #tpu.memory_space<vmem>>
        %dma_start3A_211 = tpu.memref_squeeze %dma_start3A_210 : memref<1x125xi32, #tpu.memory_space<vmem>> -> memref<125xi32, #tpu.memory_space<vmem>>
        %dma_start3A_212 = arith.constant 0 : i32
        %dma_start3A_213 = arith.constant 0 : i32
        %dma_start3A_214 = tpu.memref_slice %arg8[%dma_start3A_212, %dma_start3A_213] : memref<10240x32xf32, #tpu.memory_space<vmem_shared>> -> memref<10240x32xf32, #tpu.memory_space<vmem_shared>>
        tpu.enqueue_indirect_dma source(%dma_start3A_208 : memref<125x32xf32, #tpu.memory_space<vmem>>) target(%dma_start3A_214 : memref<10240x32xf32, #tpu.memory_space<vmem_shared>>) offsets(%dma_start3A_211 : memref<125xi32, #tpu.memory_space<vmem>>) semaphore(%run_scoped3A : memref<!tpu.dma_semaphore, #tpu.memory_space<semaphore_mem>>) {add = true}
        %dma_wait3A_215 = arith.constant 125 : i32
        %dma_wait3A_216 = arith.constant 0 : i32
        %dma_wait3A_217 = tpu.memref_slice %arg7[%dma_wait3A_215, %dma_wait3A_216] : memref<625x32xf32, #tpu.memory_space<vmem>> -> memref<125x32xf32, #tpu.memory_space<vmem>>
        %dma_wait3A_218 = arith.constant 0 : i32
        %dma_wait3A_219 = tpu.memref_slice %arg6[%add3A_128, %dma_wait3A_218] : memref<80x125xi32, #tpu.memory_space<vmem>> -> memref<1x125xi32, #tpu.memory_space<vmem>>
        %dma_wait3A_220 = tpu.memref_squeeze %dma_wait3A_219 : memref<1x125xi32, #tpu.memory_space<vmem>> -> memref<125xi32, #tpu.memory_space<vmem>>
        %dma_wait3A_221 = arith.constant 0 : i32
        %dma_wait3A_222 = arith.constant 0 : i32
        %dma_wait3A_223 = tpu.memref_slice %arg8[%dma_wait3A_221, %dma_wait3A_222] : memref<10240x32xf32, #tpu.memory_space<vmem_shared>> -> memref<10240x32xf32, #tpu.memory_space<vmem_shared>>
        tpu.wait_indirect_dma semaphore(%run_scoped3A : memref<!tpu.dma_semaphore, #tpu.memory_space<semaphore_mem>>) src(%dma_wait3A_217 : memref<125x32xf32, #tpu.memory_space<vmem>>) dst(%dma_wait3A_223 : memref<10240x32xf32, #tpu.memory_space<vmem_shared>>)
        tpu.yield
      }) : () -> ()
      %add3A_138 = arith.constant 5 : i32
      %add3A_139 = arith.addi %add3A_128, %add3A_138 : i32
      %lt3A_140 = arith.constant 80 : i32
      %lt3A_141 = arith.cmpi slt, %add3A_139, %lt3A_140 : i32
      %convert_element_type3A_142 = arith.extui %lt3A_141 : i1 to i32
      %cond3A_143 = arith.constant 0 : i32
      %cond3A_144 = arith.cmpi ne, %convert_element_type3A_142, %cond3A_143 : i32
      scf.if %cond3A_144 {
        %add3A_206 = arith.constant 5 : i32
        %add3A_207 = arith.addi %add3A_128, %add3A_206 : i32
        %add3A_208 = arith.constant 5 : i32
        %add3A_209 = arith.addi %add3A_128, %add3A_208 : i32
        %dma_start3A_210 = arith.constant 125 : i32
        %dma_start3A_211 = arith.constant 0 : i32
        %dma_start3A_212 = tpu.memref_slice %arg7[%dma_start3A_210, %dma_start3A_211] : memref<625x32xf32, #tpu.memory_space<vmem>> -> memref<125x32xf32, #tpu.memory_space<vmem>>
        %dma_start3A_213 = arith.constant 0 : i32
        %dma_start3A_214 = tpu.memref_slice %arg5[%add3A_209, %dma_start3A_213] : memref<80x125xi32, #tpu.memory_space<vmem>> -> memref<1x125xi32, #tpu.memory_space<vmem>>
        %dma_start3A_215 = tpu.memref_squeeze %dma_start3A_214 : memref<1x125xi32, #tpu.memory_space<vmem>> -> memref<125xi32, #tpu.memory_space<vmem>>
        %dma_start3A_216 = arith.constant 0 : i32
        %dma_start3A_217 = arith.constant 0 : i32
        %dma_start3A_218 = tpu.memref_slice %arg2[%dma_start3A_216, %dma_start3A_217] : memref<10000x32xf32, #tpu.memory_space<hbm>> -> memref<10000x32xf32, #tpu.memory_space<hbm>>
        tpu.enqueue_indirect_dma source(%dma_start3A_218 : memref<10000x32xf32, #tpu.memory_space<hbm>>) target(%dma_start3A_212 : memref<125x32xf32, #tpu.memory_space<vmem>>) offsets(%dma_start3A_215 : memref<125xi32, #tpu.memory_space<vmem>>) semaphore(%arg12 : memref<!tpu.dma_semaphore, #tpu.memory_space<semaphore_mem>>)
      } else {
      }
      %mul3A_145 = arith.constant 5 : i32
      %mul3A_146 = arith.muli %scan3A_106, %mul3A_145 : i32
      %add3A_147 = arith.constant 2 : i32
      %add3A_148 = arith.addi %mul3A_146, %add3A_147 : i32
      %dma_wait3A_149 = arith.constant 250 : i32
      %dma_wait3A_150 = arith.constant 0 : i32
      %dma_wait3A_151 = tpu.memref_slice %arg7[%dma_wait3A_149, %dma_wait3A_150] : memref<625x32xf32, #tpu.memory_space<vmem>> -> memref<125x32xf32, #tpu.memory_space<vmem>>
      %dma_wait3A_152 = arith.constant 0 : i32
      %dma_wait3A_153 = tpu.memref_slice %arg5[%add3A_148, %dma_wait3A_152] : memref<80x125xi32, #tpu.memory_space<vmem>> -> memref<1x125xi32, #tpu.memory_space<vmem>>
      %dma_wait3A_154 = tpu.memref_squeeze %dma_wait3A_153 : memref<1x125xi32, #tpu.memory_space<vmem>> -> memref<125xi32, #tpu.memory_space<vmem>>
      %dma_wait3A_155 = arith.constant 0 : i32
      %dma_wait3A_156 = arith.constant 0 : i32
      %dma_wait3A_157 = tpu.memref_slice %arg2[%dma_wait3A_155, %dma_wait3A_156] : memref<10000x32xf32, #tpu.memory_space<hbm>> -> memref<10000x32xf32, #tpu.memory_space<hbm>>
      tpu.wait_indirect_dma semaphore(%arg13 : memref<!tpu.dma_semaphore, #tpu.memory_space<semaphore_mem>>) src(%dma_wait3A_157 : memref<10000x32xf32, #tpu.memory_space<hbm>>) dst(%dma_wait3A_151 : memref<125x32xf32, #tpu.memory_space<vmem>>)
      "tpu.region"() ({
        %run_scoped3A = tpu.sem_alloc : memref<!tpu.dma_semaphore, #tpu.memory_space<semaphore_mem>>
        %dma_start3A_206 = arith.constant 250 : i32
        %dma_start3A_207 = arith.constant 0 : i32
        %dma_start3A_208 = tpu.memref_slice %arg7[%dma_start3A_206, %dma_start3A_207] : memref<625x32xf32, #tpu.memory_space<vmem>> -> memref<125x32xf32, #tpu.memory_space<vmem>>
        %dma_start3A_209 = arith.constant 0 : i32
        %dma_start3A_210 = tpu.memref_slice %arg6[%add3A_148, %dma_start3A_209] : memref<80x125xi32, #tpu.memory_space<vmem>> -> memref<1x125xi32, #tpu.memory_space<vmem>>
        %dma_start3A_211 = tpu.memref_squeeze %dma_start3A_210 : memref<1x125xi32, #tpu.memory_space<vmem>> -> memref<125xi32, #tpu.memory_space<vmem>>
        %dma_start3A_212 = arith.constant 0 : i32
        %dma_start3A_213 = arith.constant 0 : i32
        %dma_start3A_214 = tpu.memref_slice %arg8[%dma_start3A_212, %dma_start3A_213] : memref<10240x32xf32, #tpu.memory_space<vmem_shared>> -> memref<10240x32xf32, #tpu.memory_space<vmem_shared>>
        tpu.enqueue_indirect_dma source(%dma_start3A_208 : memref<125x32xf32, #tpu.memory_space<vmem>>) target(%dma_start3A_214 : memref<10240x32xf32, #tpu.memory_space<vmem_shared>>) offsets(%dma_start3A_211 : memref<125xi32, #tpu.memory_space<vmem>>) semaphore(%run_scoped3A : memref<!tpu.dma_semaphore, #tpu.memory_space<semaphore_mem>>) {add = true}
        %dma_wait3A_215 = arith.constant 250 : i32
        %dma_wait3A_216 = arith.constant 0 : i32
        %dma_wait3A_217 = tpu.memref_slice %arg7[%dma_wait3A_215, %dma_wait3A_216] : memref<625x32xf32, #tpu.memory_space<vmem>> -> memref<125x32xf32, #tpu.memory_space<vmem>>
        %dma_wait3A_218 = arith.constant 0 : i32
        %dma_wait3A_219 = tpu.memref_slice %arg6[%add3A_148, %dma_wait3A_218] : memref<80x125xi32, #tpu.memory_space<vmem>> -> memref<1x125xi32, #tpu.memory_space<vmem>>
        %dma_wait3A_220 = tpu.memref_squeeze %dma_wait3A_219 : memref<1x125xi32, #tpu.memory_space<vmem>> -> memref<125xi32, #tpu.memory_space<vmem>>
        %dma_wait3A_221 = arith.constant 0 : i32
        %dma_wait3A_222 = arith.constant 0 : i32
        %dma_wait3A_223 = tpu.memref_slice %arg8[%dma_wait3A_221, %dma_wait3A_222] : memref<10240x32xf32, #tpu.memory_space<vmem_shared>> -> memref<10240x32xf32, #tpu.memory_space<vmem_shared>>
        tpu.wait_indirect_dma semaphore(%run_scoped3A : memref<!tpu.dma_semaphore, #tpu.memory_space<semaphore_mem>>) src(%dma_wait3A_217 : memref<125x32xf32, #tpu.memory_space<vmem>>) dst(%dma_wait3A_223 : memref<10240x32xf32, #tpu.memory_space<vmem_shared>>)
        tpu.yield
      }) : () -> ()
      %add3A_158 = arith.constant 5 : i32
      %add3A_159 = arith.addi %add3A_148, %add3A_158 : i32
      %lt3A_160 = arith.constant 80 : i32
      %lt3A_161 = arith.cmpi slt, %add3A_159, %lt3A_160 : i32
      %convert_element_type3A_162 = arith.extui %lt3A_161 : i1 to i32
      %cond3A_163 = arith.constant 0 : i32
      %cond3A_164 = arith.cmpi ne, %convert_element_type3A_162, %cond3A_163 : i32
      scf.if %cond3A_164 {
        %add3A_206 = arith.constant 5 : i32
        %add3A_207 = arith.addi %add3A_148, %add3A_206 : i32
        %add3A_208 = arith.constant 5 : i32
        %add3A_209 = arith.addi %add3A_148, %add3A_208 : i32
        %dma_start3A_210 = arith.constant 250 : i32
        %dma_start3A_211 = arith.constant 0 : i32
        %dma_start3A_212 = tpu.memref_slice %arg7[%dma_start3A_210, %dma_start3A_211] : memref<625x32xf32, #tpu.memory_space<vmem>> -> memref<125x32xf32, #tpu.memory_space<vmem>>
        %dma_start3A_213 = arith.constant 0 : i32
        %dma_start3A_214 = tpu.memref_slice %arg5[%add3A_209, %dma_start3A_213] : memref<80x125xi32, #tpu.memory_space<vmem>> -> memref<1x125xi32, #tpu.memory_space<vmem>>
        %dma_start3A_215 = tpu.memref_squeeze %dma_start3A_214 : memref<1x125xi32, #tpu.memory_space<vmem>> -> memref<125xi32, #tpu.memory_space<vmem>>
        %dma_start3A_216 = arith.constant 0 : i32
        %dma_start3A_217 = arith.constant 0 : i32
        %dma_start3A_218 = tpu.memref_slice %arg2[%dma_start3A_216, %dma_start3A_217] : memref<10000x32xf32, #tpu.memory_space<hbm>> -> memref<10000x32xf32, #tpu.memory_space<hbm>>
        tpu.enqueue_indirect_dma source(%dma_start3A_218 : memref<10000x32xf32, #tpu.memory_space<hbm>>) target(%dma_start3A_212 : memref<125x32xf32, #tpu.memory_space<vmem>>) offsets(%dma_start3A_215 : memref<125xi32, #tpu.memory_space<vmem>>) semaphore(%arg13 : memref<!tpu.dma_semaphore, #tpu.memory_space<semaphore_mem>>)
      } else {
      }
      %mul3A_165 = arith.constant 5 : i32
      %mul3A_166 = arith.muli %scan3A_106, %mul3A_165 : i32
      %add3A_167 = arith.constant 3 : i32
      %add3A_168 = arith.addi %mul3A_166, %add3A_167 : i32
      %dma_wait3A_169 = arith.constant 375 : i32
      %dma_wait3A_170 = arith.constant 0 : i32
      %dma_wait3A_171 = tpu.memref_slice %arg7[%dma_wait3A_169, %dma_wait3A_170] : memref<625x32xf32, #tpu.memory_space<vmem>> -> memref<125x32xf32, #tpu.memory_space<vmem>>
      %dma_wait3A_172 = arith.constant 0 : i32
      %dma_wait3A_173 = tpu.memref_slice %arg5[%add3A_168, %dma_wait3A_172] : memref<80x125xi32, #tpu.memory_space<vmem>> -> memref<1x125xi32, #tpu.memory_space<vmem>>
      %dma_wait3A_174 = tpu.memref_squeeze %dma_wait3A_173 : memref<1x125xi32, #tpu.memory_space<vmem>> -> memref<125xi32, #tpu.memory_space<vmem>>
      %dma_wait3A_175 = arith.constant 0 : i32
      %dma_wait3A_176 = arith.constant 0 : i32
      %dma_wait3A_177 = tpu.memref_slice %arg2[%dma_wait3A_175, %dma_wait3A_176] : memref<10000x32xf32, #tpu.memory_space<hbm>> -> memref<10000x32xf32, #tpu.memory_space<hbm>>
      tpu.wait_indirect_dma semaphore(%arg14 : memref<!tpu.dma_semaphore, #tpu.memory_space<semaphore_mem>>) src(%dma_wait3A_177 : memref<10000x32xf32, #tpu.memory_space<hbm>>) dst(%dma_wait3A_171 : memref<125x32xf32, #tpu.memory_space<vmem>>)
      "tpu.region"() ({
        %run_scoped3A = tpu.sem_alloc : memref<!tpu.dma_semaphore, #tpu.memory_space<semaphore_mem>>
        %dma_start3A_206 = arith.constant 375 : i32
        %dma_start3A_207 = arith.constant 0 : i32
        %dma_start3A_208 = tpu.memref_slice %arg7[%dma_start3A_206, %dma_start3A_207] : memref<625x32xf32, #tpu.memory_space<vmem>> -> memref<125x32xf32, #tpu.memory_space<vmem>>
        %dma_start3A_209 = arith.constant 0 : i32
        %dma_start3A_210 = tpu.memref_slice %arg6[%add3A_168, %dma_start3A_209] : memref<80x125xi32, #tpu.memory_space<vmem>> -> memref<1x125xi32, #tpu.memory_space<vmem>>
        %dma_start3A_211 = tpu.memref_squeeze %dma_start3A_210 : memref<1x125xi32, #tpu.memory_space<vmem>> -> memref<125xi32, #tpu.memory_space<vmem>>
        %dma_start3A_212 = arith.constant 0 : i32
        %dma_start3A_213 = arith.constant 0 : i32
        %dma_start3A_214 = tpu.memref_slice %arg8[%dma_start3A_212, %dma_start3A_213] : memref<10240x32xf32, #tpu.memory_space<vmem_shared>> -> memref<10240x32xf32, #tpu.memory_space<vmem_shared>>
        tpu.enqueue_indirect_dma source(%dma_start3A_208 : memref<125x32xf32, #tpu.memory_space<vmem>>) target(%dma_start3A_214 : memref<10240x32xf32, #tpu.memory_space<vmem_shared>>) offsets(%dma_start3A_211 : memref<125xi32, #tpu.memory_space<vmem>>) semaphore(%run_scoped3A : memref<!tpu.dma_semaphore, #tpu.memory_space<semaphore_mem>>) {add = true}
        %dma_wait3A_215 = arith.constant 375 : i32
        %dma_wait3A_216 = arith.constant 0 : i32
        %dma_wait3A_217 = tpu.memref_slice %arg7[%dma_wait3A_215, %dma_wait3A_216] : memref<625x32xf32, #tpu.memory_space<vmem>> -> memref<125x32xf32, #tpu.memory_space<vmem>>
        %dma_wait3A_218 = arith.constant 0 : i32
        %dma_wait3A_219 = tpu.memref_slice %arg6[%add3A_168, %dma_wait3A_218] : memref<80x125xi32, #tpu.memory_space<vmem>> -> memref<1x125xi32, #tpu.memory_space<vmem>>
        %dma_wait3A_220 = tpu.memref_squeeze %dma_wait3A_219 : memref<1x125xi32, #tpu.memory_space<vmem>> -> memref<125xi32, #tpu.memory_space<vmem>>
        %dma_wait3A_221 = arith.constant 0 : i32
        %dma_wait3A_222 = arith.constant 0 : i32
        %dma_wait3A_223 = tpu.memref_slice %arg8[%dma_wait3A_221, %dma_wait3A_222] : memref<10240x32xf32, #tpu.memory_space<vmem_shared>> -> memref<10240x32xf32, #tpu.memory_space<vmem_shared>>
        tpu.wait_indirect_dma semaphore(%run_scoped3A : memref<!tpu.dma_semaphore, #tpu.memory_space<semaphore_mem>>) src(%dma_wait3A_217 : memref<125x32xf32, #tpu.memory_space<vmem>>) dst(%dma_wait3A_223 : memref<10240x32xf32, #tpu.memory_space<vmem_shared>>)
        tpu.yield
      }) : () -> ()
      %add3A_178 = arith.constant 5 : i32
      %add3A_179 = arith.addi %add3A_168, %add3A_178 : i32
      %lt3A_180 = arith.constant 80 : i32
      %lt3A_181 = arith.cmpi slt, %add3A_179, %lt3A_180 : i32
      %convert_element_type3A_182 = arith.extui %lt3A_181 : i1 to i32
      %cond3A_183 = arith.constant 0 : i32
      %cond3A_184 = arith.cmpi ne, %convert_element_type3A_182, %cond3A_183 : i32
      scf.if %cond3A_184 {
        %add3A_206 = arith.constant 5 : i32
        %add3A_207 = arith.addi %add3A_168, %add3A_206 : i32
        %add3A_208 = arith.constant 5 : i32
        %add3A_209 = arith.addi %add3A_168, %add3A_208 : i32
        %dma_start3A_210 = arith.constant 375 : i32
        %dma_start3A_211 = arith.constant 0 : i32
        %dma_start3A_212 = tpu.memref_slice %arg7[%dma_start3A_210, %dma_start3A_211] : memref<625x32xf32, #tpu.memory_space<vmem>> -> memref<125x32xf32, #tpu.memory_space<vmem>>
        %dma_start3A_213 = arith.constant 0 : i32
        %dma_start3A_214 = tpu.memref_slice %arg5[%add3A_209, %dma_start3A_213] : memref<80x125xi32, #tpu.memory_space<vmem>> -> memref<1x125xi32, #tpu.memory_space<vmem>>
        %dma_start3A_215 = tpu.memref_squeeze %dma_start3A_214 : memref<1x125xi32, #tpu.memory_space<vmem>> -> memref<125xi32, #tpu.memory_space<vmem>>
        %dma_start3A_216 = arith.constant 0 : i32
        %dma_start3A_217 = arith.constant 0 : i32
        %dma_start3A_218 = tpu.memref_slice %arg2[%dma_start3A_216, %dma_start3A_217] : memref<10000x32xf32, #tpu.memory_space<hbm>> -> memref<10000x32xf32, #tpu.memory_space<hbm>>
        tpu.enqueue_indirect_dma source(%dma_start3A_218 : memref<10000x32xf32, #tpu.memory_space<hbm>>) target(%dma_start3A_212 : memref<125x32xf32, #tpu.memory_space<vmem>>) offsets(%dma_start3A_215 : memref<125xi32, #tpu.memory_space<vmem>>) semaphore(%arg14 : memref<!tpu.dma_semaphore, #tpu.memory_space<semaphore_mem>>)
      } else {
      }
      %mul3A_185 = arith.constant 5 : i32
      %mul3A_186 = arith.muli %scan3A_106, %mul3A_185 : i32
      %add3A_187 = arith.constant 4 : i32
      %add3A_188 = arith.addi %mul3A_186, %add3A_187 : i32
      %dma_wait3A_189 = arith.constant 500 : i32
      %dma_wait3A_190 = arith.constant 0 : i32
      %dma_wait3A_191 = tpu.memref_slice %arg7[%dma_wait3A_189, %dma_wait3A_190] : memref<625x32xf32, #tpu.memory_space<vmem>> -> memref<125x32xf32, #tpu.memory_space<vmem>>
      %dma_wait3A_192 = arith.constant 0 : i32
      %dma_wait3A_193 = tpu.memref_slice %arg5[%add3A_188, %dma_wait3A_192] : memref<80x125xi32, #tpu.memory_space<vmem>> -> memref<1x125xi32, #tpu.memory_space<vmem>>
      %dma_wait3A_194 = tpu.memref_squeeze %dma_wait3A_193 : memref<1x125xi32, #tpu.memory_space<vmem>> -> memref<125xi32, #tpu.memory_space<vmem>>
      %dma_wait3A_195 = arith.constant 0 : i32
      %dma_wait3A_196 = arith.constant 0 : i32
      %dma_wait3A_197 = tpu.memref_slice %arg2[%dma_wait3A_195, %dma_wait3A_196] : memref<10000x32xf32, #tpu.memory_space<hbm>> -> memref<10000x32xf32, #tpu.memory_space<hbm>>
      tpu.wait_indirect_dma semaphore(%arg15 : memref<!tpu.dma_semaphore, #tpu.memory_space<semaphore_mem>>) src(%dma_wait3A_197 : memref<10000x32xf32, #tpu.memory_space<hbm>>) dst(%dma_wait3A_191 : memref<125x32xf32, #tpu.memory_space<vmem>>)
      "tpu.region"() ({
        %run_scoped3A = tpu.sem_alloc : memref<!tpu.dma_semaphore, #tpu.memory_space<semaphore_mem>>
        %dma_start3A_206 = arith.constant 500 : i32
        %dma_start3A_207 = arith.constant 0 : i32
        %dma_start3A_208 = tpu.memref_slice %arg7[%dma_start3A_206, %dma_start3A_207] : memref<625x32xf32, #tpu.memory_space<vmem>> -> memref<125x32xf32, #tpu.memory_space<vmem>>
        %dma_start3A_209 = arith.constant 0 : i32
        %dma_start3A_210 = tpu.memref_slice %arg6[%add3A_188, %dma_start3A_209] : memref<80x125xi32, #tpu.memory_space<vmem>> -> memref<1x125xi32, #tpu.memory_space<vmem>>
        %dma_start3A_211 = tpu.memref_squeeze %dma_start3A_210 : memref<1x125xi32, #tpu.memory_space<vmem>> -> memref<125xi32, #tpu.memory_space<vmem>>
        %dma_start3A_212 = arith.constant 0 : i32
        %dma_start3A_213 = arith.constant 0 : i32
        %dma_start3A_214 = tpu.memref_slice %arg8[%dma_start3A_212, %dma_start3A_213] : memref<10240x32xf32, #tpu.memory_space<vmem_shared>> -> memref<10240x32xf32, #tpu.memory_space<vmem_shared>>
        tpu.enqueue_indirect_dma source(%dma_start3A_208 : memref<125x32xf32, #tpu.memory_space<vmem>>) target(%dma_start3A_214 : memref<10240x32xf32, #tpu.memory_space<vmem_shared>>) offsets(%dma_start3A_211 : memref<125xi32, #tpu.memory_space<vmem>>) semaphore(%run_scoped3A : memref<!tpu.dma_semaphore, #tpu.memory_space<semaphore_mem>>) {add = true}
        %dma_wait3A_215 = arith.constant 500 : i32
        %dma_wait3A_216 = arith.constant 0 : i32
        %dma_wait3A_217 = tpu.memref_slice %arg7[%dma_wait3A_215, %dma_wait3A_216] : memref<625x32xf32, #tpu.memory_space<vmem>> -> memref<125x32xf32, #tpu.memory_space<vmem>>
        %dma_wait3A_218 = arith.constant 0 : i32
        %dma_wait3A_219 = tpu.memref_slice %arg6[%add3A_188, %dma_wait3A_218] : memref<80x125xi32, #tpu.memory_space<vmem>> -> memref<1x125xi32, #tpu.memory_space<vmem>>
        %dma_wait3A_220 = tpu.memref_squeeze %dma_wait3A_219 : memref<1x125xi32, #tpu.memory_space<vmem>> -> memref<125xi32, #tpu.memory_space<vmem>>
        %dma_wait3A_221 = arith.constant 0 : i32
        %dma_wait3A_222 = arith.constant 0 : i32
        %dma_wait3A_223 = tpu.memref_slice %arg8[%dma_wait3A_221, %dma_wait3A_222] : memref<10240x32xf32, #tpu.memory_space<vmem_shared>> -> memref<10240x32xf32, #tpu.memory_space<vmem_shared>>
        tpu.wait_indirect_dma semaphore(%run_scoped3A : memref<!tpu.dma_semaphore, #tpu.memory_space<semaphore_mem>>) src(%dma_wait3A_217 : memref<125x32xf32, #tpu.memory_space<vmem>>) dst(%dma_wait3A_223 : memref<10240x32xf32, #tpu.memory_space<vmem_shared>>)
        tpu.yield
      }) : () -> ()
      %add3A_198 = arith.constant 5 : i32
      %add3A_199 = arith.addi %add3A_188, %add3A_198 : i32
      %lt3A_200 = arith.constant 80 : i32
      %lt3A_201 = arith.cmpi slt, %add3A_199, %lt3A_200 : i32
      %convert_element_type3A_202 = arith.extui %lt3A_201 : i1 to i32
      %cond3A_203 = arith.constant 0 : i32
      %cond3A_204 = arith.cmpi ne, %convert_element_type3A_202, %cond3A_203 : i32
      scf.if %cond3A_204 {
        %add3A_206 = arith.constant 5 : i32
        %add3A_207 = arith.addi %add3A_188, %add3A_206 : i32
        %add3A_208 = arith.constant 5 : i32
        %add3A_209 = arith.addi %add3A_188, %add3A_208 : i32
        %dma_start3A_210 = arith.constant 500 : i32
        %dma_start3A_211 = arith.constant 0 : i32
        %dma_start3A_212 = tpu.memref_slice %arg7[%dma_start3A_210, %dma_start3A_211] : memref<625x32xf32, #tpu.memory_space<vmem>> -> memref<125x32xf32, #tpu.memory_space<vmem>>
        %dma_start3A_213 = arith.constant 0 : i32
        %dma_start3A_214 = tpu.memref_slice %arg5[%add3A_209, %dma_start3A_213] : memref<80x125xi32, #tpu.memory_space<vmem>> -> memref<1x125xi32, #tpu.memory_space<vmem>>
        %dma_start3A_215 = tpu.memref_squeeze %dma_start3A_214 : memref<1x125xi32, #tpu.memory_space<vmem>> -> memref<125xi32, #tpu.memory_space<vmem>>
        %dma_start3A_216 = arith.constant 0 : i32
        %dma_start3A_217 = arith.constant 0 : i32
        %dma_start3A_218 = tpu.memref_slice %arg2[%dma_start3A_216, %dma_start3A_217] : memref<10000x32xf32, #tpu.memory_space<hbm>> -> memref<10000x32xf32, #tpu.memory_space<hbm>>
        tpu.enqueue_indirect_dma source(%dma_start3A_218 : memref<10000x32xf32, #tpu.memory_space<hbm>>) target(%dma_start3A_212 : memref<125x32xf32, #tpu.memory_space<vmem>>) offsets(%dma_start3A_215 : memref<125xi32, #tpu.memory_space<vmem>>) semaphore(%arg15 : memref<!tpu.dma_semaphore, #tpu.memory_space<semaphore_mem>>)
      } else {
      }
      %scan3A_205 = arith.constant 0 : i32
      scf.yield %scan3A_205 : i32
    }
    %scan3A_104 = arith.constant 16 : i32
    %barrier3A_105 = arith.constant 0 : index
    tpu.barrier barrier_id(%barrier3A_105)
    "tpu.region"() ({
      %run_scoped3A = tpu.sem_alloc : memref<!tpu.dma_semaphore, #tpu.memory_space<semaphore_mem>>
      %dma_start3A_106 = arith.constant 0 : i32
      %dma_start3A_107 = tpu.memref_slice %arg4[%arg0, %mul3A_24, %dma_start3A_106] : memref<2x10240x32xf32, #tpu.memory_space<hbm>> -> memref<1x640x32xf32, #tpu.memory_space<hbm>>
      %dma_start3A_108 = tpu.memref_squeeze %dma_start3A_107 : memref<1x640x32xf32, #tpu.memory_space<hbm>> -> memref<640x32xf32, #tpu.memory_space<hbm>>
      %dma_start3A_109 = arith.constant 0 : i32
      %dma_start3A_110 = tpu.memref_slice %arg8[%mul3A_24, %dma_start3A_109] : memref<10240x32xf32, #tpu.memory_space<vmem_shared>> -> memref<640x32xf32, #tpu.memory_space<vmem_shared>>
      tpu.enqueue_dma source(%dma_start3A_110 : memref<640x32xf32, #tpu.memory_space<vmem_shared>>) target(%dma_start3A_108 : memref<640x32xf32, #tpu.memory_space<hbm>>) target_semaphore(%run_scoped3A : memref<!tpu.dma_semaphore, #tpu.memory_space<semaphore_mem>>)
      %dma_wait3A_111 = arith.constant 0 : i32
      %dma_wait3A_112 = tpu.memref_slice %arg4[%arg0, %mul3A_24, %dma_wait3A_111] : memref<2x10240x32xf32, #tpu.memory_space<hbm>> -> memref<1x640x32xf32, #tpu.memory_space<hbm>>
      %dma_wait3A_113 = tpu.memref_squeeze %dma_wait3A_112 : memref<1x640x32xf32, #tpu.memory_space<hbm>> -> memref<640x32xf32, #tpu.memory_space<hbm>>
      %dma_wait3A_114 = arith.constant 0 : i32
      %dma_wait3A_115 = tpu.memref_slice %arg8[%mul3A_24, %dma_wait3A_114] : memref<10240x32xf32, #tpu.memory_space<vmem_shared>> -> memref<640x32xf32, #tpu.memory_space<vmem_shared>>
      tpu.wait_dma2 semaphore(%run_scoped3A : memref<!tpu.dma_semaphore, #tpu.memory_space<semaphore_mem>>) src(%dma_wait3A_115 : memref<640x32xf32, #tpu.memory_space<vmem_shared>>) dst(%dma_wait3A_113 : memref<640x32xf32, #tpu.memory_space<hbm>>)
      tpu.yield
    }) : () -> ()
    return
  }
}

module attributes {stable_mosaic.version = 14 : i64} {
  func.func @body(%arg0: memref<10000x128xf32, #tpu.memory_space<vmem>>, %arg1: memref<128x128xf32, #tpu.memory_space<vmem>>, %arg2: memref<2x10240xf32, #tpu.memory_space<vmem>>, %arg3: memref<10000x128xf32, #tpu.memory_space<vmem>>, %arg4: memref<1x10240xf32, #tpu.memory_space<vmem>>) attributes {dimension_semantics = [], scalar_prefetch = 0 : i64, scratch_operands = 0 : i64, tpu.core_type = #tpu.core_type<tc>} {
    %get3A = arith.constant 0 : index
    %get3A_0 = arith.constant 0 : index
    %get3A_1 = vector.load %arg2[%get3A, %get3A_0] : memref<2x10240xf32, #tpu.memory_space<vmem>>, vector<1x10240xf32>
    %get3A_2 = arith.constant 1 : index
    %get3A_3 = arith.constant 0 : index
    %get3A_4 = vector.load %arg2[%get3A_2, %get3A_3] : memref<2x10240xf32, #tpu.memory_space<vmem>>, vector<1x10240xf32>
    %add3A = arith.addf %get3A_1, %get3A_4 : vector<1x10240xf32>
    %add3A_5 = arith.constant 1.000000e+00 : f32
    %add3A_6 = vector.broadcast %add3A_5 : f32 to vector<1x10240xf32>
    %add3A_7 = arith.addf %add3A, %add3A_6 : vector<1x10240xf32>
    %sqrt3A = math.sqrt %add3A_7 : vector<1x10240xf32>
    %div3A = arith.constant 1.000000e+00 : f32
    %div3A_8 = vector.broadcast %div3A : f32 to vector<1x10240xf32>
    %div3A_9 = arith.divf %div3A_8, %sqrt3A : vector<1x10240xf32>
    %swap3A = arith.constant 0 : index
    %swap3A_10 = arith.constant 0 : index
    %swap3A_11 = vector.load %arg4[%swap3A, %swap3A_10] : memref<1x10240xf32, #tpu.memory_space<vmem>>, vector<1x10240xf32>
    tpu.vector_store %arg4[%swap3A, %swap3A_10], %div3A_9 {strides = array<i32>} : memref<1x10240xf32, #tpu.memory_space<vmem>>, vector<1x10240xf32>,
    %transpose3A = tpu.transpose %div3A_9, [1, 0] : vector<1x10240xf32> -> vector<10240x1xf32>
    %slice3A = vector.extract_strided_slice %transpose3A {offsets = [0, 0], sizes = [10000, 1], strides = [1, 1]} : vector<10240x1xf32> to vector<10000x1xf32>
    %get3A_12 = arith.constant 0 : index
    %get3A_13 = arith.constant 0 : index
    %get3A_14 = vector.load %arg0[%get3A_12, %get3A_13] : memref<10000x128xf32, #tpu.memory_space<vmem>>, vector<10000x128xf32>
    %get3A_15 = arith.constant 0 : index
    %get3A_16 = arith.constant 0 : index
    %get3A_17 = vector.load %arg1[%get3A_15, %get3A_16] : memref<128x128xf32, #tpu.memory_space<vmem>>, vector<128x128xf32>
    %dot_general3A = arith.constant dense<0.000000e+00> : vector<10000x128xf32>
    %dot_general3A_18 = tpu.matmul %get3A_14, %get3A_17, %dot_general3A {dimension_numbers = #tpu.dot_dimension_numbers<[1], [0], [0], [1], [0, 0, 1, 1], [], []>, transpose_lhs_hint = false} : vector<10000x128xf32>, vector<128x128xf32>, vector<10000x128xf32> -> vector<10000x128xf32>
    %mul3A = vector.broadcast %slice3A : vector<10000x1xf32> to vector<10000x128xf32>
    %mul3A_19 = arith.mulf %dot_general3A_18, %mul3A : vector<10000x128xf32>
    %swap3A_20 = arith.constant 0 : index
    %swap3A_21 = arith.constant 0 : index
    %swap3A_22 = vector.load %arg3[%swap3A_20, %swap3A_21] : memref<10000x128xf32, #tpu.memory_space<vmem>>, vector<10000x128xf32>
    tpu.vector_store %arg3[%swap3A_20, %swap3A_21], %mul3A_19 {strides = array<i32>} : memref<10000x128xf32, #tpu.memory_space<vmem>>, vector<10000x128xf32>,
    return
  }
}

module attributes {stable_mosaic.version = 14 : i64} {
  func.func @body(%arg0: memref<2x10240x128xf32, #tpu.memory_space<vmem>>, %arg1: memref<10000x128xf32, #tpu.memory_space<vmem>>, %arg2: memref<1x10240xf32, #tpu.memory_space<vmem>>, %arg3: memref<1x128xf32, #tpu.memory_space<vmem>>, %arg4: memref<128x64xf32, #tpu.memory_space<vmem>>, %arg5: memref<10000x64xf32, #tpu.memory_space<vmem>>) attributes {dimension_semantics = [], scalar_prefetch = 0 : i64, scratch_operands = 0 : i64, tpu.core_type = #tpu.core_type<tc>} {
    %get3A = arith.constant 0 : index
    %get3A_0 = arith.constant 0 : index
    %get3A_1 = arith.constant 0 : index
    %get3A_2 = vector.load %arg0[%get3A, %get3A_0, %get3A_1] : memref<2x10240x128xf32, #tpu.memory_space<vmem>>, vector<1x10000x128xf32>
    %get3A_3 = vector.shape_cast %get3A_2 : vector<1x10000x128xf32> to vector<10000x128xf32>
    %get3A_4 = arith.constant 1 : index
    %get3A_5 = arith.constant 0 : index
    %get3A_6 = arith.constant 0 : index
    %get3A_7 = vector.load %arg0[%get3A_4, %get3A_5, %get3A_6] : memref<2x10240x128xf32, #tpu.memory_space<vmem>>, vector<1x10000x128xf32>
    %get3A_8 = vector.shape_cast %get3A_7 : vector<1x10000x128xf32> to vector<10000x128xf32>
    %add3A = arith.addf %get3A_3, %get3A_8 : vector<10000x128xf32>
    %get3A_9 = arith.constant 0 : index
    %get3A_10 = arith.constant 0 : index
    %get3A_11 = vector.load %arg2[%get3A_9, %get3A_10] : memref<1x10240xf32, #tpu.memory_space<vmem>>, vector<1x10240xf32>
    %transpose3A = tpu.transpose %get3A_11, [1, 0] : vector<1x10240xf32> -> vector<10240x1xf32>
    %slice3A = vector.extract_strided_slice %transpose3A {offsets = [0, 0], sizes = [10000, 1], strides = [1, 1]} : vector<10240x1xf32> to vector<10000x1xf32>
    %get3A_12 = arith.constant 0 : index
    %get3A_13 = arith.constant 0 : index
    %get3A_14 = vector.load %arg1[%get3A_12, %get3A_13] : memref<10000x128xf32, #tpu.memory_space<vmem>>, vector<10000x128xf32>
    %add3A_15 = arith.addf %add3A, %get3A_14 : vector<10000x128xf32>
    %mul3A = vector.broadcast %slice3A : vector<10000x1xf32> to vector<10000x128xf32>
    %mul3A_16 = arith.mulf %add3A_15, %mul3A : vector<10000x128xf32>
    %get3A_17 = arith.constant 0 : index
    %get3A_18 = arith.constant 0 : index
    %get3A_19 = vector.load %arg3[%get3A_17, %get3A_18] : memref<1x128xf32, #tpu.memory_space<vmem>>, vector<1x128xf32>
    %add3A_20 = vector.broadcast %get3A_19 : vector<1x128xf32> to vector<10000x128xf32>
    %add3A_21 = arith.addf %mul3A_16, %add3A_20 : vector<10000x128xf32>
    %max3A = arith.constant 0.000000e+00 : f32
    %max3A_22 = vector.broadcast %max3A : f32 to vector<10000x128xf32>
    %max3A_23 = arith.maximumf %add3A_21, %max3A_22 : vector<10000x128xf32>
    %get3A_24 = arith.constant 0 : index
    %get3A_25 = arith.constant 0 : index
    %get3A_26 = vector.load %arg4[%get3A_24, %get3A_25] : memref<128x64xf32, #tpu.memory_space<vmem>>, vector<128x64xf32>
    %dot_general3A = arith.constant dense<0.000000e+00> : vector<10000x64xf32>
    %dot_general3A_27 = tpu.matmul %max3A_23, %get3A_26, %dot_general3A {dimension_numbers = #tpu.dot_dimension_numbers<[1], [0], [0], [1], [0, 0, 1, 1], [], []>, transpose_lhs_hint = false} : vector<10000x128xf32>, vector<128x64xf32>, vector<10000x64xf32> -> vector<10000x64xf32>
    %mul3A_28 = vector.broadcast %slice3A : vector<10000x1xf32> to vector<10000x64xf32>
    %mul3A_29 = arith.mulf %dot_general3A_27, %mul3A_28 : vector<10000x64xf32>
    %swap3A = arith.constant 0 : index
    %swap3A_30 = arith.constant 0 : index
    %swap3A_31 = vector.load %arg5[%swap3A, %swap3A_30] : memref<10000x64xf32, #tpu.memory_space<vmem>>, vector<10000x64xf32>
    tpu.vector_store %arg5[%swap3A, %swap3A_30], %mul3A_29 {strides = array<i32>} : memref<10000x64xf32, #tpu.memory_space<vmem>>, vector<10000x64xf32>,
    return
  }
}

module attributes {stable_mosaic.version = 14 : i64} {
  func.func @body(%arg0: memref<2x10240x64xf32, #tpu.memory_space<vmem>>, %arg1: memref<10000x64xf32, #tpu.memory_space<vmem>>, %arg2: memref<1x10240xf32, #tpu.memory_space<vmem>>, %arg3: memref<1x64xf32, #tpu.memory_space<vmem>>, %arg4: memref<64x32xf32, #tpu.memory_space<vmem>>, %arg5: memref<10000x32xf32, #tpu.memory_space<vmem>>) attributes {dimension_semantics = [], scalar_prefetch = 0 : i64, scratch_operands = 0 : i64, tpu.core_type = #tpu.core_type<tc>} {
    %get3A = arith.constant 0 : index
    %get3A_0 = arith.constant 0 : index
    %get3A_1 = arith.constant 0 : index
    %get3A_2 = vector.load %arg0[%get3A, %get3A_0, %get3A_1] : memref<2x10240x64xf32, #tpu.memory_space<vmem>>, vector<1x10000x64xf32>
    %get3A_3 = vector.shape_cast %get3A_2 : vector<1x10000x64xf32> to vector<10000x64xf32>
    %get3A_4 = arith.constant 1 : index
    %get3A_5 = arith.constant 0 : index
    %get3A_6 = arith.constant 0 : index
    %get3A_7 = vector.load %arg0[%get3A_4, %get3A_5, %get3A_6] : memref<2x10240x64xf32, #tpu.memory_space<vmem>>, vector<1x10000x64xf32>
    %get3A_8 = vector.shape_cast %get3A_7 : vector<1x10000x64xf32> to vector<10000x64xf32>
    %add3A = arith.addf %get3A_3, %get3A_8 : vector<10000x64xf32>
    %get3A_9 = arith.constant 0 : index
    %get3A_10 = arith.constant 0 : index
    %get3A_11 = vector.load %arg2[%get3A_9, %get3A_10] : memref<1x10240xf32, #tpu.memory_space<vmem>>, vector<1x10240xf32>
    %transpose3A = tpu.transpose %get3A_11, [1, 0] : vector<1x10240xf32> -> vector<10240x1xf32>
    %slice3A = vector.extract_strided_slice %transpose3A {offsets = [0, 0], sizes = [10000, 1], strides = [1, 1]} : vector<10240x1xf32> to vector<10000x1xf32>
    %get3A_12 = arith.constant 0 : index
    %get3A_13 = arith.constant 0 : index
    %get3A_14 = vector.load %arg1[%get3A_12, %get3A_13] : memref<10000x64xf32, #tpu.memory_space<vmem>>, vector<10000x64xf32>
    %add3A_15 = arith.addf %add3A, %get3A_14 : vector<10000x64xf32>
    %mul3A = vector.broadcast %slice3A : vector<10000x1xf32> to vector<10000x64xf32>
    %mul3A_16 = arith.mulf %add3A_15, %mul3A : vector<10000x64xf32>
    %get3A_17 = arith.constant 0 : index
    %get3A_18 = arith.constant 0 : index
    %get3A_19 = vector.load %arg3[%get3A_17, %get3A_18] : memref<1x64xf32, #tpu.memory_space<vmem>>, vector<1x64xf32>
    %add3A_20 = vector.broadcast %get3A_19 : vector<1x64xf32> to vector<10000x64xf32>
    %add3A_21 = arith.addf %mul3A_16, %add3A_20 : vector<10000x64xf32>
    %max3A = arith.constant 0.000000e+00 : f32
    %max3A_22 = vector.broadcast %max3A : f32 to vector<10000x64xf32>
    %max3A_23 = arith.maximumf %add3A_21, %max3A_22 : vector<10000x64xf32>
    %get3A_24 = arith.constant 0 : index
    %get3A_25 = arith.constant 0 : index
    %get3A_26 = vector.load %arg4[%get3A_24, %get3A_25] : memref<64x32xf32, #tpu.memory_space<vmem>>, vector<64x32xf32>
    %dot_general3A = arith.constant dense<0.000000e+00> : vector<10000x32xf32>
    %dot_general3A_27 = tpu.matmul %max3A_23, %get3A_26, %dot_general3A {dimension_numbers = #tpu.dot_dimension_numbers<[1], [0], [0], [1], [0, 0, 1, 1], [], []>, transpose_lhs_hint = false} : vector<10000x64xf32>, vector<64x32xf32>, vector<10000x32xf32> -> vector<10000x32xf32>
    %mul3A_28 = vector.broadcast %slice3A : vector<10000x1xf32> to vector<10000x32xf32>
    %mul3A_29 = arith.mulf %dot_general3A_27, %mul3A_28 : vector<10000x32xf32>
    %swap3A = arith.constant 0 : index
    %swap3A_30 = arith.constant 0 : index
    %swap3A_31 = vector.load %arg5[%swap3A, %swap3A_30] : memref<10000x32xf32, #tpu.memory_space<vmem>>, vector<10000x32xf32>
    tpu.vector_store %arg5[%swap3A, %swap3A_30], %mul3A_29 {strides = array<i32>} : memref<10000x32xf32, #tpu.memory_space<vmem>>, vector<10000x32xf32>,
    return
  }
}

module attributes {stable_mosaic.version = 14 : i64} {
  func.func @body(%arg0: memref<2x10240x32xf32, #tpu.memory_space<vmem>>, %arg1: memref<10000x32xf32, #tpu.memory_space<vmem>>, %arg2: memref<1x10240xf32, #tpu.memory_space<vmem>>, %arg3: memref<1x32xf32, #tpu.memory_space<vmem>>, %arg4: memref<32x32xf32, #tpu.memory_space<vmem>>, %arg5: memref<32x16xf32, #tpu.memory_space<vmem>>, %arg6: memref<1x16xf32, #tpu.memory_space<vmem>>, %arg7: memref<16x1xf32, #tpu.memory_space<vmem>>, %arg8: memref<1x1xf32, #tpu.memory_space<vmem>>, %arg9: memref<1x1xf32, #tpu.memory_space<vmem>>) attributes {dimension_semantics = [], scalar_prefetch = 0 : i64, scratch_operands = 0 : i64, tpu.core_type = #tpu.core_type<tc>} {
    %get3A = arith.constant 0 : index
    %get3A_0 = arith.constant 0 : index
    %get3A_1 = arith.constant 0 : index
    %get3A_2 = vector.load %arg0[%get3A, %get3A_0, %get3A_1] : memref<2x10240x32xf32, #tpu.memory_space<vmem>>, vector<1x10000x32xf32>
    %get3A_3 = vector.shape_cast %get3A_2 : vector<1x10000x32xf32> to vector<10000x32xf32>
    %get3A_4 = arith.constant 1 : index
    %get3A_5 = arith.constant 0 : index
    %get3A_6 = arith.constant 0 : index
    %get3A_7 = vector.load %arg0[%get3A_4, %get3A_5, %get3A_6] : memref<2x10240x32xf32, #tpu.memory_space<vmem>>, vector<1x10000x32xf32>
    %get3A_8 = vector.shape_cast %get3A_7 : vector<1x10000x32xf32> to vector<10000x32xf32>
    %add3A = arith.addf %get3A_3, %get3A_8 : vector<10000x32xf32>
    %get3A_9 = arith.constant 0 : index
    %get3A_10 = arith.constant 0 : index
    %get3A_11 = vector.load %arg2[%get3A_9, %get3A_10] : memref<1x10240xf32, #tpu.memory_space<vmem>>, vector<1x10240xf32>
    %transpose3A = tpu.transpose %get3A_11, [1, 0] : vector<1x10240xf32> -> vector<10240x1xf32>
    %slice3A = vector.extract_strided_slice %transpose3A {offsets = [0, 0], sizes = [10000, 1], strides = [1, 1]} : vector<10240x1xf32> to vector<10000x1xf32>
    %get3A_12 = arith.constant 0 : index
    %get3A_13 = arith.constant 0 : index
    %get3A_14 = vector.load %arg1[%get3A_12, %get3A_13] : memref<10000x32xf32, #tpu.memory_space<vmem>>, vector<10000x32xf32>
    %add3A_15 = arith.addf %add3A, %get3A_14 : vector<10000x32xf32>
    %mul3A = vector.broadcast %slice3A : vector<10000x1xf32> to vector<10000x32xf32>
    %mul3A_16 = arith.mulf %add3A_15, %mul3A : vector<10000x32xf32>
    %get3A_17 = arith.constant 0 : index
    %get3A_18 = arith.constant 0 : index
    %get3A_19 = vector.load %arg3[%get3A_17, %get3A_18] : memref<1x32xf32, #tpu.memory_space<vmem>>, vector<1x32xf32>
    %add3A_20 = vector.broadcast %get3A_19 : vector<1x32xf32> to vector<10000x32xf32>
    %add3A_21 = arith.addf %mul3A_16, %add3A_20 : vector<10000x32xf32>
    %get3A_22 = arith.constant 0 : index
    %get3A_23 = arith.constant 0 : index
    %get3A_24 = vector.load %arg4[%get3A_22, %get3A_23] : memref<32x32xf32, #tpu.memory_space<vmem>>, vector<32x32xf32>
    %dot_general3A = arith.constant dense<0.000000e+00> : vector<10000x32xf32>
    %dot_general3A_25 = tpu.matmul %add3A_21, %get3A_24, %dot_general3A {dimension_numbers = #tpu.dot_dimension_numbers<[1], [0], [0], [1], [0, 0, 1, 1], [], []>, transpose_lhs_hint = false} : vector<10000x32xf32>, vector<32x32xf32>, vector<10000x32xf32> -> vector<10000x32xf32>
    %reduce_sum3A = arith.constant dense<0.000000e+00> : vector<32xf32>
    %reduce_sum3A_26 = vector.multi_reduction <add>, %dot_general3A_25, %reduce_sum3A [0] : vector<10000x32xf32> to vector<32xf32>
    %broadcast_in_dim3A = vector.shape_cast %reduce_sum3A_26 : vector<32xf32> to vector<1x32xf32>
    %mul3A_27 = arith.constant 9.99999974E-5 : f32
    %mul3A_28 = vector.broadcast %mul3A_27 : f32 to vector<1x32xf32>
    %mul3A_29 = arith.mulf %broadcast_in_dim3A, %mul3A_28 : vector<1x32xf32>
    %tanh3A = math.tanh %mul3A_29 : vector<1x32xf32>
    %mul3A_30 = vector.broadcast %tanh3A : vector<1x32xf32> to vector<10000x32xf32>
    %mul3A_31 = arith.mulf %add3A_21, %mul3A_30 : vector<10000x32xf32>
    %reduce_sum3A_32 = arith.constant dense<0.000000e+00> : vector<10000xf32>
    %reduce_sum3A_33 = vector.multi_reduction <add>, %mul3A_31, %reduce_sum3A_32 [1] : vector<10000x32xf32> to vector<10000xf32>
    %broadcast_in_dim3A_34 = vector.shape_cast %reduce_sum3A_33 : vector<10000xf32> to vector<10000x1xf32>
    %logistic3A = arith.negf %broadcast_in_dim3A_34 : vector<10000x1xf32>
    %logistic3A_35 = math.exp %logistic3A : vector<10000x1xf32>
    %logistic3A_36 = arith.constant 1.000000e+00 : f32
    %logistic3A_37 = vector.broadcast %logistic3A_36 : f32 to vector<10000x1xf32>
    %logistic3A_38 = arith.addf %logistic3A_37, %logistic3A_35 : vector<10000x1xf32>
    %logistic3A_39 = arith.divf %logistic3A_37, %logistic3A_38 : vector<10000x1xf32>
    %mul3A_40 = vector.broadcast %logistic3A_39 : vector<10000x1xf32> to vector<10000x32xf32>
    %mul3A_41 = arith.mulf %add3A_21, %mul3A_40 : vector<10000x32xf32>
    %reduce_sum3A_42 = arith.constant dense<0.000000e+00> : vector<32xf32>
    %reduce_sum3A_43 = vector.multi_reduction <add>, %mul3A_41, %reduce_sum3A_42 [0] : vector<10000x32xf32> to vector<32xf32>
    %broadcast_in_dim3A_44 = vector.shape_cast %reduce_sum3A_43 : vector<32xf32> to vector<1x32xf32>
    %get3A_45 = arith.constant 0 : index
    %get3A_46 = arith.constant 0 : index
    %get3A_47 = vector.load %arg5[%get3A_45, %get3A_46] : memref<32x16xf32, #tpu.memory_space<vmem>>, vector<32x16xf32>
    %dot_general3A_48 = arith.constant dense<0.000000e+00> : vector<1x16xf32>
    %dot_general3A_49 = tpu.matmul %broadcast_in_dim3A_44, %get3A_47, %dot_general3A_48 {dimension_numbers = #tpu.dot_dimension_numbers<[1], [0], [0], [1], [0, 0, 1, 1], [], []>, transpose_lhs_hint = false} : vector<1x32xf32>, vector<32x16xf32>, vector<1x16xf32> -> vector<1x16xf32>
    %get3A_50 = arith.constant 0 : index
    %get3A_51 = arith.constant 0 : index
    %get3A_52 = vector.load %arg6[%get3A_50, %get3A_51] : memref<1x16xf32, #tpu.memory_space<vmem>>, vector<1x16xf32>
    %add3A_53 = arith.addf %dot_general3A_49, %get3A_52 : vector<1x16xf32>
    %max3A = arith.constant 0.000000e+00 : f32
    %max3A_54 = vector.broadcast %max3A : f32 to vector<1x16xf32>
    %max3A_55 = arith.maximumf %add3A_53, %max3A_54 : vector<1x16xf32>
    %get3A_56 = arith.constant 0 : index
    %get3A_57 = arith.constant 0 : index
    %get3A_58 = vector.load %arg7[%get3A_56, %get3A_57] : memref<16x1xf32, #tpu.memory_space<vmem>>, vector<16x1xf32>
    %dot_general3A_59 = arith.constant dense<0.000000e+00> : vector<1x1xf32>
    %dot_general3A_60 = tpu.matmul %max3A_55, %get3A_58, %dot_general3A_59 {dimension_numbers = #tpu.dot_dimension_numbers<[1], [0], [0], [1], [0, 0, 1, 1], [], []>, transpose_lhs_hint = false} : vector<1x16xf32>, vector<16x1xf32>, vector<1x1xf32> -> vector<1x1xf32>
    %get3A_61 = arith.constant 0 : index
    %get3A_62 = arith.constant 0 : index
    %get3A_63 = vector.load %arg8[%get3A_61, %get3A_62] : memref<1x1xf32, #tpu.memory_space<vmem>>, vector<1x1xf32>
    %add3A_64 = arith.addf %dot_general3A_60, %get3A_63 : vector<1x1xf32>
    %logistic3A_65 = arith.negf %add3A_64 : vector<1x1xf32>
    %logistic3A_66 = math.exp %logistic3A_65 : vector<1x1xf32>
    %logistic3A_67 = arith.constant 1.000000e+00 : f32
    %logistic3A_68 = vector.broadcast %logistic3A_67 : f32 to vector<1x1xf32>
    %logistic3A_69 = arith.addf %logistic3A_68, %logistic3A_66 : vector<1x1xf32>
    %logistic3A_70 = arith.divf %logistic3A_68, %logistic3A_69 : vector<1x1xf32>
    %swap3A = arith.constant 0 : index
    %swap3A_71 = arith.constant 0 : index
    %swap3A_72 = vector.load %arg9[%swap3A, %swap3A_71] : memref<1x1xf32, #tpu.memory_space<vmem>>, vector<1x1xf32>
    tpu.vector_store %arg9[%swap3A, %swap3A_71], %logistic3A_70 {strides = array<i32>} : memref<1x1xf32, #tpu.memory_space<vmem>>, vector<1x1xf32>,
    return
  }
}

</mosaic_0001>

<sc_bundles>
// kernel: kernel.10.cloned.1.call-start
scs
__scs_entry_jumppad:
0x0: {  	(pc) =	sbr.rel $0x88, $3  }
0x1: {  	(tag) =	ssettag $0x0;
	lr =	simm.s32 $0x1  }
0x2: {  	[smem:$0x3F94] =	sst lr;
	_ =	strace $0xD0000000  }
0x3: {  	_ = 	snop  }
0x4: {  	_ = 	snop  }
0x5: {  	_ = 	snop  }
0x6: {  	_ = 	snop  }
0x7: {  	_ = 	snop  }
__scs_overlays_trampoline_lowered:
0x8: {  	[smem:$0x3FA3] =	sst s0  }
0x9: {  	[smem:$0x3FA4] =	sst s1  }
0xa: {  	[smem:$0x3FA5] =	sst s2  }
0xb: {  	[smem:$0x3FA6] =	sst s3  }
0xc: {  	[smem:$0x3FA7] =	sst s4  }
0xd: {  	[smem:$0x3FA8] =	sst s5  }
0xe: {  	[smem:$0x3FA9] =	sst s6  }
0xf: {  	[smem:$0x3FAA] =	sst s7  }
0x10: {  	[smem:$0x3FAB] =	sst s8  }
0x11: {  	[smem:$0x3FAC] =	sst s9;
	s0 =	simm.s32 @!p0 $0x0  }
0x12: {  	s1 =	sld [smem:$0x3F92];
	s0 =	simm.s32 @p0 $0x1  }
0x13: {  	[smem:$0x3FAD] =	sst s0;
	s0 =	simm.s32 @!p1 $0x0  }
0x14: {  	s2 =	sld [smem:$0x3F91];
	s0 =	simm.s32 @p1 $0x1  }
0x15: {  	[smem:$0x3FAE] =	sst s0;
	s0 =	simm.s32 @!p2 $0x0  }
0x16: {  	s3 =	sld [smem:$0x3FDB];
	s0 =	simm.s32 @p2 $0x1  }
0x17: {  	s4 =	simm.s32 $0x1BF5;
	[smem:$0x3FB0] =	sst s0  }
0x18: {  	s0 =	sld [smem:$0x3F93];
	_ =	swait.ge [sflag:s4], $0x0  }
0x19: {  	s7 =	sld [smem:$0x3F94]  }
0x1a: {  	s8 =	sadd.s32 $0xFFFFE003, lr  }
0x1b: {  	s9 =	sadd.s32 $0xFFFFFEF7, lr;
	s5 =	simm.s32 $0xFFFFFFFF;
	p2 =	slt.u32 s8, $0xFFFFF086  }
0x1c: {  	p1 =	slt.u32 s9, $0xF7A;
	s5 =	simm.s32 @!p2 $0x0  }
0x1d: {  	s5 =	simm.s32 @p1 $0x1;
	p0 =	seq.s32 s7, s2  }
0x1e: {  	s7 =	smul.u32 @!p0 $0xF7A, s2;
	p2 =	seq.s32 @!p0 s5, $0x0  }
0x1f: {  	s9 =	smul.u32 $0xF7A, s1;
	s8 =	simm.s32 @!p0 $0x1BF5;
	p2 =	por !p2, p0  }
0x20: {  	[sflag:s8] =	ssyncset.s32 @!p0 $0xFFFFF086;
	s6 =	sadd.s32 @!p0 s3, s7;
	s7 =	simm.s32 @!p0 $0x108  }
0x21: {  	s3 =	sadd.s32 s3, s9;
	s6 =	sadd.s32 @!p0 $0x88, s6;
	s7 =	simm.s32 @p2 $0x1082  }
0x22: {  	[simem:s7], [sflag:s8] =	dma.local @!p0 [hbm:s6], $0xF7A  }
0x23: {  	s9 =	sor.u32 $0xD0000000, s2;
	s6 =	simm.s32 $0x108;
	_ =	swait.ge @!p0 [sflag:s8], $0x0  }
0x24: {  	s3 =	sadd.s32 $0x88, s3;
	s6 =	simm.s32 @!p1 $0x1082;
	[sflag:s4] =	ssyncset.s32 $0xFFFFF086  }
0x25: {  	[simem:s6], [sflag:s4] =	dma.local [hbm:s3], $0xF7A  }
0x26: {  	[smem:$0x3F94] =	sst s1;
	(tag) =	ssettag s2;
	_ =	strace s9  }
0x27: {  	s1 =	sld [smem:$0x3FA4]  }
0x28: {  	s2 =	sld [smem:$0x3FA5]  }
0x29: {  	s4 =	sld [smem:$0x3FA7]  }
0x2a: {  	p0 =	seq.s32 s5, $0x0;
	s5 =	sld [smem:$0x3FA8]  }
0x2b: {  	s6 =	sld [smem:$0x3FA9]  }
0x2c: {  	s7 =	sld [smem:$0x3FAA]  }
0x2d: {  	s3 =	simm.s32 $0x108;
	s8 =	sld [smem:$0x3FAB]  }
0x2e: {  	s3 =	simm.s32 @!p0 $0x1082;
	s9 =	sld [smem:$0x3FAC]  }
0x2f: {  	lr =	sadd.s32 s0, s3;
	s0 =	sld [smem:$0x3FA3]  }
0x30: {  	s3 =	sld [smem:$0x3FA6]  }
0x31: {  	[smem:$0x3FAF] =	sst s10  }
0x32: {  	s10 =	sld [smem:$0x3FAD];
	_ =	sdelay $0x3  }
0x33: {  	p0 =	seq.s32 s10, $0x1;
	s10 =	sld [smem:$0x3FAF];
	_ =	sdelay $0x3  }
0x34: {  	[smem:$0x3FAF] =	sst s10  }
0x35: {  	s10 =	sld [smem:$0x3FAE];
	_ =	sdelay $0x3  }
0x36: {  	p1 =	seq.s32 s10, $0x1;
	s10 =	sld [smem:$0x3FAF];
	_ =	sdelay $0x3  }
0x37: {  	[smem:$0x3FAF] =	sst s10  }
0x38: {  	s10 =	sld [smem:$0x3FB0]  }
0x39: {  	_ = 	snop;
	(pc) =	sbr.ind lr, $3  }
0x3a: {  	_ = 	snop  }
0x3b: {  	_ = 	snop  }
0x3c: {  	p2 =	seq.s32 s10, $0x1;
	s10 =	sld [smem:$0x3FAF]  }
0x3d: {  	_ =	shalt  }
0x3e: {  	_ =	shalt  }
0x3f: {  	_ =	shalt  }
0x40: {  	_ =	shalt  }
0x41: {  	_ =	shalt  }
0x42: {  	_ =	shalt  }
0x43: {  	_ =	shalt  }
0x44: {  	_ =	shalt  }
0x45: {  	_ =	shalt  }
0x46: {  	_ =	shalt  }
0x47: {  	_ =	shalt  }
0x48: {  	_ =	shalt  }
0x49: {  	_ =	shalt  }
0x4a: {  	_ =	shalt  }
0x4b: {  	_ =	shalt  }
0x4c: {  	_ =	shalt  }
0x4d: {  	_ =	shalt  }
0x4e: {  	_ =	shalt  }
0x4f: {  	_ =	shalt  }
0x50: {  	_ =	shalt  }
0x51: {  	_ =	shalt  }
0x52: {  	_ =	shalt  }
0x53: {  	_ =	shalt  }
0x54: {  	_ =	shalt  }
0x55: {  	_ =	shalt  }
0x56: {  	_ =	shalt  }
0x57: {  	_ =	shalt  }
0x58: {  	_ =	shalt  }
0x59: {  	_ =	shalt  }
0x5a: {  	_ =	shalt  }
0x5b: {  	_ =	shalt  }
0x5c: {  	_ =	shalt  }
0x5d: {  	_ =	shalt  }
0x5e: {  	_ =	shalt  }
0x5f: {  	_ =	shalt  }
0x60: {  	_ =	shalt  }
0x61: {  	_ =	shalt  }
0x62: {  	_ =	shalt  }
0x63: {  	_ =	shalt  }
0x64: {  	_ =	shalt  }
0x65: {  	_ =	shalt  }
0x66: {  	_ =	shalt  }
0x67: {  	_ =	shalt  }
0x68: {  	_ =	shalt  }
0x69: {  	_ =	shalt  }
0x6a: {  	_ =	shalt  }
0x6b: {  	_ =	shalt  }
0x6c: {  	_ =	shalt  }
0x6d: {  	_ =	shalt  }
0x6e: {  	_ =	shalt  }
0x6f: {  	_ =	shalt  }
0x70: {  	_ =	shalt  }
0x71: {  	_ =	shalt  }
0x72: {  	_ =	shalt  }
0x73: {  	_ =	shalt  }
0x74: {  	_ =	shalt  }
0x75: {  	_ =	shalt  }
0x76: {  	_ =	shalt  }
0x77: {  	_ =	shalt  }
0x78: {  	_ =	shalt  }
0x79: {  	_ =	shalt  }
0x7a: {  	_ =	shalt  }
0x7b: {  	_ =	shalt  }
0x7c: {  	_ =	shalt  }
0x7d: {  	_ =	shalt  }
0x7e: {  	_ =	shalt  }
0x7f: {  	_ =	shalt  }
0x80: {  	_ =	shalt  }
0x81: {  	_ =	shalt  }
0x82: {  	_ =	shalt  }
0x83: {  	_ =	shalt  }
0x84: {  	_ =	shalt  }
0x85: {  	_ =	shalt  }
0x86: {  	_ =	shalt  }
0x87: {  	_ =	shalt  }
.Lfunc_end0:
.L_simem_size_0:
called_computation_lowered:
.L_overlay_start_0:
0x88: {  	s2 =	sld [smem:$0x3FD9]  }
0x89: {  	s3 =	sld [smem:$0x3FFE];
	_ =	sdelay $0x1  }
0x8a: {  	s1 =	srdreg.scid  }
0x8b: {  	s0 =	sand.u32 $0x1, s1  }
0x8c: {  	s16 =	sshll.u32 s0, $0xA;
	s2 =	sadd.s32 s3, s2  }
0x8d: {  	s2 =	sadd.s32 s2, s16  }
0x8e: {  	[smem:$0x3FBB] =	sst s2  }
0x8f: {  	_ = 	snop  }
0x90: {  	(tm) =	ssettm $0x1  }
0x91: {  	s17 =	sld [smem:$0x3FFB];
	_ =	sdelay $0x3  }
0x92: {  	_ =	strace s17  }
0x93: {  	s2 =	sld [smem:$0x3FFC];
	_ =	sdelay $0x3  }
0x94: {  	_ =	strace s2  }
0x95: {  	s2 =	sld [smem:$0x3FFD];
	_ =	sdelay $0x3  }
0x96: {  	_ =	strace s2  }
0x97: {  	_ =	strace $0x8FFFFFFF  }
0x98: {  	s18 =	sld [smem:$0x3FDB];
	_ =	sdelay $0x1  }
0x99: {  	s19 =	simm.s32 $_scs_section_size  }
0x9a: {  	s4 =	simm.s32 $_size__tile_overlayer_lowered;
	s5 =	simm.s32 $_tile_overlayer_lowered  }
0x9b: {  	s22 =	simm.s32 $0x1BFF;
	s21 =	sshll.u32 s5, $0x1;
	s2 =	sadd.s32 s19, s18  }
0x9c: {  	s6 =	simm.s32 $0x0;
	s20 =	sshll.u32 s4, $0x1;
	s4 =	sadd.s32 s21, s2  }
0x9d: {  	[timem:s6], [sflag:s22] =	dma.local [hbm:s4], s20  }
0x9e: {  	_ =	swait.ge [sflag:s22], s20  }
0x9f: {  	s3 =	ssub.s32 $0x0, s20;
	[sflag:s22] =	ssyncset.done $0x0  }
0xa0: {  	[sflag:s22] =	ssyncadd.s32 s3;
	_ =	sdelay $0x1  }
0xa1: {  	s23 =	simm.s32 $0x1B8B  }
0xa2: {  	_ =	swait.ge [sflag:s23], $0x1  }
0xa3: {  	[sflag:s23] =	ssyncset.done $0x0  }
0xa4: {  	s25 =	simm.s32 $0x1B8E;
	s24 =	sld [smem:$0x3FFE];
	[sflag:s23] =	ssyncadd.s32 $0xFFFFFFFF  }
0xa5: {  	s26 =	simm.s32 $execute0_lowered;
	[smem:$0x3FD2] =	sst s25  }
0xa6: {  	s4 =	sshll.u32 s26, $0x1;
	_ =	strace $0x80000046;
	[dreg:$0x1] =	wrdreg $0xFFFFFFFF  }
0xa7: {  	s28 =	simm.s32 $_size_execute0_lowered;
	s2 =	sadd.s32 s2, s4;
	[dreg:$0x0] =	wrdreg $0x0  }
0xa8: {  	s4 =	sshll.u32 s28, $0x1;
	[dreg:$0x2] =	wrdreg s2  }
0xa9: {  	[dreg:$0x3] =	wrdreg s4  }
0xaa: {  	[dreg:$0x4] =	wrdreg $0xC0  }
0xab: {  	_ =	task [dreg:s6], $0x5FFFF  }
0xac: {  	[dreg:$0x1] =	wrdreg $0xFFFFFFFF  }
0xad: {  	[dreg:$0x0] =	wrdreg $0x60  }
0xae: {  	[dreg:$0x2] =	wrdreg s24  }
0xaf: {  	[dreg:$0x3] =	wrdreg $0x2B000  }
0xb0: {  	[dreg:$0x4] =	wrdreg $0x9  }
0xb1: {  	_ =	task.clear_ibuf [dreg:s6], $0x5FFFF;
	_ =	strace $0x90000046  }
0xb2: {  	s29 =	simm.s32 $0x9;
	_ =	strace $0x80000048  }
0xb3: {  	_ =	swait.ge [sflag:s29], $0x1  }
0xb4: {  	[sflag:s29] =	ssyncadd.s32 $0xFFFFFFFF  }
0xb5: {  	_ =	strace $0x90000048  }
0xb6: {  	_ =	sfence  }
0xb7: {  	s30 =	sld [smem:$0x0];
	_ =	sdelay $0x2  }
0xb8: {  	s31 =	sshll.u32 s1, $0xD;
	s1 =	sshrl.u32 s1, $0x2  }
0xb9: {  	s3 =	sand.u32 $0x4000, s31;
	s1 =	sadd.s32 s1, s30  }
0xba: {  	s0 =	sor.u32 s3, s0;
	s1 =	sshll.u32 s1, $0x11  }
0xbb: {  	s0 =	sor.u32 s1, s0  }
0xbc: {  	s0 =	sadd.s32 $0x8F2B, s0  }
0xbd: {  	[sflag:s0] =	ssyncadd.remote.s32 $0x1  }
0xbe: {  	_ =	sfence.sel $0xFFFF  }
0xbf: {  	[dreg:$0x0] =	wrdreg $0xFFFFFFFF;
	(pc) =	sbr.abs _section_cstart, $3  }
0xc0: {  	[dreg:$0x1] =	wrdreg $0xFFFFFFFF  }
0xc1: {  	_ =	task.clear_ibuf [dreg:s6], $0x2FFFF;
	_ =	strace $0x9FFFFFFF  }
0xc2: {  	(tm) =	ssettm $0x7FFFFFFF  }
0xc3: {  	_ =	shalt  }
tec
execute0_lowered:
.L_overlay_start_1:
0x0: {  	(tag) =	ssettag $0x1  }
0x1: {  	s4 =	rddreg [dreg:$0x0]  }
0x2: {  	s2 =	rddreg [dreg:$0x1]  }
0x3: {  	s0 =	rddreg [dreg:$0x2]  }
0x4: {  	s3 =	srdreg.scid;
	s1 =	stileid.u32;
	s10 =	simm.s32 $0x1  }
0x5: {  	s11 =	simm.s32 $0x7D;
	s12 =	simm.s32 $0x2800;
	s13 =	simm.s32 $0x2  }
0x6: {  	s16 =	simm.s32 $0x0;
	s5 =	sand.u32 $0x1, s3;
	s6 =	smul.u32 $0x280, s1  }
0x7: {  	s7 =	sshll.u32 s1, $0x1;
	s3 =	simm.s32 $0x0;
	s14 =	sshll.u32 s1, $0x6  }
0x8: {  	s8 =	smul.u32 $0x2800, s5;
	s7 =	sor.u32 s5, s7;
	[smem:$0x7FF] =	sst s3  }
0x9: {  	s5 =	ssub.s32 $0x2, s5;
	s14 =	sor.u32 $0x1C03, s14;
	s7 =	smul.u32 $0x2800, s7  }
0xa: {  	_ =	strace $0x80000047;
	s9 =	sshrl.u32 s5, $0x1;
	s8 =	sadd.s32 s6, s8  }
0xb: {  	s31 =	ssub.s32 s5, s9;
	s5 =	sadd.s32 s6, s2;
	s9 =	simm.s32 $0x3  }
0xc: {  	s8 =	sshrl.u32 s8, $0x3;
	s7 =	sshrl.u32 s7, $0x3;
	s15 =	sshrl.u32 s5, $0x3  }
0xd: {  	s8 =	sadd.s32 s8, s4;
	s4 =	sadd.s32 s4, s7;
	s7 =	smax.u32 s31, $0x1  }
0xe: {  	v0 =	vimm.f32 $0.0e+00;
	v1 =	vimm.f32 $1.000000000e+00;
	s4 =	sadd.s32 $0xD400, s4;
	s6 =	sadd.s32 $0x17400, s8;
	s8 =	simm.s32 $0x2880  }
.LBB2_1:
0xf: {  	[tilespmem:s3], [sflag:$0x1] =	stream.linear.gather [hbm4b:s4+s3], $0x2800, $0x38;
	[tilespmem:$0x2D80] =	vst v63  }
0x10: {  	[tilespmem:$0x2880] =	vst v0  }
0x11: {  	[tilespmem:$0x2890] =	vst v0  }
0x12: {  	[tilespmem:$0x28A0] =	vst v0  }
0x13: {  	[tilespmem:$0x28B0] =	vst v0  }
0x14: {  	[tilespmem:$0x28C0] =	vst v0  }
0x15: {  	[tilespmem:$0x28D0] =	vst v0  }
0x16: {  	[tilespmem:$0x28E0] =	vst v0  }
0x17: {  	[tilespmem:$0x28F0] =	vst v0  }
0x18: {  	[tilespmem:$0x2900] =	vst v0  }
0x19: {  	[tilespmem:$0x2910] =	vst v0  }
0x1a: {  	[tilespmem:$0x2920] =	vst v0  }
0x1b: {  	[tilespmem:$0x2930] =	vst v0  }
0x1c: {  	[tilespmem:$0x2940] =	vst v0  }
0x1d: {  	[tilespmem:$0x2950] =	vst v0  }
0x1e: {  	[tilespmem:$0x2960] =	vst v0  }
0x1f: {  	[tilespmem:$0x2970] =	vst v0  }
0x20: {  	[tilespmem:$0x2980] =	vst v0  }
0x21: {  	[tilespmem:$0x2990] =	vst v0  }
0x22: {  	[tilespmem:$0x29A0] =	vst v0  }
0x23: {  	[tilespmem:$0x29B0] =	vst v0  }
0x24: {  	[tilespmem:$0x29C0] =	vst v0  }
0x25: {  	[tilespmem:$0x29D0] =	vst v0  }
0x26: {  	[tilespmem:$0x29E0] =	vst v0  }
0x27: {  	[tilespmem:$0x29F0] =	vst v0  }
0x28: {  	[tilespmem:$0x2A00] =	vst v0  }
0x29: {  	[tilespmem:$0x2A10] =	vst v0  }
0x2a: {  	[tilespmem:$0x2A20] =	vst v0  }
0x2b: {  	[tilespmem:$0x2A30] =	vst v0  }
0x2c: {  	[tilespmem:$0x2A40] =	vst v0  }
0x2d: {  	[tilespmem:$0x2A50] =	vst v0  }
0x2e: {  	[tilespmem:$0x2A60] =	vst v0  }
0x2f: {  	[tilespmem:$0x2A70] =	vst v0  }
0x30: {  	[tilespmem:$0x2A80] =	vst v0  }
0x31: {  	[tilespmem:$0x2A90] =	vst v0  }
0x32: {  	[tilespmem:$0x2AA0] =	vst v0  }
0x33: {  	[tilespmem:$0x2AB0] =	vst v0  }
0x34: {  	[tilespmem:$0x2AC0] =	vst v0  }
0x35: {  	[tilespmem:$0x2AD0] =	vst v0  }
0x36: {  	[tilespmem:$0x2AE0] =	vst v0  }
0x37: {  	[tilespmem:$0x2AF0] =	vst v0  }
0x38: {  	[tilespmem:$0x2800] =	vst v1  }
0x39: {  	[tilespmem:$0x2810] =	vst v1  }
0x3a: {  	[tilespmem:$0x2820] =	vst v1  }
0x3b: {  	[tilespmem:$0x2830] =	vst v1  }
0x3c: {  	[tilespmem:$0x2840] =	vst v1  }
0x3d: {  	[tilespmem:$0x2850] =	vst v1  }
0x3e: {  	[tilespmem:$0x2860] =	vst v1  }
0x3f: {  	[tilespmem:$0x2870] =	vst v1  }
0x40: {  	[spmem:s5] =	stream.linear.scatter [tilespmem:s8], [sflag:$0x3], $0x280, $0x38;
	[tilespmem:$0x2D80] =	vst v63  }
0x41: {  	_ =	swait.ge [sflag:s9], $0x280  }
0x42: {  	[sflag:s9] =	ssyncset.done $0x0  }
0x43: {  	[sflag:s9] =	ssyncadd.s32 $0xFFFFFD80  }
0x44: {  	_ =	swait.ge [sflag:s10], $0x2800  }
0x45: {  	[sflag:s10] =	ssyncset.done $0x0  }
0x46: {  	[sflag:s10] =	ssyncadd.s32 $0xFFFFD800  }
0x47: {  	s17 =	simm.s32 $0x0;
	[bflag:$0x0] =	sbarrier.arrive $0xFFFF  }
.LBB2_2:
0x48: {  	p0 =	sne.s32 s17, $0x9E00  }
.Ltmp0:
0x49: {  	_ = 	snop;
	(pc) =	sbr.rel @p0 .LBB2_2-.Ltmp0, $3  }
0x4a: {  	_ =	sdelay $0x1  }
0x4b: {  	s18 =	sshra.s32 s17, $0x2;
	s17 =	sadd.s32 $0x200, s17  }
0x4c: {  	[spmem:s2] =	stream.indirect.scatter.add.f32 [tilespmem:s12], [sflag:$0x2], $0x1, s18, s11, $0xb8;
	[tilespmem:$0x2D80] =	vst v63  }
0x4d: {  	_ =	swait.ge [sflag:s13], $0x7D  }
0x4e: {  	s17 =	simm.s32 $0x4F;
	[sflag:s13] =	ssyncset.done $0x0  }
.LBB2_4:
0x4f: {  	p0 =	sne.s32 s17, $0x1;
	s17 =	sadd.s32 $0xFFFFFFFF, s17;
	[sflag:s13] =	ssyncadd.s32 $0xFFFFFF83  }
.Ltmp1:
0x50: {  	(pc) =	sbr.rel @p0 .LBB2_4-.Ltmp1, $3  }
0x51: {  	_ =	sdelay $0x1  }
0x52: {  	_ =	swait.ge [sflag:s13], $0x7D  }
0x53: {  	[sflag:s13] =	ssyncset.done $0x0  }
0x54: {  	s16 =	sadd.s32 $0x1, s16  }
0x55: {  	[sflag:s13] =	ssyncadd.s32 $0xFFFFFF83;
	p0 =	sne.s32 s16, s7  }
.Ltmp2:
0x56: {  	[bflag:$0x0] =	sbarrier.arrive $0xFFFF;
	(pc) =	sbr.rel @p0 .LBB2_1-.Ltmp2, $4  }
0x57: {  	[hbm:s6], [sflag:s14] =	dma.local [spmem:s15], $0x50  }
0x58: {  	_ =	swait.ge [sflag:s9], $0x50  }
0x59: {  	[sflag:s9] =	ssyncset.done $0x0  }
0x5a: {  	[sflag:s9] =	ssyncadd.s32 $0xFFFFFFB0  }
0x5b: {  	_ =	sfence.sel $0x180000  }
0x5c: {  	[bflag:$0x0] =	sbarrier.arrive $0xFFFF  }
0x5d: {  	p0 =	sne.s32 s1, $0x0;
	_ =	strace $0x90000047  }
0x5e: {  	s0 =	sadd.s32 @!p0 $0x100000, s0;
	[bflag:$0x2] =	sbarrier.arrive $0xFFFF  }
0x5f: {  	[sflag:s0] =	ssyncadd.tile.s32 @!p0 $0x1;
	_ =	shalt  }
.Lfunc_end2:
_tile_overlayer_lowered:
.L_overlay_start_2:
0x60: {  	(tag) =	ssettag $0x2  }
0x61: {  	s0 =	rddreg [dreg:$0x0];
	s2 =	stileid.u32  }
0x62: {  	s1 =	rddreg [dreg:$0x1];
	p0 =	sne.s32 s2, $0x0  }
0x63: {  	s3 =	rddreg [dreg:$0x2];
	[bflag:$0x3] =	sbarrier.arrive $0xFFFF;
	s2 =	simm.s32 @!p0 $0x1C03  }
0x64: {  	[timem:s3], [sflag:s2] =	dma.local @!p0 [hbm:s0], s1  }
0x65: {  	s0 =	simm.s32 @!p0 $0x3  }
0x66: {  	_ =	swait.ge @!p0 [sflag:s0], s1  }
0x67: {  	s1 =	ssub.s32 @!p0 $0x0, s1;
	[sflag:s0] =	ssyncset.done @!p0 $0x0  }
0x68: {  	[sflag:s0] =	ssyncadd.s32 @!p0 s1  }
0x69: {  	[bflag:$0x3] =	sbarrier.arrive $0xFFFF  }
0x6a: {  	_ =	shalt  }

// kernel: kernel.13.cloned.1.call-start
scs
__scs_entry_jumppad:
0x0: {  	(pc) =	sbr.rel $0x88, $3  }
0x1: {  	(tag) =	ssettag $0x0;
	lr =	simm.s32 $0x1  }
0x2: {  	[smem:$0x3F94] =	sst lr;
	_ =	strace $0xD0000000  }
0x3: {  	_ = 	snop  }
0x4: {  	_ = 	snop  }
0x5: {  	_ = 	snop  }
0x6: {  	_ = 	snop  }
0x7: {  	_ = 	snop  }
__scs_overlays_trampoline_lowered:
0x8: {  	[smem:$0x3FA3] =	sst s0  }
0x9: {  	[smem:$0x3FA4] =	sst s1  }
0xa: {  	[smem:$0x3FA5] =	sst s2  }
0xb: {  	[smem:$0x3FA6] =	sst s3  }
0xc: {  	[smem:$0x3FA7] =	sst s4  }
0xd: {  	[smem:$0x3FA8] =	sst s5  }
0xe: {  	[smem:$0x3FA9] =	sst s6  }
0xf: {  	[smem:$0x3FAA] =	sst s7  }
0x10: {  	[smem:$0x3FAB] =	sst s8  }
0x11: {  	[smem:$0x3FAC] =	sst s9;
	s0 =	simm.s32 @!p0 $0x0  }
0x12: {  	s1 =	sld [smem:$0x3F92];
	s0 =	simm.s32 @p0 $0x1  }
0x13: {  	[smem:$0x3FAD] =	sst s0;
	s0 =	simm.s32 @!p1 $0x0  }
0x14: {  	s2 =	sld [smem:$0x3F91];
	s0 =	simm.s32 @p1 $0x1  }
0x15: {  	[smem:$0x3FAE] =	sst s0;
	s0 =	simm.s32 @!p2 $0x0  }
0x16: {  	s3 =	sld [smem:$0x3FDB];
	s0 =	simm.s32 @p2 $0x1  }
0x17: {  	s4 =	simm.s32 $0x1BF5;
	[smem:$0x3FB0] =	sst s0  }
0x18: {  	s0 =	sld [smem:$0x3F93];
	_ =	swait.ge [sflag:s4], $0x0  }
0x19: {  	s7 =	sld [smem:$0x3F94]  }
0x1a: {  	s8 =	sadd.s32 $0xFFFFE003, lr  }
0x1b: {  	s9 =	sadd.s32 $0xFFFFFEF7, lr;
	s5 =	simm.s32 $0xFFFFFFFF;
	p2 =	slt.u32 s8, $0xFFFFF086  }
0x1c: {  	p1 =	slt.u32 s9, $0xF7A;
	s5 =	simm.s32 @!p2 $0x0  }
0x1d: {  	s5 =	simm.s32 @p1 $0x1;
	p0 =	seq.s32 s7, s2  }
0x1e: {  	s7 =	smul.u32 @!p0 $0xF7A, s2;
	p2 =	seq.s32 @!p0 s5, $0x0  }
0x1f: {  	s9 =	smul.u32 $0xF7A, s1;
	s8 =	simm.s32 @!p0 $0x1BF5;
	p2 =	por !p2, p0  }
0x20: {  	[sflag:s8] =	ssyncset.s32 @!p0 $0xFFFFF086;
	s6 =	sadd.s32 @!p0 s3, s7;
	s7 =	simm.s32 @!p0 $0x108  }
0x21: {  	s3 =	sadd.s32 s3, s9;
	s6 =	sadd.s32 @!p0 $0x88, s6;
	s7 =	simm.s32 @p2 $0x1082  }
0x22: {  	[simem:s7], [sflag:s8] =	dma.local @!p0 [hbm:s6], $0xF7A  }
0x23: {  	s9 =	sor.u32 $0xD0000000, s2;
	s6 =	simm.s32 $0x108;
	_ =	swait.ge @!p0 [sflag:s8], $0x0  }
0x24: {  	s3 =	sadd.s32 $0x88, s3;
	s6 =	simm.s32 @!p1 $0x1082;
	[sflag:s4] =	ssyncset.s32 $0xFFFFF086  }
0x25: {  	[simem:s6], [sflag:s4] =	dma.local [hbm:s3], $0xF7A  }
0x26: {  	[smem:$0x3F94] =	sst s1;
	(tag) =	ssettag s2;
	_ =	strace s9  }
0x27: {  	s1 =	sld [smem:$0x3FA4]  }
0x28: {  	s2 =	sld [smem:$0x3FA5]  }
0x29: {  	s4 =	sld [smem:$0x3FA7]  }
0x2a: {  	p0 =	seq.s32 s5, $0x0;
	s5 =	sld [smem:$0x3FA8]  }
0x2b: {  	s6 =	sld [smem:$0x3FA9]  }
0x2c: {  	s7 =	sld [smem:$0x3FAA]  }
0x2d: {  	s3 =	simm.s32 $0x108;
	s8 =	sld [smem:$0x3FAB]  }
0x2e: {  	s3 =	simm.s32 @!p0 $0x1082;
	s9 =	sld [smem:$0x3FAC]  }
0x2f: {  	lr =	sadd.s32 s0, s3;
	s0 =	sld [smem:$0x3FA3]  }
0x30: {  	s3 =	sld [smem:$0x3FA6]  }
0x31: {  	[smem:$0x3FAF] =	sst s10  }
0x32: {  	s10 =	sld [smem:$0x3FAD];
	_ =	sdelay $0x3  }
0x33: {  	p0 =	seq.s32 s10, $0x1;
	s10 =	sld [smem:$0x3FAF];
	_ =	sdelay $0x3  }
0x34: {  	[smem:$0x3FAF] =	sst s10  }
0x35: {  	s10 =	sld [smem:$0x3FAE];
	_ =	sdelay $0x3  }
0x36: {  	p1 =	seq.s32 s10, $0x1;
	s10 =	sld [smem:$0x3FAF];
	_ =	sdelay $0x3  }
0x37: {  	[smem:$0x3FAF] =	sst s10  }
0x38: {  	s10 =	sld [smem:$0x3FB0]  }
0x39: {  	_ = 	snop;
	(pc) =	sbr.ind lr, $3  }
0x3a: {  	_ = 	snop  }
0x3b: {  	_ = 	snop  }
0x3c: {  	p2 =	seq.s32 s10, $0x1;
	s10 =	sld [smem:$0x3FAF]  }
0x3d: {  	_ =	shalt  }
0x3e: {  	_ =	shalt  }
0x3f: {  	_ =	shalt  }
0x40: {  	_ =	shalt  }
0x41: {  	_ =	shalt  }
0x42: {  	_ =	shalt  }
0x43: {  	_ =	shalt  }
0x44: {  	_ =	shalt  }
0x45: {  	_ =	shalt  }
0x46: {  	_ =	shalt  }
0x47: {  	_ =	shalt  }
0x48: {  	_ =	shalt  }
0x49: {  	_ =	shalt  }
0x4a: {  	_ =	shalt  }
0x4b: {  	_ =	shalt  }
0x4c: {  	_ =	shalt  }
0x4d: {  	_ =	shalt  }
0x4e: {  	_ =	shalt  }
0x4f: {  	_ =	shalt  }
0x50: {  	_ =	shalt  }
0x51: {  	_ =	shalt  }
0x52: {  	_ =	shalt  }
0x53: {  	_ =	shalt  }
0x54: {  	_ =	shalt  }
0x55: {  	_ =	shalt  }
0x56: {  	_ =	shalt  }
0x57: {  	_ =	shalt  }
0x58: {  	_ =	shalt  }
0x59: {  	_ =	shalt  }
0x5a: {  	_ =	shalt  }
0x5b: {  	_ =	shalt  }
0x5c: {  	_ =	shalt  }
0x5d: {  	_ =	shalt  }
0x5e: {  	_ =	shalt  }
0x5f: {  	_ =	shalt  }
0x60: {  	_ =	shalt  }
0x61: {  	_ =	shalt  }
0x62: {  	_ =	shalt  }
0x63: {  	_ =	shalt  }
0x64: {  	_ =	shalt  }
0x65: {  	_ =	shalt  }
0x66: {  	_ =	shalt  }
0x67: {  	_ =	shalt  }
0x68: {  	_ =	shalt  }
0x69: {  	_ =	shalt  }
0x6a: {  	_ =	shalt  }
0x6b: {  	_ =	shalt  }
0x6c: {  	_ =	shalt  }
0x6d: {  	_ =	shalt  }
0x6e: {  	_ =	shalt  }
0x6f: {  	_ =	shalt  }
0x70: {  	_ =	shalt  }
0x71: {  	_ =	shalt  }
0x72: {  	_ =	shalt  }
0x73: {  	_ =	shalt  }
0x74: {  	_ =	shalt  }
0x75: {  	_ =	shalt  }
0x76: {  	_ =	shalt  }
0x77: {  	_ =	shalt  }
0x78: {  	_ =	shalt  }
0x79: {  	_ =	shalt  }
0x7a: {  	_ =	shalt  }
0x7b: {  	_ =	shalt  }
0x7c: {  	_ =	shalt  }
0x7d: {  	_ =	shalt  }
0x7e: {  	_ =	shalt  }
0x7f: {  	_ =	shalt  }
0x80: {  	_ =	shalt  }
0x81: {  	_ =	shalt  }
0x82: {  	_ =	shalt  }
0x83: {  	_ =	shalt  }
0x84: {  	_ =	shalt  }
0x85: {  	_ =	shalt  }
0x86: {  	_ =	shalt  }
0x87: {  	_ =	shalt  }
.Lfunc_end0:
.L_simem_size_0:
called_computation.1_lowered:
.L_overlay_start_0:
0x88: {  	s2 =	sld [smem:$0x3FD9]  }
0x89: {  	s3 =	sld [smem:$0x3FFE];
	_ =	sdelay $0x1  }
0x8a: {  	s1 =	srdreg.scid  }
0x8b: {  	s0 =	sand.u32 $0x1, s1  }
0x8c: {  	s16 =	sshll.u32 s0, $0xA;
	s2 =	sadd.s32 s3, s2  }
0x8d: {  	s2 =	sadd.s32 s2, s16  }
0x8e: {  	[smem:$0x3FBB] =	sst s2  }
0x8f: {  	_ = 	snop  }
0x90: {  	(tm) =	ssettm $0x1  }
0x91: {  	s17 =	sld [smem:$0x3FFB];
	_ =	sdelay $0x3  }
0x92: {  	_ =	strace s17  }
0x93: {  	s2 =	sld [smem:$0x3FFC];
	_ =	sdelay $0x3  }
0x94: {  	_ =	strace s2  }
0x95: {  	s2 =	sld [smem:$0x3FFD];
	_ =	sdelay $0x3  }
0x96: {  	_ =	strace s2  }
0x97: {  	_ =	strace $0x8FFFFFFF  }
0x98: {  	s18 =	sld [smem:$0x3FDB];
	_ =	sdelay $0x1  }
0x99: {  	s19 =	simm.s32 $_scs_section_size  }
0x9a: {  	s4 =	simm.s32 $_size__tile_overlayer_lowered;
	s5 =	simm.s32 $_tile_overlayer_lowered  }
0x9b: {  	s22 =	simm.s32 $0x1BFF;
	s21 =	sshll.u32 s5, $0x1;
	s2 =	sadd.s32 s19, s18  }
0x9c: {  	s6 =	simm.s32 $0x0;
	s20 =	sshll.u32 s4, $0x1;
	s4 =	sadd.s32 s21, s2  }
0x9d: {  	[timem:s6], [sflag:s22] =	dma.local [hbm:s4], s20  }
0x9e: {  	_ =	swait.ge [sflag:s22], s20  }
0x9f: {  	s3 =	ssub.s32 $0x0, s20;
	[sflag:s22] =	ssyncset.done $0x0  }
0xa0: {  	[sflag:s22] =	ssyncadd.s32 s3;
	_ =	sdelay $0x1  }
0xa1: {  	s23 =	simm.s32 $0x1B8B  }
0xa2: {  	_ =	swait.ge [sflag:s23], $0x1  }
0xa3: {  	[sflag:s23] =	ssyncset.done $0x0  }
0xa4: {  	s25 =	simm.s32 $0x1B8E;
	s24 =	sld [smem:$0x3FFE];
	[sflag:s23] =	ssyncadd.s32 $0xFFFFFFFF  }
0xa5: {  	s26 =	simm.s32 $execute0_lowered;
	[smem:$0x3FD2] =	sst s25  }
0xa6: {  	s4 =	sshll.u32 s26, $0x1;
	_ =	strace $0x80000049;
	[dreg:$0x1] =	wrdreg $0xFFFFFFFF  }
0xa7: {  	s28 =	simm.s32 $_size_execute0_lowered;
	s2 =	sadd.s32 s2, s4;
	[dreg:$0x0] =	wrdreg $0x0  }
0xa8: {  	s4 =	sshll.u32 s28, $0x1;
	[dreg:$0x2] =	wrdreg s2  }
0xa9: {  	[dreg:$0x3] =	wrdreg s4  }
0xaa: {  	[dreg:$0x4] =	wrdreg $0xC0  }
0xab: {  	_ =	task [dreg:s6], $0x5FFFF  }
0xac: {  	[dreg:$0x1] =	wrdreg $0xFFFFFFFF  }
0xad: {  	[dreg:$0x0] =	wrdreg $0x60  }
0xae: {  	[dreg:$0x2] =	wrdreg s24  }
0xaf: {  	[dreg:$0x3] =	wrdreg $0xA6000  }
0xb0: {  	[dreg:$0x4] =	wrdreg $0x9  }
0xb1: {  	_ =	task.clear_ibuf [dreg:s6], $0x5FFFF;
	_ =	strace $0x90000049  }
0xb2: {  	s29 =	simm.s32 $0x9;
	_ =	strace $0x8000004B  }
0xb3: {  	_ =	swait.ge [sflag:s29], $0x1  }
0xb4: {  	[sflag:s29] =	ssyncadd.s32 $0xFFFFFFFF  }
0xb5: {  	_ =	strace $0x9000004B  }
0xb6: {  	_ =	sfence  }
0xb7: {  	s30 =	sld [smem:$0x0];
	_ =	sdelay $0x2  }
0xb8: {  	s31 =	sshll.u32 s1, $0xD;
	s1 =	sshrl.u32 s1, $0x2  }
0xb9: {  	s3 =	sand.u32 $0x4000, s31;
	s1 =	sadd.s32 s1, s30  }
0xba: {  	s0 =	sor.u32 s3, s0;
	s1 =	sshll.u32 s1, $0x11  }
0xbb: {  	s0 =	sor.u32 s1, s0  }
0xbc: {  	s0 =	sadd.s32 $0x8F2B, s0  }
0xbd: {  	[sflag:s0] =	ssyncadd.remote.s32 $0x1  }
0xbe: {  	_ =	sfence.sel $0xFFFF  }
0xbf: {  	[dreg:$0x0] =	wrdreg $0xFFFFFFFF;
	(pc) =	sbr.abs _section_cstart, $3  }
0xc0: {  	[dreg:$0x1] =	wrdreg $0xFFFFFFFF  }
0xc1: {  	_ =	task.clear_ibuf [dreg:s6], $0x2FFFF;
	_ =	strace $0x9FFFFFFF  }
0xc2: {  	(tm) =	ssettm $0x7FFFFFFF  }
0xc3: {  	_ =	shalt  }
tec
execute0_lowered:
.L_overlay_start_1:
0x0: {  	(tag) =	ssettag $0x1  }
0x1: {  	s0 =	rddreg [dreg:$0x0]  }
0x2: {  	s2 =	rddreg [dreg:$0x1];
	s3 =	simm.s32 $0x0;
	s4 =	srdreg.scid  }
0x3: {  	s1 =	stileid.u32;
	s18 =	simm.s32 $0x1;
	s19 =	simm.s32 $0x2800  }
0x4: {  	s20 =	simm.s32 $0x7D;
	s21 =	simm.s32 $0x2880;
	s22 =	simm.s32 $0x80  }
0x5: {  	s23 =	simm.s32 $0x6780;
	s24 =	simm.s32 $0x2;
	s25 =	simm.s32 $0x4  }
0x6: {  	s28 =	simm.s32 $0x5;
	s29 =	simm.s32 $0x0;
	s6 =	smul.u32 $0x14000, s1  }
0x7: {  	[smem:$0x7FF] =	sst s3;
	s12 =	sand.u32 $0x1, s4;
	s8 =	smul.u32 $0x50000, s1  }
0x8: {  	s4 =	sadd.s32 $0x17400, s0;
	s14 =	sadd.s32 $0x3400, s0;
	s16 =	smul.u32 $0xA00, s1  }
0x9: {  	s7 =	sshll.u32 s1, $0x1;
	_ =	strace $0x8000004A;
	s5 =	smul.u32 $0x140000, s12  }
0xa: {  	s7 =	sor.u32 s12, s7;
	s9 =	ssub.s32 $0x2, s12;
	s17 =	smul.u32 $0x500, s12  }
0xb: {  	s7 =	smul.u32 $0x2800, s7;
	s26 =	sshrl.u32 s9, $0x1;
	s8 =	sshrl.u32 s8, $0x2  }
0xc: {  	s31 =	sadd.s32 s16, s14;
	s16 =	simm.s32 $0x2900;
	s5 =	sadd.s32 s6, s5  }
0xd: {  	s15 =	ssub.s32 s9, s26;
	s10 =	sadd.s32 s8, s2;
	s6 =	sadd.s32 s6, s2  }
0xe: {  	s26 =	simm.s32 $0x3;
	s5 =	sshrl.u32 s5, $0x3;
	s30 =	sshrl.u32 s7, $0x3  }
0xf: {  	s7 =	sadd.s32 $0x4000, s10;
	s8 =	sadd.s32 $0x8000, s10;
	s9 =	sadd.s32 $0xC000, s10  }
0x10: {  	s10 =	sadd.s32 $0x10000, s10;
	s0 =	sadd.s32 s5, s0;
	s5 =	sadd.s32 s14, s30  }
0x11: {  	s14 =	smax.u32 s15, $0x1;
	s15 =	sadd.s32 s17, s31;
	s17 =	simm.s32 $0x6  }
0x12: {  	v0 =	vimm.f32 $0.0e+00;
	s11 =	sadd.s32 $0xA000, s5;
	s12 =	sadd.s32 $0xA010, s5;
	s13 =	sadd.s32 $0x3E600, s0  }
.LBB2_1:
0x13: {  	[tilespmem:s3], [sflag:$0x1] =	stream.linear.gather [hbm4b:s5+s3], $0x2800, $0x38;
	[tilespmem:$0x1E600] =	vst v63  }
0x14: {  	s30 =	simm.s32 $0x0;
	s31 =	simm.s32 $0x200  }
.LBB2_2:
0x15: {  	p0 =	sne.s32 s31, $0xFE00;
	[tilespmem:s30+$0x2970] =	vst v0  }
0x16: {  	[tilespmem:s30+$0x2900] =	vst v0  }
0x17: {  	[tilespmem:s30+$0x2910] =	vst v0  }
.Ltmp0:
0x18: {  	[tilespmem:s30+$0x2920] =	vst v0;
	(pc) =	sbr.rel @p0 .LBB2_2-.Ltmp0, $4  }
0x19: {  	[tilespmem:s30+$0x2930] =	vst v0  }
0x1a: {  	[tilespmem:s30+$0x2940] =	vst v0  }
0x1b: {  	[tilespmem:s30+$0x2950] =	vst v0  }
0x1c: {  	[tilespmem:s30+$0x2960] =	vst v0;
	s30 =	sshra.s32 s31, $0x2;
	s31 =	sadd.s32 $0x200, s31  }
0x1d: {  	[tilespmem:s30+$0x2970] =	vst v0  }
0x1e: {  	[tilespmem:s30+$0x2900] =	vst v0  }
0x1f: {  	[tilespmem:s30+$0x2910] =	vst v0  }
0x20: {  	[tilespmem:s30+$0x2920] =	vst v0  }
0x21: {  	[tilespmem:s30+$0x2930] =	vst v0  }
0x22: {  	[tilespmem:s30+$0x2940] =	vst v0  }
0x23: {  	[tilespmem:s30+$0x2950] =	vst v0  }
0x24: {  	[tilespmem:s30+$0x2960] =	vst v0  }
0x25: {  	[spmem:s6] =	stream.linear.scatter [tilespmem:s16], [sflag:$0x6], $0x4000, $0x38;
	[tilespmem:$0x1E600] =	vst v63  }
0x26: {  	_ =	swait.ge [sflag:s17], $0x4000  }
0x27: {  	[sflag:s17] =	ssyncset.done $0x0  }
0x28: {  	[sflag:s17] =	ssyncadd.s32 $0xFFFFC000  }
0x29: {  	[spmem:s7] =	stream.linear.scatter [tilespmem:s16], [sflag:$0x6], $0x4000, $0x38;
	[tilespmem:$0x1E600] =	vst v63  }
0x2a: {  	_ =	swait.ge [sflag:s17], $0x4000  }
0x2b: {  	[sflag:s17] =	ssyncset.done $0x0  }
0x2c: {  	[sflag:s17] =	ssyncadd.s32 $0xFFFFC000  }
0x2d: {  	[spmem:s8] =	stream.linear.scatter [tilespmem:s16], [sflag:$0x6], $0x4000, $0x38;
	[tilespmem:$0x1E600] =	vst v63  }
0x2e: {  	_ =	swait.ge [sflag:s17], $0x4000  }
0x2f: {  	[sflag:s17] =	ssyncset.done $0x0  }
0x30: {  	[sflag:s17] =	ssyncadd.s32 $0xFFFFC000  }
0x31: {  	[spmem:s9] =	stream.linear.scatter [tilespmem:s16], [sflag:$0x6], $0x4000, $0x38;
	[tilespmem:$0x1E600] =	vst v63  }
0x32: {  	_ =	swait.ge [sflag:s17], $0x4000  }
0x33: {  	[sflag:s17] =	ssyncset.done $0x0  }
0x34: {  	[sflag:s17] =	ssyncadd.s32 $0xFFFFC000  }
0x35: {  	[spmem:s10] =	stream.linear.scatter [tilespmem:s16], [sflag:$0x6], $0x4000, $0x38;
	[tilespmem:$0x1E600] =	vst v63  }
0x36: {  	_ =	swait.ge [sflag:s17], $0x4000  }
0x37: {  	[sflag:s17] =	ssyncset.done $0x0  }
0x38: {  	[sflag:s17] =	ssyncadd.s32 $0xFFFFC000  }
0x39: {  	_ =	swait.ge [sflag:s18], $0x2800  }
0x3a: {  	[sflag:s18] =	ssyncset.done $0x0  }
0x3b: {  	[sflag:s18] =	ssyncadd.s32 $0xFFFFD800  }
0x3c: {  	s0 =	simm.s32 $0x0;
	[bflag:$0x0] =	sbarrier.arrive $0xFFFF  }
0x3d: {  	[tilespmem:s19], [sflag:$0x4] =	stream.linear.gather [hbm4b:s11+s0], $0x80, $0x38;
	[tilespmem:$0x1E600] =	vst v63  }
0x3e: {  	_ = 	snop  }
0x3f: {  	[tilespmem:s16], [sflag:$0x2] =	stream.indirect.gather [hbm4b:s4+s20], $0x80, s0, s20, $0xb8;
	[tilespmem:$0x1E600] =	vst v63  }
0x40: {  	_ = 	snop  }
0x41: {  	[tilespmem:s21], [sflag:$0x5] =	stream.linear.gather [hbm4b:s12+s0], $0x80, $0x38;
	[tilespmem:$0x1E600] =	vst v63  }
0x42: {  	_ = 	snop  }
0x43: {  	[tilespmem:s23], [sflag:$0x3] =	stream.indirect.gather [hbm4b:s4+s20], $0x80, s22, s20, $0xb8;
	[tilespmem:$0x1E600] =	vst v63  }
0x44: {  	_ =	swait.ge [sflag:s24], $0x3E80  }
0x45: {  	[sflag:s24] =	ssyncset.done $0x0  }
0x46: {  	[sflag:s24] =	ssyncadd.s32 $0xFFFFC180  }
0x47: {  	_ =	swait.ge [sflag:s25], $0x80  }
0x48: {  	[sflag:s25] =	ssyncset.done $0x0  }
0x49: {  	[sflag:s25] =	ssyncadd.s32 $0xFFFFFF80  }
0x4a: {  	[spmem:s2] =	stream.indirect.scatter.add.f32 [tilespmem:s16], [sflag:$0x6], $0x80, s19, s20, $0xb8;
	[tilespmem:$0x1E600] =	vst v63  }
0x4b: {  	_ =	swait.ge [sflag:s17], $0x3E80  }
0x4c: {  	s1 =	sadd.s32 $0x0, s15;
	[sflag:s17] =	ssyncset.done $0x0  }
0x4d: {  	s30 =	sadd.s32 $0xA020, s1;
	[sflag:s17] =	ssyncadd.s32 $0xFFFFC180  }
0x4e: {  	[tilespmem:s19], [sflag:$0x4] =	stream.linear.gather [hbm4b:s30+s3], $0x80, $0x38;
	[tilespmem:$0x1E600] =	vst v63  }
0x4f: {  	s30 =	simm.s32 $0x100  }
0x50: {  	[tilespmem:s16], [sflag:$0x2] =	stream.indirect.gather [hbm4b:s4+s20], $0x80, s30, s20, $0xb8;
	[tilespmem:$0x1E600] =	vst v63  }
0x51: {  	_ =	swait.ge [sflag:s26], $0x3E80  }
0x52: {  	[sflag:s26] =	ssyncset.done $0x0  }
0x53: {  	[sflag:s26] =	ssyncadd.s32 $0xFFFFC180  }
0x54: {  	_ =	swait.ge [sflag:s28], $0x80  }
0x55: {  	[sflag:s28] =	ssyncset.done $0x0  }
0x56: {  	[sflag:s28] =	ssyncadd.s32 $0xFFFFFF80  }
0x57: {  	[spmem:s2] =	stream.indirect.scatter.add.f32 [tilespmem:s23], [sflag:$0x6], $0x80, s21, s20, $0xb8;
	[tilespmem:$0x1E600] =	vst v63  }
0x58: {  	_ =	swait.ge [sflag:s17], $0x3E80  }
0x59: {  	[sflag:s17] =	ssyncset.done $0x0  }
0x5a: {  	s0 =	sadd.s32 $0xA030, s1;
	[sflag:s17] =	ssyncadd.s32 $0xFFFFC180  }
0x5b: {  	[tilespmem:s21], [sflag:$0x5] =	stream.linear.gather [hbm4b:s0+s3], $0x80, $0x38;
	[tilespmem:$0x1E600] =	vst v63  }
0x5c: {  	s31 =	simm.s32 $0x200;
	s30 =	simm.s32 $0x20;
	s0 =	simm.s32 $0x180  }
.LBB2_4:
0x5d: {  	[tilespmem:s23], [sflag:$0x3] =	stream.indirect.gather [hbm4b:s4+s20], $0x80, s0, s20, $0xb8;
	[tilespmem:$0x1E600] =	vst v63  }
0x5e: {  	s0 =	smov.u32 s30  }
0x5f: {  	p0 =	sne.s32 s30, $0x4C0;
	s30 =	sadd.s32 $0x20, s30;
	_ =	swait.ge [sflag:s24], $0x3E80  }
0x60: {  	[sflag:s24] =	ssyncset.done $0x0  }
0x61: {  	[sflag:s24] =	ssyncadd.s32 $0xFFFFC180  }
0x62: {  	_ =	swait.ge [sflag:s25], $0x80  }
0x63: {  	[sflag:s25] =	ssyncset.done $0x0  }
0x64: {  	[sflag:s25] =	ssyncadd.s32 $0xFFFFFF80  }
0x65: {  	[spmem:s2] =	stream.indirect.scatter.add.f32 [tilespmem:s16], [sflag:$0x6], $0x80, s19, s20, $0xb8;
	[tilespmem:$0x1E600] =	vst v63  }
0x66: {  	_ =	swait.ge [sflag:s17], $0x3E80  }
0x67: {  	s0 =	sadd.s32 s0, s15;
	[sflag:s17] =	ssyncset.done $0x0  }
0x68: {  	s1 =	sadd.s32 $0xA020, s0;
	[sflag:s17] =	ssyncadd.s32 $0xFFFFC180  }
0x69: {  	[tilespmem:s19], [sflag:$0x4] =	stream.linear.gather [hbm4b:s1+s3], $0x80, $0x38;
	[tilespmem:$0x1E600] =	vst v63  }
0x6a: {  	_ = 	snop  }
0x6b: {  	[tilespmem:s16], [sflag:$0x2] =	stream.indirect.gather [hbm4b:s4+s20], $0x80, s31, s20, $0xb8;
	[tilespmem:$0x1E600] =	vst v63  }
0x6c: {  	_ =	swait.ge [sflag:s26], $0x3E80  }
0x6d: {  	[sflag:s26] =	ssyncset.done $0x0  }
0x6e: {  	[sflag:s26] =	ssyncadd.s32 $0xFFFFC180  }
0x6f: {  	_ =	swait.ge [sflag:s28], $0x80  }
0x70: {  	[sflag:s28] =	ssyncset.done $0x0  }
0x71: {  	[sflag:s28] =	ssyncadd.s32 $0xFFFFFF80  }
0x72: {  	[spmem:s2] =	stream.indirect.scatter.add.f32 [tilespmem:s23], [sflag:$0x6], $0x80, s21, s20, $0xb8;
	[tilespmem:$0x1E600] =	vst v63  }
.Ltmp1:
0x73: {  	_ =	swait.ge [sflag:s17], $0x3E80;
	(pc) =	sbr.rel @p0 .LBB2_4-.Ltmp1, $4  }
0x74: {  	[sflag:s17] =	ssyncset.done $0x0  }
0x75: {  	s0 =	sadd.s32 $0xA030, s0;
	[sflag:s17] =	ssyncadd.s32 $0xFFFFC180  }
0x76: {  	[tilespmem:s21], [sflag:$0x5] =	stream.linear.gather [hbm4b:s0+s3], $0x80, $0x38;
	[tilespmem:$0x1E600] =	vst v63  }
0x77: {  	s0 =	sadd.s32 $0x80, s31;
	s31 =	sadd.s32 $0x100, s31  }
0x78: {  	[tilespmem:s23], [sflag:$0x3] =	stream.indirect.gather [hbm4b:s4+s20], $0x80, s0, s20, $0xb8;
	[tilespmem:$0x1E600] =	vst v63  }
0x79: {  	_ =	swait.ge [sflag:s24], $0x3E80  }
0x7a: {  	[sflag:s24] =	ssyncset.done $0x0  }
0x7b: {  	[sflag:s24] =	ssyncadd.s32 $0xFFFFC180  }
0x7c: {  	_ =	swait.ge [sflag:s25], $0x80  }
0x7d: {  	[sflag:s25] =	ssyncset.done $0x0  }
0x7e: {  	[sflag:s25] =	ssyncadd.s32 $0xFFFFFF80  }
0x7f: {  	[spmem:s2] =	stream.indirect.scatter.add.f32 [tilespmem:s16], [sflag:$0x6], $0x80, s19, s20, $0xb8;
	[tilespmem:$0x1E600] =	vst v63  }
0x80: {  	_ =	swait.ge [sflag:s17], $0x3E80  }
0x81: {  	[sflag:s17] =	ssyncset.done $0x0  }
0x82: {  	[sflag:s17] =	ssyncadd.s32 $0xFFFFC180  }
0x83: {  	_ =	swait.ge [sflag:s26], $0x3E80  }
0x84: {  	[sflag:s26] =	ssyncset.done $0x0  }
0x85: {  	[sflag:s26] =	ssyncadd.s32 $0xFFFFC180  }
0x86: {  	_ =	swait.ge [sflag:s28], $0x80  }
0x87: {  	[sflag:s28] =	ssyncset.done $0x0  }
0x88: {  	[sflag:s28] =	ssyncadd.s32 $0xFFFFFF80  }
0x89: {  	[spmem:s2] =	stream.indirect.scatter.add.f32 [tilespmem:s23], [sflag:$0x6], $0x80, s21, s20, $0xb8;
	[tilespmem:$0x1E600] =	vst v63  }
0x8a: {  	s31 =	stileid.u32;
	_ =	swait.ge [sflag:s17], $0x3E80  }
0x8b: {  	s1 =	sshrl.u32 s6, $0x3;
	s29 =	sadd.s32 $0x1, s29;
	[sflag:s17] =	ssyncset.done $0x0  }
0x8c: {  	s0 =	sshll.u32 s31, $0x6;
	p0 =	sne.s32 s29, s14;
	[sflag:s17] =	ssyncadd.s32 $0xFFFFC180  }
.Ltmp2:
0x8d: {  	s0 =	sor.u32 $0x1C06, s0;
	[bflag:$0x0] =	sbarrier.arrive $0xFFFF;
	(pc) =	sbr.rel @p0 .LBB2_1-.Ltmp2, $4  }
0x8e: {  	[hbm:s13], [sflag:s0] =	dma.local [spmem:s1], $0x2800  }
0x8f: {  	_ =	swait.ge [sflag:s17], $0x2800  }
0x90: {  	[sflag:s17] =	ssyncset.done $0x0  }
0x91: {  	[sflag:s17] =	ssyncadd.s32 $0xFFFFD800  }
0x92: {  	_ =	sfence.sel $0x180000  }
0x93: {  	[bflag:$0x0] =	sbarrier.arrive $0xFFFF  }
0x94: {  	_ =	strace $0x9000004A  }
0x95: {  	s0 =	stileid.u32;
	[bflag:$0x2] =	sbarrier.arrive $0xFFFF  }
0x96: {  	p0 =	sne.s32 s0, $0x0;
	s0 =	rddreg [dreg:$0x2]  }
0x97: {  	s0 =	sadd.s32 @!p0 $0x100000, s0  }
0x98: {  	[sflag:s0] =	ssyncadd.tile.s32 @!p0 $0x1;
	_ =	shalt  }
.Lfunc_end2:
_tile_overlayer_lowered:
.L_overlay_start_2:
0x99: {  	(tag) =	ssettag $0x2  }
0x9a: {  	s0 =	rddreg [dreg:$0x0];
	s2 =	stileid.u32  }
0x9b: {  	s1 =	rddreg [dreg:$0x1];
	p0 =	sne.s32 s2, $0x0  }
0x9c: {  	s3 =	rddreg [dreg:$0x2];
	[bflag:$0x3] =	sbarrier.arrive $0xFFFF;
	s2 =	simm.s32 @!p0 $0x1C06  }
0x9d: {  	[timem:s3], [sflag:s2] =	dma.local @!p0 [hbm:s0], s1  }
0x9e: {  	s0 =	simm.s32 @!p0 $0x6  }
0x9f: {  	_ =	swait.ge @!p0 [sflag:s0], s1  }
0xa0: {  	s1 =	ssub.s32 @!p0 $0x0, s1;
	[sflag:s0] =	ssyncset.done @!p0 $0x0  }
0xa1: {  	[sflag:s0] =	ssyncadd.s32 @!p0 s1  }
0xa2: {  	[bflag:$0x3] =	sbarrier.arrive $0xFFFF  }
0xa3: {  	_ =	shalt  }

// kernel: kernel.16.cloned.1.call-start
scs
__scs_entry_jumppad:
0x0: {  	(pc) =	sbr.rel $0x88, $3  }
0x1: {  	(tag) =	ssettag $0x0;
	lr =	simm.s32 $0x1  }
0x2: {  	[smem:$0x3F94] =	sst lr;
	_ =	strace $0xD0000000  }
0x3: {  	_ = 	snop  }
0x4: {  	_ = 	snop  }
0x5: {  	_ = 	snop  }
0x6: {  	_ = 	snop  }
0x7: {  	_ = 	snop  }
__scs_overlays_trampoline_lowered:
0x8: {  	[smem:$0x3FA3] =	sst s0  }
0x9: {  	[smem:$0x3FA4] =	sst s1  }
0xa: {  	[smem:$0x3FA5] =	sst s2  }
0xb: {  	[smem:$0x3FA6] =	sst s3  }
0xc: {  	[smem:$0x3FA7] =	sst s4  }
0xd: {  	[smem:$0x3FA8] =	sst s5  }
0xe: {  	[smem:$0x3FA9] =	sst s6  }
0xf: {  	[smem:$0x3FAA] =	sst s7  }
0x10: {  	[smem:$0x3FAB] =	sst s8  }
0x11: {  	[smem:$0x3FAC] =	sst s9;
	s0 =	simm.s32 @!p0 $0x0  }
0x12: {  	s1 =	sld [smem:$0x3F92];
	s0 =	simm.s32 @p0 $0x1  }
0x13: {  	[smem:$0x3FAD] =	sst s0;
	s0 =	simm.s32 @!p1 $0x0  }
0x14: {  	s2 =	sld [smem:$0x3F91];
	s0 =	simm.s32 @p1 $0x1  }
0x15: {  	[smem:$0x3FAE] =	sst s0;
	s0 =	simm.s32 @!p2 $0x0  }
0x16: {  	s3 =	sld [smem:$0x3FDB];
	s0 =	simm.s32 @p2 $0x1  }
0x17: {  	s4 =	simm.s32 $0x1BF5;
	[smem:$0x3FB0] =	sst s0  }
0x18: {  	s0 =	sld [smem:$0x3F93];
	_ =	swait.ge [sflag:s4], $0x0  }
0x19: {  	s7 =	sld [smem:$0x3F94]  }
0x1a: {  	s8 =	sadd.s32 $0xFFFFE003, lr  }
0x1b: {  	s9 =	sadd.s32 $0xFFFFFEF7, lr;
	s5 =	simm.s32 $0xFFFFFFFF;
	p2 =	slt.u32 s8, $0xFFFFF086  }
0x1c: {  	p1 =	slt.u32 s9, $0xF7A;
	s5 =	simm.s32 @!p2 $0x0  }
0x1d: {  	s5 =	simm.s32 @p1 $0x1;
	p0 =	seq.s32 s7, s2  }
0x1e: {  	s7 =	smul.u32 @!p0 $0xF7A, s2;
	p2 =	seq.s32 @!p0 s5, $0x0  }
0x1f: {  	s9 =	smul.u32 $0xF7A, s1;
	s8 =	simm.s32 @!p0 $0x1BF5;
	p2 =	por !p2, p0  }
0x20: {  	[sflag:s8] =	ssyncset.s32 @!p0 $0xFFFFF086;
	s6 =	sadd.s32 @!p0 s3, s7;
	s7 =	simm.s32 @!p0 $0x108  }
0x21: {  	s3 =	sadd.s32 s3, s9;
	s6 =	sadd.s32 @!p0 $0x88, s6;
	s7 =	simm.s32 @p2 $0x1082  }
0x22: {  	[simem:s7], [sflag:s8] =	dma.local @!p0 [hbm:s6], $0xF7A  }
0x23: {  	s9 =	sor.u32 $0xD0000000, s2;
	s6 =	simm.s32 $0x108;
	_ =	swait.ge @!p0 [sflag:s8], $0x0  }
0x24: {  	s3 =	sadd.s32 $0x88, s3;
	s6 =	simm.s32 @!p1 $0x1082;
	[sflag:s4] =	ssyncset.s32 $0xFFFFF086  }
0x25: {  	[simem:s6], [sflag:s4] =	dma.local [hbm:s3], $0xF7A  }
0x26: {  	[smem:$0x3F94] =	sst s1;
	(tag) =	ssettag s2;
	_ =	strace s9  }
0x27: {  	s1 =	sld [smem:$0x3FA4]  }
0x28: {  	s2 =	sld [smem:$0x3FA5]  }
0x29: {  	s4 =	sld [smem:$0x3FA7]  }
0x2a: {  	p0 =	seq.s32 s5, $0x0;
	s5 =	sld [smem:$0x3FA8]  }
0x2b: {  	s6 =	sld [smem:$0x3FA9]  }
0x2c: {  	s7 =	sld [smem:$0x3FAA]  }
0x2d: {  	s3 =	simm.s32 $0x108;
	s8 =	sld [smem:$0x3FAB]  }
0x2e: {  	s3 =	simm.s32 @!p0 $0x1082;
	s9 =	sld [smem:$0x3FAC]  }
0x2f: {  	lr =	sadd.s32 s0, s3;
	s0 =	sld [smem:$0x3FA3]  }
0x30: {  	s3 =	sld [smem:$0x3FA6]  }
0x31: {  	[smem:$0x3FAF] =	sst s10  }
0x32: {  	s10 =	sld [smem:$0x3FAD];
	_ =	sdelay $0x3  }
0x33: {  	p0 =	seq.s32 s10, $0x1;
	s10 =	sld [smem:$0x3FAF];
	_ =	sdelay $0x3  }
0x34: {  	[smem:$0x3FAF] =	sst s10  }
0x35: {  	s10 =	sld [smem:$0x3FAE];
	_ =	sdelay $0x3  }
0x36: {  	p1 =	seq.s32 s10, $0x1;
	s10 =	sld [smem:$0x3FAF];
	_ =	sdelay $0x3  }
0x37: {  	[smem:$0x3FAF] =	sst s10  }
0x38: {  	s10 =	sld [smem:$0x3FB0]  }
0x39: {  	_ = 	snop;
	(pc) =	sbr.ind lr, $3  }
0x3a: {  	_ = 	snop  }
0x3b: {  	_ = 	snop  }
0x3c: {  	p2 =	seq.s32 s10, $0x1;
	s10 =	sld [smem:$0x3FAF]  }
0x3d: {  	_ =	shalt  }
0x3e: {  	_ =	shalt  }
0x3f: {  	_ =	shalt  }
0x40: {  	_ =	shalt  }
0x41: {  	_ =	shalt  }
0x42: {  	_ =	shalt  }
0x43: {  	_ =	shalt  }
0x44: {  	_ =	shalt  }
0x45: {  	_ =	shalt  }
0x46: {  	_ =	shalt  }
0x47: {  	_ =	shalt  }
0x48: {  	_ =	shalt  }
0x49: {  	_ =	shalt  }
0x4a: {  	_ =	shalt  }
0x4b: {  	_ =	shalt  }
0x4c: {  	_ =	shalt  }
0x4d: {  	_ =	shalt  }
0x4e: {  	_ =	shalt  }
0x4f: {  	_ =	shalt  }
0x50: {  	_ =	shalt  }
0x51: {  	_ =	shalt  }
0x52: {  	_ =	shalt  }
0x53: {  	_ =	shalt  }
0x54: {  	_ =	shalt  }
0x55: {  	_ =	shalt  }
0x56: {  	_ =	shalt  }
0x57: {  	_ =	shalt  }
0x58: {  	_ =	shalt  }
0x59: {  	_ =	shalt  }
0x5a: {  	_ =	shalt  }
0x5b: {  	_ =	shalt  }
0x5c: {  	_ =	shalt  }
0x5d: {  	_ =	shalt  }
0x5e: {  	_ =	shalt  }
0x5f: {  	_ =	shalt  }
0x60: {  	_ =	shalt  }
0x61: {  	_ =	shalt  }
0x62: {  	_ =	shalt  }
0x63: {  	_ =	shalt  }
0x64: {  	_ =	shalt  }
0x65: {  	_ =	shalt  }
0x66: {  	_ =	shalt  }
0x67: {  	_ =	shalt  }
0x68: {  	_ =	shalt  }
0x69: {  	_ =	shalt  }
0x6a: {  	_ =	shalt  }
0x6b: {  	_ =	shalt  }
0x6c: {  	_ =	shalt  }
0x6d: {  	_ =	shalt  }
0x6e: {  	_ =	shalt  }
0x6f: {  	_ =	shalt  }
0x70: {  	_ =	shalt  }
0x71: {  	_ =	shalt  }
0x72: {  	_ =	shalt  }
0x73: {  	_ =	shalt  }
0x74: {  	_ =	shalt  }
0x75: {  	_ =	shalt  }
0x76: {  	_ =	shalt  }
0x77: {  	_ =	shalt  }
0x78: {  	_ =	shalt  }
0x79: {  	_ =	shalt  }
0x7a: {  	_ =	shalt  }
0x7b: {  	_ =	shalt  }
0x7c: {  	_ =	shalt  }
0x7d: {  	_ =	shalt  }
0x7e: {  	_ =	shalt  }
0x7f: {  	_ =	shalt  }
0x80: {  	_ =	shalt  }
0x81: {  	_ =	shalt  }
0x82: {  	_ =	shalt  }
0x83: {  	_ =	shalt  }
0x84: {  	_ =	shalt  }
0x85: {  	_ =	shalt  }
0x86: {  	_ =	shalt  }
0x87: {  	_ =	shalt  }
.Lfunc_end0:
.L_simem_size_0:
called_computation.2_lowered:
.L_overlay_start_0:
0x88: {  	s2 =	sld [smem:$0x3FD9]  }
0x89: {  	s3 =	sld [smem:$0x3FFE];
	_ =	sdelay $0x1  }
0x8a: {  	s1 =	srdreg.scid  }
0x8b: {  	s0 =	sand.u32 $0x1, s1  }
0x8c: {  	s16 =	sshll.u32 s0, $0xA;
	s2 =	sadd.s32 s3, s2  }
0x8d: {  	s2 =	sadd.s32 s2, s16  }
0x8e: {  	[smem:$0x3FBB] =	sst s2  }
0x8f: {  	_ = 	snop  }
0x90: {  	(tm) =	ssettm $0x1  }
0x91: {  	s17 =	sld [smem:$0x3FFB];
	_ =	sdelay $0x3  }
0x92: {  	_ =	strace s17  }
0x93: {  	s2 =	sld [smem:$0x3FFC];
	_ =	sdelay $0x3  }
0x94: {  	_ =	strace s2  }
0x95: {  	s2 =	sld [smem:$0x3FFD];
	_ =	sdelay $0x3  }
0x96: {  	_ =	strace s2  }
0x97: {  	_ =	strace $0x8FFFFFFF  }
0x98: {  	s18 =	sld [smem:$0x3FDB];
	_ =	sdelay $0x1  }
0x99: {  	s19 =	simm.s32 $_scs_section_size  }
0x9a: {  	s4 =	simm.s32 $_size__tile_overlayer_lowered;
	s5 =	simm.s32 $_tile_overlayer_lowered  }
0x9b: {  	s22 =	simm.s32 $0x1BFF;
	s21 =	sshll.u32 s5, $0x1;
	s2 =	sadd.s32 s19, s18  }
0x9c: {  	s6 =	simm.s32 $0x0;
	s20 =	sshll.u32 s4, $0x1;
	s4 =	sadd.s32 s21, s2  }
0x9d: {  	[timem:s6], [sflag:s22] =	dma.local [hbm:s4], s20  }
0x9e: {  	_ =	swait.ge [sflag:s22], s20  }
0x9f: {  	s3 =	ssub.s32 $0x0, s20;
	[sflag:s22] =	ssyncset.done $0x0  }
0xa0: {  	[sflag:s22] =	ssyncadd.s32 s3;
	_ =	sdelay $0x1  }
0xa1: {  	s23 =	simm.s32 $0x1B8B  }
0xa2: {  	_ =	swait.ge [sflag:s23], $0x1  }
0xa3: {  	[sflag:s23] =	ssyncset.done $0x0  }
0xa4: {  	s25 =	simm.s32 $0x1B8E;
	s24 =	sld [smem:$0x3FFE];
	[sflag:s23] =	ssyncadd.s32 $0xFFFFFFFF  }
0xa5: {  	s26 =	simm.s32 $execute0_lowered;
	[smem:$0x3FD2] =	sst s25  }
0xa6: {  	s4 =	sshll.u32 s26, $0x1;
	_ =	strace $0x8000004C;
	[dreg:$0x1] =	wrdreg $0xFFFFFFFF  }
0xa7: {  	s28 =	simm.s32 $_size_execute0_lowered;
	s2 =	sadd.s32 s2, s4;
	[dreg:$0x0] =	wrdreg $0x0  }
0xa8: {  	s4 =	sshll.u32 s28, $0x1;
	[dreg:$0x2] =	wrdreg s2  }
0xa9: {  	[dreg:$0x3] =	wrdreg s4  }
0xaa: {  	[dreg:$0x4] =	wrdreg $0xC0  }
0xab: {  	_ =	task [dreg:s6], $0x5FFFF  }
0xac: {  	[dreg:$0x1] =	wrdreg $0xFFFFFFFF  }
0xad: {  	[dreg:$0x0] =	wrdreg $0x60  }
0xae: {  	[dreg:$0x2] =	wrdreg s24  }
0xaf: {  	[dreg:$0x3] =	wrdreg $0xEC400  }
0xb0: {  	[dreg:$0x4] =	wrdreg $0x9  }
0xb1: {  	_ =	task.clear_ibuf [dreg:s6], $0x5FFFF;
	_ =	strace $0x9000004C  }
0xb2: {  	s29 =	simm.s32 $0x9;
	_ =	strace $0x8000004E  }
0xb3: {  	_ =	swait.ge [sflag:s29], $0x1  }
0xb4: {  	[sflag:s29] =	ssyncadd.s32 $0xFFFFFFFF  }
0xb5: {  	_ =	strace $0x9000004E  }
0xb6: {  	_ =	sfence  }
0xb7: {  	s30 =	sld [smem:$0x0];
	_ =	sdelay $0x2  }
0xb8: {  	s31 =	sshll.u32 s1, $0xD;
	s1 =	sshrl.u32 s1, $0x2  }
0xb9: {  	s3 =	sand.u32 $0x4000, s31;
	s1 =	sadd.s32 s1, s30  }
0xba: {  	s0 =	sor.u32 s3, s0;
	s1 =	sshll.u32 s1, $0x11  }
0xbb: {  	s0 =	sor.u32 s1, s0  }
0xbc: {  	s0 =	sadd.s32 $0x8F2B, s0  }
0xbd: {  	[sflag:s0] =	ssyncadd.remote.s32 $0x1  }
0xbe: {  	_ =	sfence.sel $0xFFFF  }
0xbf: {  	[dreg:$0x0] =	wrdreg $0xFFFFFFFF;
	(pc) =	sbr.abs _section_cstart, $3  }
0xc0: {  	[dreg:$0x1] =	wrdreg $0xFFFFFFFF  }
0xc1: {  	_ =	task.clear_ibuf [dreg:s6], $0x2FFFF;
	_ =	strace $0x9FFFFFFF  }
0xc2: {  	(tm) =	ssettm $0x7FFFFFFF  }
0xc3: {  	_ =	shalt  }
tec
execute0_lowered:
.L_overlay_start_1:
0x0: {  	(tag) =	ssettag $0x1  }
0x1: {  	s0 =	srdreg.scid;
	s5 =	rddreg [dreg:$0x0]  }
0x2: {  	s8 =	stileid.u32;
	s2 =	rddreg [dreg:$0x1];
	s3 =	simm.s32 $0x0  }
0x3: {  	s15 =	simm.s32 $0x5000;
	s16 =	simm.s32 $0x8;
	s17 =	simm.s32 $0x1  }
0x4: {  	s18 =	simm.s32 $0x2;
	s19 =	simm.s32 $0x7D;
	s21 =	simm.s32 $0x6F40  }
0x5: {  	s23 =	simm.s32 $0x8E80;
	s28 =	simm.s32 $0xCD00;
	s29 =	simm.s32 $0x3  }
0x6: {  	s30 =	simm.s32 $0x4;
	s31 =	simm.s32 $0x5;
	s14 =	simm.s32 $0x0  }
0x7: {  	s0 =	sand.u32 $0x1, s0;
	s1 =	sshll.u32 s8, $0x1;
	s7 =	smul.u32 $0xA000, s8  }
0x8: {  	[smem:$0x7FF] =	sst s3;
	s4 =	sadd.s32 $0x17400, s5;
	s8 =	smul.u32 $0x28000, s8  }
0x9: {  	s1 =	sor.u32 s0, s1;
	s6 =	smul.u32 $0xA0000, s0;
	s0 =	ssub.s32 $0x2, s0  }
0xa: {  	_ =	strace $0x8000004D;
	s1 =	smul.u32 $0x2800, s1;
	s25 =	sshrl.u32 s0, $0x1  }
0xb: {  	s26 =	sshrl.u32 s8, $0x2;
	s6 =	sadd.s32 s7, s6;
	s0 =	ssub.s32 s0, s25  }
0xc: {  	s11 =	sadd.s32 s26, s2;
	s7 =	sadd.s32 s7, s2;
	s25 =	simm.s32 $0xADC0  }
0xd: {  	s26 =	simm.s32 $0x4F80;
	s1 =	sshrl.u32 s1, $0x3;
	s6 =	sshrl.u32 s6, $0x3  }
0xe: {  	s8 =	sadd.s32 $0x2000, s11;
	s9 =	sadd.s32 $0x4000, s11;
	s10 =	sadd.s32 $0x6000, s11  }
0xf: {  	s11 =	sadd.s32 $0x8000, s11;
	s13 =	smax.u32 s0, $0x1;
	s1 =	sadd.s32 s1, s5  }
0x10: {  	s0 =	simm.s32 $0x7;
	s12 =	sadd.s32 s6, s5;
	s5 =	sadd.s32 $0x3400, s1  }
0x11: {  	v0 =	vimm.f32 $0.0e+00;
	s6 =	sadd.s32 $0xD400, s1;
	s12 =	sadd.s32 $0x2AE00, s12;
	s1 =	simm.s32 $0x6  }
.LBB2_1:
0x12: {  	[tilespmem:s3], [sflag:$0x1] =	stream.linear.gather [hbm4b:s5+s3], $0x2800, $0x38;
	[tilespmem:$0x18C40] =	vst v63  }
0x13: {  	s20 =	simm.s32 $0x2800  }
0x14: {  	[tilespmem:s20], [sflag:$0x2] =	stream.linear.gather [hbm4b:s6+s3], $0x2800, $0x38;
	[tilespmem:$0x18C40] =	vst v63  }
0x15: {  	s22 =	simm.s32 $0x100;
	s20 =	simm.s32 $0x0  }
.LBB2_2:
0x16: {  	p0 =	sne.s32 s22, $0x7F00;
	[tilespmem:s20+$0x5030] =	vst v0;
	s24 =	smov.u32 s22;
	s22 =	sadd.s32 $0x100, s22  }
.Ltmp0:
0x17: {  	[tilespmem:s20+$0x5020] =	vst v0;
	(pc) =	sbr.rel @p0 .LBB2_2-.Ltmp0, $3  }
0x18: {  	[tilespmem:s20+$0x5000] =	vst v0  }
0x19: {  	[tilespmem:s20+$0x5010] =	vst v0;
	_ =	sdelay $0x1  }
0x1a: {  	s20 =	sshra.s32 s24, $0x2  }
0x1b: {  	[tilespmem:s20+$0x5030] =	vst v0  }
0x1c: {  	[tilespmem:s20+$0x5020] =	vst v0  }
0x1d: {  	[tilespmem:s20+$0x5000] =	vst v0  }
0x1e: {  	[tilespmem:s20+$0x5010] =	vst v0  }
0x1f: {  	[spmem:s7] =	stream.linear.scatter [tilespmem:s15], [sflag:$0x8], $0x2000, $0x38;
	[tilespmem:$0x18C40] =	vst v63  }
0x20: {  	_ =	swait.ge [sflag:s16], $0x2000  }
0x21: {  	[sflag:s16] =	ssyncset.done $0x0  }
0x22: {  	[sflag:s16] =	ssyncadd.s32 $0xFFFFE000  }
0x23: {  	[spmem:s8] =	stream.linear.scatter [tilespmem:s15], [sflag:$0x8], $0x2000, $0x38;
	[tilespmem:$0x18C40] =	vst v63  }
0x24: {  	_ =	swait.ge [sflag:s16], $0x2000  }
0x25: {  	[sflag:s16] =	ssyncset.done $0x0  }
0x26: {  	[sflag:s16] =	ssyncadd.s32 $0xFFFFE000  }
0x27: {  	[spmem:s9] =	stream.linear.scatter [tilespmem:s15], [sflag:$0x8], $0x2000, $0x38;
	[tilespmem:$0x18C40] =	vst v63  }
0x28: {  	_ =	swait.ge [sflag:s16], $0x2000  }
0x29: {  	[sflag:s16] =	ssyncset.done $0x0  }
0x2a: {  	[sflag:s16] =	ssyncadd.s32 $0xFFFFE000  }
0x2b: {  	[spmem:s10] =	stream.linear.scatter [tilespmem:s15], [sflag:$0x8], $0x2000, $0x38;
	[tilespmem:$0x18C40] =	vst v63  }
0x2c: {  	_ =	swait.ge [sflag:s16], $0x2000  }
0x2d: {  	[sflag:s16] =	ssyncset.done $0x0  }
0x2e: {  	[sflag:s16] =	ssyncadd.s32 $0xFFFFE000  }
0x2f: {  	[spmem:s11] =	stream.linear.scatter [tilespmem:s15], [sflag:$0x8], $0x2000, $0x38;
	[tilespmem:$0x18C40] =	vst v63  }
0x30: {  	_ =	swait.ge [sflag:s16], $0x2000  }
0x31: {  	[sflag:s16] =	ssyncset.done $0x0  }
0x32: {  	[sflag:s16] =	ssyncadd.s32 $0xFFFFE000  }
0x33: {  	_ =	swait.ge [sflag:s17], $0x2800  }
0x34: {  	[sflag:s17] =	ssyncset.done $0x0  }
0x35: {  	[sflag:s17] =	ssyncadd.s32 $0xFFFFD800  }
0x36: {  	_ =	swait.ge [sflag:s18], $0x2800  }
0x37: {  	[sflag:s18] =	ssyncset.done $0x0  }
0x38: {  	[sflag:s18] =	ssyncadd.s32 $0xFFFFD800  }
0x39: {  	s22 =	simm.s32 $0x0;
	[bflag:$0x0] =	sbarrier.arrive $0xFFFF  }
0x3a: {  	[tilespmem:s15], [sflag:$0x3] =	stream.indirect.gather [hbm4b:s4+s19], $0x40, s22, s19, $0xb8;
	[tilespmem:$0x18C40] =	vst v63  }
0x3b: {  	s24 =	simm.s32 $0x80  }
0x3c: {  	[tilespmem:s21], [sflag:$0x4] =	stream.indirect.gather [hbm4b:s4+s19], $0x40, s24, s19, $0xb8;
	[tilespmem:$0x18C40] =	vst v63  }
0x3d: {  	s22 =	simm.s32 $0x100  }
0x3e: {  	[tilespmem:s23], [sflag:$0x5] =	stream.indirect.gather [hbm4b:s4+s19], $0x40, s22, s19, $0xb8;
	[tilespmem:$0x18C40] =	vst v63  }
0x3f: {  	s24 =	simm.s32 $0x180  }
0x40: {  	[tilespmem:s25], [sflag:$0x6] =	stream.indirect.gather [hbm4b:s4+s19], $0x40, s24, s19, $0xb8;
	[tilespmem:$0x18C40] =	vst v63  }
0x41: {  	s22 =	simm.s32 $0x200  }
0x42: {  	[tilespmem:s28], [sflag:$0x7] =	stream.indirect.gather [hbm4b:s4+s19], $0x40, s22, s19, $0xb8;
	[tilespmem:$0x18C40] =	vst v63  }
0x43: {  	_ =	swait.ge [sflag:s29], $0x1F40  }
0x44: {  	[sflag:s29] =	ssyncset.done $0x0  }
0x45: {  	s24 =	simm.s32 $0x2800;
	[sflag:s29] =	ssyncadd.s32 $0xFFFFE0C0  }
0x46: {  	[spmem:s2] =	stream.indirect.scatter.add.f32 [tilespmem:s15], [sflag:$0x8], $0x40, s24, s19, $0xb8;
	[tilespmem:$0x18C40] =	vst v63  }
0x47: {  	_ =	swait.ge [sflag:s16], $0x1F40  }
0x48: {  	[sflag:s16] =	ssyncset.done $0x0  }
0x49: {  	s22 =	simm.s32 $0x280;
	[sflag:s16] =	ssyncadd.s32 $0xFFFFE0C0  }
0x4a: {  	[tilespmem:s15], [sflag:$0x3] =	stream.indirect.gather [hbm4b:s4+s19], $0x40, s22, s19, $0xb8;
	[tilespmem:$0x18C40] =	vst v63  }
0x4b: {  	_ =	swait.ge [sflag:s30], $0x1F40  }
0x4c: {  	[sflag:s30] =	ssyncset.done $0x0  }
0x4d: {  	s24 =	simm.s32 $0x2880;
	[sflag:s30] =	ssyncadd.s32 $0xFFFFE0C0  }
0x4e: {  	[spmem:s2] =	stream.indirect.scatter.add.f32 [tilespmem:s21], [sflag:$0x8], $0x40, s24, s19, $0xb8;
	[tilespmem:$0x18C40] =	vst v63  }
0x4f: {  	_ =	swait.ge [sflag:s16], $0x1F40  }
0x50: {  	[sflag:s16] =	ssyncset.done $0x0  }
0x51: {  	s22 =	simm.s32 $0x300;
	[sflag:s16] =	ssyncadd.s32 $0xFFFFE0C0  }
0x52: {  	[tilespmem:s21], [sflag:$0x4] =	stream.indirect.gather [hbm4b:s4+s19], $0x40, s22, s19, $0xb8;
	[tilespmem:$0x18C40] =	vst v63  }
0x53: {  	_ =	swait.ge [sflag:s31], $0x1F40  }
0x54: {  	[sflag:s31] =	ssyncset.done $0x0  }
0x55: {  	s24 =	simm.s32 $0x2900;
	[sflag:s31] =	ssyncadd.s32 $0xFFFFE0C0  }
0x56: {  	[spmem:s2] =	stream.indirect.scatter.add.f32 [tilespmem:s23], [sflag:$0x8], $0x40, s24, s19, $0xb8;
	[tilespmem:$0x18C40] =	vst v63  }
0x57: {  	_ =	swait.ge [sflag:s16], $0x1F40  }
0x58: {  	[sflag:s16] =	ssyncset.done $0x0  }
0x59: {  	s22 =	simm.s32 $0x380;
	[sflag:s16] =	ssyncadd.s32 $0xFFFFE0C0  }
0x5a: {  	[tilespmem:s23], [sflag:$0x5] =	stream.indirect.gather [hbm4b:s4+s19], $0x40, s22, s19, $0xb8;
	[tilespmem:$0x18C40] =	vst v63  }
0x5b: {  	_ =	swait.ge [sflag:s1], $0x1F40  }
0x5c: {  	[sflag:s1] =	ssyncset.done $0x0  }
0x5d: {  	s24 =	simm.s32 $0x2980;
	[sflag:s1] =	ssyncadd.s32 $0xFFFFE0C0  }
0x5e: {  	[spmem:s2] =	stream.indirect.scatter.add.f32 [tilespmem:s25], [sflag:$0x8], $0x40, s24, s19, $0xb8;
	[tilespmem:$0x18C40] =	vst v63  }
0x5f: {  	_ =	swait.ge [sflag:s16], $0x1F40  }
0x60: {  	[sflag:s16] =	ssyncset.done $0x0  }
0x61: {  	s22 =	simm.s32 $0x400;
	[sflag:s16] =	ssyncadd.s32 $0xFFFFE0C0  }
0x62: {  	[tilespmem:s25], [sflag:$0x6] =	stream.indirect.gather [hbm4b:s4+s19], $0x40, s22, s19, $0xb8;
	[tilespmem:$0x18C40] =	vst v63  }
0x63: {  	_ =	swait.ge [sflag:s0], $0x1F40  }
0x64: {  	[sflag:s0] =	ssyncset.done $0x0  }
0x65: {  	s24 =	simm.s32 $0x2A00;
	[sflag:s0] =	ssyncadd.s32 $0xFFFFE0C0  }
0x66: {  	[spmem:s2] =	stream.indirect.scatter.add.f32 [tilespmem:s28], [sflag:$0x8], $0x40, s24, s19, $0xb8;
	[tilespmem:$0x18C40] =	vst v63  }
0x67: {  	_ =	swait.ge [sflag:s16], $0x1F40  }
0x68: {  	[sflag:s16] =	ssyncset.done $0x0  }
0x69: {  	s20 =	simm.s32 $0xA00;
	s22 =	simm.s32 $0x480;
	[sflag:s16] =	ssyncadd.s32 $0xFFFFE0C0  }
.LBB2_4:
0x6a: {  	[tilespmem:s28], [sflag:$0x7] =	stream.indirect.gather [hbm4b:s4+s19], $0x40, s22, s19, $0xb8;
	[tilespmem:$0x18C40] =	vst v63  }
0x6b: {  	s22 =	smov.u32 s20  }
0x6c: {  	p0 =	sne.s32 s20, $0x8C00;
	s20 =	sadd.s32 $0xA00, s20;
	_ =	swait.ge [sflag:s29], $0x1F40  }
0x6d: {  	s22 =	sshra.s32 s22, $0x2;
	[sflag:s29] =	ssyncset.done $0x0  }
0x6e: {  	s24 =	sadd.s32 $0x2800, s22;
	[sflag:s29] =	ssyncadd.s32 $0xFFFFE0C0  }
0x6f: {  	[spmem:s2] =	stream.indirect.scatter.add.f32 [tilespmem:s15], [sflag:$0x8], $0x40, s24, s19, $0xb8;
	[tilespmem:$0x18C40] =	vst v63  }
0x70: {  	_ =	swait.ge [sflag:s16], $0x1F40  }
0x71: {  	[sflag:s16] =	ssyncset.done $0x0  }
0x72: {  	s24 =	sadd.s32 $0x280, s22;
	[sflag:s16] =	ssyncadd.s32 $0xFFFFE0C0  }
0x73: {  	[tilespmem:s15], [sflag:$0x3] =	stream.indirect.gather [hbm4b:s4+s19], $0x40, s24, s19, $0xb8;
	[tilespmem:$0x18C40] =	vst v63  }
0x74: {  	_ =	swait.ge [sflag:s30], $0x1F40  }
0x75: {  	[sflag:s30] =	ssyncset.done $0x0  }
0x76: {  	s24 =	sadd.s32 $0x2880, s22;
	[sflag:s30] =	ssyncadd.s32 $0xFFFFE0C0  }
0x77: {  	[spmem:s2] =	stream.indirect.scatter.add.f32 [tilespmem:s21], [sflag:$0x8], $0x40, s24, s19, $0xb8;
	[tilespmem:$0x18C40] =	vst v63  }
0x78: {  	_ =	swait.ge [sflag:s16], $0x1F40  }
0x79: {  	[sflag:s16] =	ssyncset.done $0x0  }
0x7a: {  	s24 =	sadd.s32 $0x300, s22;
	[sflag:s16] =	ssyncadd.s32 $0xFFFFE0C0  }
0x7b: {  	[tilespmem:s21], [sflag:$0x4] =	stream.indirect.gather [hbm4b:s4+s19], $0x40, s24, s19, $0xb8;
	[tilespmem:$0x18C40] =	vst v63  }
0x7c: {  	_ =	swait.ge [sflag:s31], $0x1F40  }
0x7d: {  	[sflag:s31] =	ssyncset.done $0x0  }
0x7e: {  	s24 =	sadd.s32 $0x2900, s22;
	[sflag:s31] =	ssyncadd.s32 $0xFFFFE0C0  }
0x7f: {  	[spmem:s2] =	stream.indirect.scatter.add.f32 [tilespmem:s23], [sflag:$0x8], $0x40, s24, s19, $0xb8;
	[tilespmem:$0x18C40] =	vst v63  }
0x80: {  	_ =	swait.ge [sflag:s16], $0x1F40  }
0x81: {  	[sflag:s16] =	ssyncset.done $0x0  }
0x82: {  	s24 =	sadd.s32 $0x380, s22;
	[sflag:s16] =	ssyncadd.s32 $0xFFFFE0C0  }
0x83: {  	[tilespmem:s23], [sflag:$0x5] =	stream.indirect.gather [hbm4b:s4+s19], $0x40, s24, s19, $0xb8;
	[tilespmem:$0x18C40] =	vst v63  }
0x84: {  	_ =	swait.ge [sflag:s1], $0x1F40  }
0x85: {  	[sflag:s1] =	ssyncset.done $0x0  }
0x86: {  	s24 =	sadd.s32 $0x2980, s22;
	[sflag:s1] =	ssyncadd.s32 $0xFFFFE0C0  }
0x87: {  	[spmem:s2] =	stream.indirect.scatter.add.f32 [tilespmem:s25], [sflag:$0x8], $0x40, s24, s19, $0xb8;
	[tilespmem:$0x18C40] =	vst v63  }
0x88: {  	_ =	swait.ge [sflag:s16], $0x1F40  }
0x89: {  	[sflag:s16] =	ssyncset.done $0x0  }
0x8a: {  	s24 =	sadd.s32 $0x400, s22;
	[sflag:s16] =	ssyncadd.s32 $0xFFFFE0C0  }
0x8b: {  	[tilespmem:s25], [sflag:$0x6] =	stream.indirect.gather [hbm4b:s4+s19], $0x40, s24, s19, $0xb8;
	[tilespmem:$0x18C40] =	vst v63  }
0x8c: {  	_ =	swait.ge [sflag:s0], $0x1F40  }
0x8d: {  	[sflag:s0] =	ssyncset.done $0x0  }
.Ltmp1:
0x8e: {  	s24 =	sadd.s32 $0x2A00, s22;
	[sflag:s0] =	ssyncadd.s32 $0xFFFFE0C0;
	(pc) =	sbr.rel @p0 .LBB2_4-.Ltmp1, $4  }
0x8f: {  	[spmem:s2] =	stream.indirect.scatter.add.f32 [tilespmem:s28], [sflag:$0x8], $0x40, s24, s19, $0xb8;
	[tilespmem:$0x18C40] =	vst v63  }
0x90: {  	_ =	swait.ge [sflag:s16], $0x1F40  }
0x91: {  	[sflag:s16] =	ssyncset.done $0x0  }
0x92: {  	s22 =	sadd.s32 $0x480, s22;
	[sflag:s16] =	ssyncadd.s32 $0xFFFFE0C0  }
0x93: {  	[tilespmem:s28], [sflag:$0x7] =	stream.indirect.gather [hbm4b:s4+s19], $0x40, s22, s19, $0xb8;
	[tilespmem:$0x18C40] =	vst v63  }
0x94: {  	_ =	swait.ge [sflag:s29], $0x1F40  }
0x95: {  	[sflag:s29] =	ssyncset.done $0x0  }
0x96: {  	s20 =	simm.s32 $0x4D80;
	[sflag:s29] =	ssyncadd.s32 $0xFFFFE0C0  }
0x97: {  	[spmem:s2] =	stream.indirect.scatter.add.f32 [tilespmem:s15], [sflag:$0x8], $0x40, s20, s19, $0xb8;
	[tilespmem:$0x18C40] =	vst v63  }
0x98: {  	_ =	swait.ge [sflag:s16], $0x1F40  }
0x99: {  	[sflag:s16] =	ssyncset.done $0x0  }
0x9a: {  	[sflag:s16] =	ssyncadd.s32 $0xFFFFE0C0  }
0x9b: {  	_ =	swait.ge [sflag:s30], $0x1F40  }
0x9c: {  	[sflag:s30] =	ssyncset.done $0x0  }
0x9d: {  	s24 =	simm.s32 $0x4E00;
	[sflag:s30] =	ssyncadd.s32 $0xFFFFE0C0  }
0x9e: {  	[spmem:s2] =	stream.indirect.scatter.add.f32 [tilespmem:s21], [sflag:$0x8], $0x40, s24, s19, $0xb8;
	[tilespmem:$0x18C40] =	vst v63  }
0x9f: {  	_ =	swait.ge [sflag:s16], $0x1F40  }
0xa0: {  	[sflag:s16] =	ssyncset.done $0x0  }
0xa1: {  	[sflag:s16] =	ssyncadd.s32 $0xFFFFE0C0  }
0xa2: {  	_ =	swait.ge [sflag:s31], $0x1F40  }
0xa3: {  	[sflag:s31] =	ssyncset.done $0x0  }
0xa4: {  	s22 =	simm.s32 $0x4E80;
	[sflag:s31] =	ssyncadd.s32 $0xFFFFE0C0  }
0xa5: {  	[spmem:s2] =	stream.indirect.scatter.add.f32 [tilespmem:s23], [sflag:$0x8], $0x40, s22, s19, $0xb8;
	[tilespmem:$0x18C40] =	vst v63  }
0xa6: {  	_ =	swait.ge [sflag:s16], $0x1F40  }
0xa7: {  	[sflag:s16] =	ssyncset.done $0x0  }
0xa8: {  	[sflag:s16] =	ssyncadd.s32 $0xFFFFE0C0  }
0xa9: {  	_ =	swait.ge [sflag:s1], $0x1F40  }
0xaa: {  	[sflag:s1] =	ssyncset.done $0x0  }
0xab: {  	s24 =	simm.s32 $0x4F00;
	[sflag:s1] =	ssyncadd.s32 $0xFFFFE0C0  }
0xac: {  	[spmem:s2] =	stream.indirect.scatter.add.f32 [tilespmem:s25], [sflag:$0x8], $0x40, s24, s19, $0xb8;
	[tilespmem:$0x18C40] =	vst v63  }
0xad: {  	_ =	swait.ge [sflag:s16], $0x1F40  }
0xae: {  	[sflag:s16] =	ssyncset.done $0x0  }
0xaf: {  	[sflag:s16] =	ssyncadd.s32 $0xFFFFE0C0  }
0xb0: {  	_ =	swait.ge [sflag:s0], $0x1F40  }
0xb1: {  	[sflag:s0] =	ssyncset.done $0x0  }
0xb2: {  	[sflag:s0] =	ssyncadd.s32 $0xFFFFE0C0  }
0xb3: {  	[spmem:s2] =	stream.indirect.scatter.add.f32 [tilespmem:s28], [sflag:$0x8], $0x40, s26, s19, $0xb8;
	[tilespmem:$0x18C40] =	vst v63  }
0xb4: {  	s22 =	stileid.u32;
	_ =	swait.ge [sflag:s16], $0x1F40  }
0xb5: {  	s14 =	sadd.s32 $0x1, s14;
	s20 =	sshll.u32 s22, $0x6;
	[sflag:s16] =	ssyncset.done $0x0  }
0xb6: {  	p0 =	sne.s32 s14, s13;
	s20 =	sor.u32 $0x1C08, s20;
	[sflag:s16] =	ssyncadd.s32 $0xFFFFE0C0  }
.Ltmp2:
0xb7: {  	s24 =	sshrl.u32 s7, $0x3;
	[bflag:$0x0] =	sbarrier.arrive $0xFFFF;
	(pc) =	sbr.rel @p0 .LBB2_1-.Ltmp2, $4  }
0xb8: {  	[hbm:s12], [sflag:s20] =	dma.local [spmem:s24], $0x1400  }
0xb9: {  	_ =	swait.ge [sflag:s16], $0x1400  }
0xba: {  	[sflag:s16] =	ssyncset.done $0x0  }
0xbb: {  	[sflag:s16] =	ssyncadd.s32 $0xFFFFEC00  }
0xbc: {  	_ =	sfence.sel $0x180000  }
0xbd: {  	[bflag:$0x0] =	sbarrier.arrive $0xFFFF  }
0xbe: {  	_ =	strace $0x9000004D  }
0xbf: {  	s0 =	stileid.u32;
	[bflag:$0x2] =	sbarrier.arrive $0xFFFF  }
0xc0: {  	p0 =	sne.s32 s0, $0x0;
	s0 =	rddreg [dreg:$0x2]  }
0xc1: {  	s0 =	sadd.s32 @!p0 $0x100000, s0  }
0xc2: {  	[sflag:s0] =	ssyncadd.tile.s32 @!p0 $0x1;
	_ =	shalt  }
.Lfunc_end2:
_tile_overlayer_lowered:
.L_overlay_start_2:
0xc3: {  	(tag) =	ssettag $0x2  }
0xc4: {  	s0 =	rddreg [dreg:$0x0];
	s2 =	stileid.u32  }
0xc5: {  	s1 =	rddreg [dreg:$0x1];
	p0 =	sne.s32 s2, $0x0  }
0xc6: {  	s3 =	rddreg [dreg:$0x2];
	[bflag:$0x3] =	sbarrier.arrive $0xFFFF;
	s2 =	simm.s32 @!p0 $0x1C08  }
0xc7: {  	[timem:s3], [sflag:s2] =	dma.local @!p0 [hbm:s0], s1  }
0xc8: {  	s0 =	simm.s32 @!p0 $0x8  }
0xc9: {  	_ =	swait.ge @!p0 [sflag:s0], s1  }
0xca: {  	s1 =	ssub.s32 @!p0 $0x0, s1;
	[sflag:s0] =	ssyncset.done @!p0 $0x0  }
0xcb: {  	[sflag:s0] =	ssyncadd.s32 @!p0 s1  }
0xcc: {  	[bflag:$0x3] =	sbarrier.arrive $0xFFFF  }
0xcd: {  	_ =	shalt  }

// kernel: kernel.19.cloned.1.call-start
scs
__scs_entry_jumppad:
0x0: {  	(pc) =	sbr.rel $0x88, $3  }
0x1: {  	(tag) =	ssettag $0x0;
	lr =	simm.s32 $0x1  }
0x2: {  	[smem:$0x3F94] =	sst lr;
	_ =	strace $0xD0000000  }
0x3: {  	_ = 	snop  }
0x4: {  	_ = 	snop  }
0x5: {  	_ = 	snop  }
0x6: {  	_ = 	snop  }
0x7: {  	_ = 	snop  }
__scs_overlays_trampoline_lowered:
0x8: {  	[smem:$0x3FA3] =	sst s0  }
0x9: {  	[smem:$0x3FA4] =	sst s1  }
0xa: {  	[smem:$0x3FA5] =	sst s2  }
0xb: {  	[smem:$0x3FA6] =	sst s3  }
0xc: {  	[smem:$0x3FA7] =	sst s4  }
0xd: {  	[smem:$0x3FA8] =	sst s5  }
0xe: {  	[smem:$0x3FA9] =	sst s6  }
0xf: {  	[smem:$0x3FAA] =	sst s7  }
0x10: {  	[smem:$0x3FAB] =	sst s8  }
0x11: {  	[smem:$0x3FAC] =	sst s9;
	s0 =	simm.s32 @!p0 $0x0  }
0x12: {  	s1 =	sld [smem:$0x3F92];
	s0 =	simm.s32 @p0 $0x1  }
0x13: {  	[smem:$0x3FAD] =	sst s0;
	s0 =	simm.s32 @!p1 $0x0  }
0x14: {  	s2 =	sld [smem:$0x3F91];
	s0 =	simm.s32 @p1 $0x1  }
0x15: {  	[smem:$0x3FAE] =	sst s0;
	s0 =	simm.s32 @!p2 $0x0  }
0x16: {  	s3 =	sld [smem:$0x3FDB];
	s0 =	simm.s32 @p2 $0x1  }
0x17: {  	s4 =	simm.s32 $0x1BF5;
	[smem:$0x3FB0] =	sst s0  }
0x18: {  	s0 =	sld [smem:$0x3F93];
	_ =	swait.ge [sflag:s4], $0x0  }
0x19: {  	s7 =	sld [smem:$0x3F94]  }
0x1a: {  	s8 =	sadd.s32 $0xFFFFE003, lr  }
0x1b: {  	s9 =	sadd.s32 $0xFFFFFEF7, lr;
	s5 =	simm.s32 $0xFFFFFFFF;
	p2 =	slt.u32 s8, $0xFFFFF086  }
0x1c: {  	p1 =	slt.u32 s9, $0xF7A;
	s5 =	simm.s32 @!p2 $0x0  }
0x1d: {  	s5 =	simm.s32 @p1 $0x1;
	p0 =	seq.s32 s7, s2  }
0x1e: {  	s7 =	smul.u32 @!p0 $0xF7A, s2;
	p2 =	seq.s32 @!p0 s5, $0x0  }
0x1f: {  	s9 =	smul.u32 $0xF7A, s1;
	s8 =	simm.s32 @!p0 $0x1BF5;
	p2 =	por !p2, p0  }
0x20: {  	[sflag:s8] =	ssyncset.s32 @!p0 $0xFFFFF086;
	s6 =	sadd.s32 @!p0 s3, s7;
	s7 =	simm.s32 @!p0 $0x108  }
0x21: {  	s3 =	sadd.s32 s3, s9;
	s6 =	sadd.s32 @!p0 $0x88, s6;
	s7 =	simm.s32 @p2 $0x1082  }
0x22: {  	[simem:s7], [sflag:s8] =	dma.local @!p0 [hbm:s6], $0xF7A  }
0x23: {  	s9 =	sor.u32 $0xD0000000, s2;
	s6 =	simm.s32 $0x108;
	_ =	swait.ge @!p0 [sflag:s8], $0x0  }
0x24: {  	s3 =	sadd.s32 $0x88, s3;
	s6 =	simm.s32 @!p1 $0x1082;
	[sflag:s4] =	ssyncset.s32 $0xFFFFF086  }
0x25: {  	[simem:s6], [sflag:s4] =	dma.local [hbm:s3], $0xF7A  }
0x26: {  	[smem:$0x3F94] =	sst s1;
	(tag) =	ssettag s2;
	_ =	strace s9  }
0x27: {  	s1 =	sld [smem:$0x3FA4]  }
0x28: {  	s2 =	sld [smem:$0x3FA5]  }
0x29: {  	s4 =	sld [smem:$0x3FA7]  }
0x2a: {  	p0 =	seq.s32 s5, $0x0;
	s5 =	sld [smem:$0x3FA8]  }
0x2b: {  	s6 =	sld [smem:$0x3FA9]  }
0x2c: {  	s7 =	sld [smem:$0x3FAA]  }
0x2d: {  	s3 =	simm.s32 $0x108;
	s8 =	sld [smem:$0x3FAB]  }
0x2e: {  	s3 =	simm.s32 @!p0 $0x1082;
	s9 =	sld [smem:$0x3FAC]  }
0x2f: {  	lr =	sadd.s32 s0, s3;
	s0 =	sld [smem:$0x3FA3]  }
0x30: {  	s3 =	sld [smem:$0x3FA6]  }
0x31: {  	[smem:$0x3FAF] =	sst s10  }
0x32: {  	s10 =	sld [smem:$0x3FAD];
	_ =	sdelay $0x3  }
0x33: {  	p0 =	seq.s32 s10, $0x1;
	s10 =	sld [smem:$0x3FAF];
	_ =	sdelay $0x3  }
0x34: {  	[smem:$0x3FAF] =	sst s10  }
0x35: {  	s10 =	sld [smem:$0x3FAE];
	_ =	sdelay $0x3  }
0x36: {  	p1 =	seq.s32 s10, $0x1;
	s10 =	sld [smem:$0x3FAF];
	_ =	sdelay $0x3  }
0x37: {  	[smem:$0x3FAF] =	sst s10  }
0x38: {  	s10 =	sld [smem:$0x3FB0]  }
0x39: {  	_ = 	snop;
	(pc) =	sbr.ind lr, $3  }
0x3a: {  	_ = 	snop  }
0x3b: {  	_ = 	snop  }
0x3c: {  	p2 =	seq.s32 s10, $0x1;
	s10 =	sld [smem:$0x3FAF]  }
0x3d: {  	_ =	shalt  }
0x3e: {  	_ =	shalt  }
0x3f: {  	_ =	shalt  }
0x40: {  	_ =	shalt  }
0x41: {  	_ =	shalt  }
0x42: {  	_ =	shalt  }
0x43: {  	_ =	shalt  }
0x44: {  	_ =	shalt  }
0x45: {  	_ =	shalt  }
0x46: {  	_ =	shalt  }
0x47: {  	_ =	shalt  }
0x48: {  	_ =	shalt  }
0x49: {  	_ =	shalt  }
0x4a: {  	_ =	shalt  }
0x4b: {  	_ =	shalt  }
0x4c: {  	_ =	shalt  }
0x4d: {  	_ =	shalt  }
0x4e: {  	_ =	shalt  }
0x4f: {  	_ =	shalt  }
0x50: {  	_ =	shalt  }
0x51: {  	_ =	shalt  }
0x52: {  	_ =	shalt  }
0x53: {  	_ =	shalt  }
0x54: {  	_ =	shalt  }
0x55: {  	_ =	shalt  }
0x56: {  	_ =	shalt  }
0x57: {  	_ =	shalt  }
0x58: {  	_ =	shalt  }
0x59: {  	_ =	shalt  }
0x5a: {  	_ =	shalt  }
0x5b: {  	_ =	shalt  }
0x5c: {  	_ =	shalt  }
0x5d: {  	_ =	shalt  }
0x5e: {  	_ =	shalt  }
0x5f: {  	_ =	shalt  }
0x60: {  	_ =	shalt  }
0x61: {  	_ =	shalt  }
0x62: {  	_ =	shalt  }
0x63: {  	_ =	shalt  }
0x64: {  	_ =	shalt  }
0x65: {  	_ =	shalt  }
0x66: {  	_ =	shalt  }
0x67: {  	_ =	shalt  }
0x68: {  	_ =	shalt  }
0x69: {  	_ =	shalt  }
0x6a: {  	_ =	shalt  }
0x6b: {  	_ =	shalt  }
0x6c: {  	_ =	shalt  }
0x6d: {  	_ =	shalt  }
0x6e: {  	_ =	shalt  }
0x6f: {  	_ =	shalt  }
0x70: {  	_ =	shalt  }
0x71: {  	_ =	shalt  }
0x72: {  	_ =	shalt  }
0x73: {  	_ =	shalt  }
0x74: {  	_ =	shalt  }
0x75: {  	_ =	shalt  }
0x76: {  	_ =	shalt  }
0x77: {  	_ =	shalt  }
0x78: {  	_ =	shalt  }
0x79: {  	_ =	shalt  }
0x7a: {  	_ =	shalt  }
0x7b: {  	_ =	shalt  }
0x7c: {  	_ =	shalt  }
0x7d: {  	_ =	shalt  }
0x7e: {  	_ =	shalt  }
0x7f: {  	_ =	shalt  }
0x80: {  	_ =	shalt  }
0x81: {  	_ =	shalt  }
0x82: {  	_ =	shalt  }
0x83: {  	_ =	shalt  }
0x84: {  	_ =	shalt  }
0x85: {  	_ =	shalt  }
0x86: {  	_ =	shalt  }
0x87: {  	_ =	shalt  }
.Lfunc_end0:
.L_simem_size_0:
called_computation.3_lowered:
.L_overlay_start_0:
0x88: {  	s2 =	sld [smem:$0x3FD9]  }
0x89: {  	s3 =	sld [smem:$0x3FFE];
	_ =	sdelay $0x1  }
0x8a: {  	s1 =	srdreg.scid  }
0x8b: {  	s0 =	sand.u32 $0x1, s1  }
0x8c: {  	s16 =	sshll.u32 s0, $0xA;
	s2 =	sadd.s32 s3, s2  }
0x8d: {  	s2 =	sadd.s32 s2, s16  }
0x8e: {  	[smem:$0x3FBB] =	sst s2  }
0x8f: {  	_ = 	snop  }
0x90: {  	(tm) =	ssettm $0x1  }
0x91: {  	s17 =	sld [smem:$0x3FFB];
	_ =	sdelay $0x3  }
0x92: {  	_ =	strace s17  }
0x93: {  	s2 =	sld [smem:$0x3FFC];
	_ =	sdelay $0x3  }
0x94: {  	_ =	strace s2  }
0x95: {  	s2 =	sld [smem:$0x3FFD];
	_ =	sdelay $0x3  }
0x96: {  	_ =	strace s2  }
0x97: {  	_ =	strace $0x8FFFFFFF  }
0x98: {  	s18 =	sld [smem:$0x3FDB];
	_ =	sdelay $0x1  }
0x99: {  	s19 =	simm.s32 $_scs_section_size  }
0x9a: {  	s4 =	simm.s32 $_size__tile_overlayer_lowered;
	s5 =	simm.s32 $_tile_overlayer_lowered  }
0x9b: {  	s22 =	simm.s32 $0x1BFF;
	s21 =	sshll.u32 s5, $0x1;
	s2 =	sadd.s32 s19, s18  }
0x9c: {  	s6 =	simm.s32 $0x0;
	s20 =	sshll.u32 s4, $0x1;
	s4 =	sadd.s32 s21, s2  }
0x9d: {  	[timem:s6], [sflag:s22] =	dma.local [hbm:s4], s20  }
0x9e: {  	_ =	swait.ge [sflag:s22], s20  }
0x9f: {  	s3 =	ssub.s32 $0x0, s20;
	[sflag:s22] =	ssyncset.done $0x0  }
0xa0: {  	[sflag:s22] =	ssyncadd.s32 s3;
	_ =	sdelay $0x1  }
0xa1: {  	s23 =	simm.s32 $0x1B8B  }
0xa2: {  	_ =	swait.ge [sflag:s23], $0x1  }
0xa3: {  	[sflag:s23] =	ssyncset.done $0x0  }
0xa4: {  	s25 =	simm.s32 $0x1B8E;
	s24 =	sld [smem:$0x3FFE];
	[sflag:s23] =	ssyncadd.s32 $0xFFFFFFFF  }
0xa5: {  	s26 =	simm.s32 $execute0_lowered;
	[smem:$0x3FD2] =	sst s25  }
0xa6: {  	s4 =	sshll.u32 s26, $0x1;
	_ =	strace $0x8000004F;
	[dreg:$0x1] =	wrdreg $0xFFFFFFFF  }
0xa7: {  	s28 =	simm.s32 $_size_execute0_lowered;
	s2 =	sadd.s32 s2, s4;
	[dreg:$0x0] =	wrdreg $0x0  }
0xa8: {  	s4 =	sshll.u32 s28, $0x1;
	[dreg:$0x2] =	wrdreg s2  }
0xa9: {  	[dreg:$0x3] =	wrdreg s4  }
0xaa: {  	[dreg:$0x4] =	wrdreg $0xC0  }
0xab: {  	_ =	task [dreg:s6], $0x5FFFF  }
0xac: {  	[dreg:$0x1] =	wrdreg $0xFFFFFFFF  }
0xad: {  	[dreg:$0x0] =	wrdreg $0x60  }
0xae: {  	[dreg:$0x2] =	wrdreg s24  }
0xaf: {  	[dreg:$0x3] =	wrdreg $0x9E200  }
0xb0: {  	[dreg:$0x4] =	wrdreg $0x9  }
0xb1: {  	_ =	task.clear_ibuf [dreg:s6], $0x5FFFF;
	_ =	strace $0x9000004F  }
0xb2: {  	s29 =	simm.s32 $0x9;
	_ =	strace $0x80000051  }
0xb3: {  	_ =	swait.ge [sflag:s29], $0x1  }
0xb4: {  	[sflag:s29] =	ssyncadd.s32 $0xFFFFFFFF  }
0xb5: {  	_ =	strace $0x90000051  }
0xb6: {  	_ =	sfence  }
0xb7: {  	s30 =	sld [smem:$0x0];
	_ =	sdelay $0x2  }
0xb8: {  	s31 =	sshll.u32 s1, $0xD;
	s1 =	sshrl.u32 s1, $0x2  }
0xb9: {  	s3 =	sand.u32 $0x4000, s31;
	s1 =	sadd.s32 s1, s30  }
0xba: {  	s0 =	sor.u32 s3, s0;
	s1 =	sshll.u32 s1, $0x11  }
0xbb: {  	s0 =	sor.u32 s1, s0  }
0xbc: {  	s0 =	sadd.s32 $0x8F2B, s0  }
0xbd: {  	[sflag:s0] =	ssyncadd.remote.s32 $0x1  }
0xbe: {  	_ =	sfence.sel $0xFFFF  }
0xbf: {  	[dreg:$0x0] =	wrdreg $0xFFFFFFFF;
	(pc) =	sbr.abs _section_cstart, $3  }
0xc0: {  	[dreg:$0x1] =	wrdreg $0xFFFFFFFF  }
0xc1: {  	_ =	task.clear_ibuf [dreg:s6], $0x2FFFF;
	_ =	strace $0x9FFFFFFF  }
0xc2: {  	(tm) =	ssettm $0x7FFFFFFF  }
0xc3: {  	_ =	shalt  }
tec
execute0_lowered:
.L_overlay_start_1:
0x0: {  	(tag) =	ssettag $0x1  }
0x1: {  	s0 =	srdreg.scid;
	s5 =	rddreg [dreg:$0x0]  }
0x2: {  	s8 =	stileid.u32;
	s2 =	rddreg [dreg:$0x1];
	s3 =	simm.s32 $0x0  }
0x3: {  	s15 =	simm.s32 $0x5000;
	s16 =	simm.s32 $0x8;
	s17 =	simm.s32 $0x1  }
0x4: {  	s18 =	simm.s32 $0x2;
	s19 =	simm.s32 $0x7D;
	s21 =	simm.s32 $0x5FA0  }
0x5: {  	s23 =	simm.s32 $0x6F40;
	s28 =	simm.s32 $0x8E80;
	s29 =	simm.s32 $0x3  }
0x6: {  	s30 =	simm.s32 $0x4;
	s31 =	simm.s32 $0x5;
	s14 =	simm.s32 $0x0  }
0x7: {  	s0 =	sand.u32 $0x1, s0;
	s1 =	sshll.u32 s8, $0x1;
	s7 =	smul.u32 $0x5000, s8  }
0x8: {  	[smem:$0x7FF] =	sst s3;
	s4 =	sadd.s32 $0x17400, s5;
	s8 =	smul.u32 $0x14000, s8  }
0x9: {  	s1 =	sor.u32 s0, s1;
	s6 =	smul.u32 $0x50000, s0;
	s0 =	ssub.s32 $0x2, s0  }
0xa: {  	_ =	strace $0x80000050;
	s1 =	smul.u32 $0x2800, s1;
	s25 =	sshrl.u32 s0, $0x1  }
0xb: {  	s26 =	sshrl.u32 s8, $0x2;
	s6 =	sadd.s32 s7, s6;
	s0 =	ssub.s32 s0, s25  }
0xc: {  	s11 =	sadd.s32 s26, s2;
	s7 =	sadd.s32 s7, s2;
	s25 =	simm.s32 $0x7EE0  }
0xd: {  	s26 =	simm.s32 $0x4F80;
	s1 =	sshrl.u32 s1, $0x3;
	s6 =	sshrl.u32 s6, $0x3  }
0xe: {  	s8 =	sadd.s32 $0x1000, s11;
	s9 =	sadd.s32 $0x2000, s11;
	s10 =	sadd.s32 $0x3000, s11  }
0xf: {  	s11 =	sadd.s32 $0x4000, s11;
	s13 =	smax.u32 s0, $0x1;
	s1 =	sadd.s32 s1, s5  }
0x10: {  	s0 =	simm.s32 $0x7;
	s12 =	sadd.s32 s6, s5;
	s5 =	sadd.s32 $0x3400, s1  }
0x11: {  	v0 =	vimm.f32 $0.0e+00;
	s6 =	sadd.s32 $0xD400, s1;
	s12 =	sadd.s32 $0x21200, s12;
	s1 =	simm.s32 $0x6  }
.LBB2_1:
0x12: {  	[tilespmem:s3], [sflag:$0x1] =	stream.linear.gather [hbm4b:s5+s3], $0x2800, $0x38;
	[tilespmem:$0xEE20] =	vst v63  }
0x13: {  	s20 =	simm.s32 $0x2800  }
0x14: {  	[tilespmem:s20], [sflag:$0x2] =	stream.linear.gather [hbm4b:s6+s3], $0x2800, $0x38;
	[tilespmem:$0xEE20] =	vst v63  }
0x15: {  	s22 =	simm.s32 $0x0;
	s20 =	simm.s32 $0x80  }
.LBB2_2:
0x16: {  	p0 =	sne.s32 s20, $0x3F80;
	[tilespmem:s22+$0x5000] =	vst v0;
	s24 =	smov.u32 s20;
	s20 =	sadd.s32 $0x80, s20  }
.Ltmp0:
0x17: {  	[tilespmem:s22+$0x5010] =	vst v0;
	(pc) =	sbr.rel @p0 .LBB2_2-.Ltmp0, $2  }
0x18: {  	_ =	sdelay $0x2  }
0x19: {  	s22 =	sshra.s32 s24, $0x2  }
0x1a: {  	[tilespmem:s22+$0x5000] =	vst v0  }
0x1b: {  	[tilespmem:s22+$0x5010] =	vst v0  }
0x1c: {  	[spmem:s7] =	stream.linear.scatter [tilespmem:s15], [sflag:$0x8], $0x1000, $0x38;
	[tilespmem:$0xEE20] =	vst v63  }
0x1d: {  	_ =	swait.ge [sflag:s16], $0x1000  }
0x1e: {  	[sflag:s16] =	ssyncset.done $0x0  }
0x1f: {  	[sflag:s16] =	ssyncadd.s32 $0xFFFFF000  }
0x20: {  	[spmem:s8] =	stream.linear.scatter [tilespmem:s15], [sflag:$0x8], $0x1000, $0x38;
	[tilespmem:$0xEE20] =	vst v63  }
0x21: {  	_ =	swait.ge [sflag:s16], $0x1000  }
0x22: {  	[sflag:s16] =	ssyncset.done $0x0  }
0x23: {  	[sflag:s16] =	ssyncadd.s32 $0xFFFFF000  }
0x24: {  	[spmem:s9] =	stream.linear.scatter [tilespmem:s15], [sflag:$0x8], $0x1000, $0x38;
	[tilespmem:$0xEE20] =	vst v63  }
0x25: {  	_ =	swait.ge [sflag:s16], $0x1000  }
0x26: {  	[sflag:s16] =	ssyncset.done $0x0  }
0x27: {  	[sflag:s16] =	ssyncadd.s32 $0xFFFFF000  }
0x28: {  	[spmem:s10] =	stream.linear.scatter [tilespmem:s15], [sflag:$0x8], $0x1000, $0x38;
	[tilespmem:$0xEE20] =	vst v63  }
0x29: {  	_ =	swait.ge [sflag:s16], $0x1000  }
0x2a: {  	[sflag:s16] =	ssyncset.done $0x0  }
0x2b: {  	[sflag:s16] =	ssyncadd.s32 $0xFFFFF000  }
0x2c: {  	[spmem:s11] =	stream.linear.scatter [tilespmem:s15], [sflag:$0x8], $0x1000, $0x38;
	[tilespmem:$0xEE20] =	vst v63  }
0x2d: {  	_ =	swait.ge [sflag:s16], $0x1000  }
0x2e: {  	[sflag:s16] =	ssyncset.done $0x0  }
0x2f: {  	[sflag:s16] =	ssyncadd.s32 $0xFFFFF000  }
0x30: {  	_ =	swait.ge [sflag:s17], $0x2800  }
0x31: {  	[sflag:s17] =	ssyncset.done $0x0  }
0x32: {  	[sflag:s17] =	ssyncadd.s32 $0xFFFFD800  }
0x33: {  	_ =	swait.ge [sflag:s18], $0x2800  }
0x34: {  	[sflag:s18] =	ssyncset.done $0x0  }
0x35: {  	[sflag:s18] =	ssyncadd.s32 $0xFFFFD800  }
0x36: {  	s20 =	simm.s32 $0x0;
	[bflag:$0x0] =	sbarrier.arrive $0xFFFF  }
0x37: {  	[tilespmem:s15], [sflag:$0x3] =	stream.indirect.gather [hbm4b:s4+s19], $0x20, s20, s19, $0xb8;
	[tilespmem:$0xEE20] =	vst v63  }
0x38: {  	s24 =	simm.s32 $0x80  }
0x39: {  	[tilespmem:s21], [sflag:$0x4] =	stream.indirect.gather [hbm4b:s4+s19], $0x20, s24, s19, $0xb8;
	[tilespmem:$0xEE20] =	vst v63  }
0x3a: {  	s22 =	simm.s32 $0x100  }
0x3b: {  	[tilespmem:s23], [sflag:$0x5] =	stream.indirect.gather [hbm4b:s4+s19], $0x20, s22, s19, $0xb8;
	[tilespmem:$0xEE20] =	vst v63  }
0x3c: {  	s24 =	simm.s32 $0x180  }
0x3d: {  	[tilespmem:s25], [sflag:$0x6] =	stream.indirect.gather [hbm4b:s4+s19], $0x20, s24, s19, $0xb8;
	[tilespmem:$0xEE20] =	vst v63  }
0x3e: {  	s22 =	simm.s32 $0x200  }
0x3f: {  	[tilespmem:s28], [sflag:$0x7] =	stream.indirect.gather [hbm4b:s4+s19], $0x20, s22, s19, $0xb8;
	[tilespmem:$0xEE20] =	vst v63  }
0x40: {  	_ =	swait.ge [sflag:s29], $0xFA0  }
0x41: {  	[sflag:s29] =	ssyncset.done $0x0  }
0x42: {  	s24 =	simm.s32 $0x2800;
	[sflag:s29] =	ssyncadd.s32 $0xFFFFF060  }
0x43: {  	[spmem:s2] =	stream.indirect.scatter.add.f32 [tilespmem:s15], [sflag:$0x8], $0x20, s24, s19, $0xb8;
	[tilespmem:$0xEE20] =	vst v63  }
0x44: {  	_ =	swait.ge [sflag:s16], $0xFA0  }
0x45: {  	[sflag:s16] =	ssyncset.done $0x0  }
0x46: {  	s22 =	simm.s32 $0x280;
	[sflag:s16] =	ssyncadd.s32 $0xFFFFF060  }
0x47: {  	[tilespmem:s15], [sflag:$0x3] =	stream.indirect.gather [hbm4b:s4+s19], $0x20, s22, s19, $0xb8;
	[tilespmem:$0xEE20] =	vst v63  }
0x48: {  	_ =	swait.ge [sflag:s30], $0xFA0  }
0x49: {  	[sflag:s30] =	ssyncset.done $0x0  }
0x4a: {  	s24 =	simm.s32 $0x2880;
	[sflag:s30] =	ssyncadd.s32 $0xFFFFF060  }
0x4b: {  	[spmem:s2] =	stream.indirect.scatter.add.f32 [tilespmem:s21], [sflag:$0x8], $0x20, s24, s19, $0xb8;
	[tilespmem:$0xEE20] =	vst v63  }
0x4c: {  	_ =	swait.ge [sflag:s16], $0xFA0  }
0x4d: {  	[sflag:s16] =	ssyncset.done $0x0  }
0x4e: {  	s22 =	simm.s32 $0x300;
	[sflag:s16] =	ssyncadd.s32 $0xFFFFF060  }
0x4f: {  	[tilespmem:s21], [sflag:$0x4] =	stream.indirect.gather [hbm4b:s4+s19], $0x20, s22, s19, $0xb8;
	[tilespmem:$0xEE20] =	vst v63  }
0x50: {  	_ =	swait.ge [sflag:s31], $0xFA0  }
0x51: {  	[sflag:s31] =	ssyncset.done $0x0  }
0x52: {  	s24 =	simm.s32 $0x2900;
	[sflag:s31] =	ssyncadd.s32 $0xFFFFF060  }
0x53: {  	[spmem:s2] =	stream.indirect.scatter.add.f32 [tilespmem:s23], [sflag:$0x8], $0x20, s24, s19, $0xb8;
	[tilespmem:$0xEE20] =	vst v63  }
0x54: {  	_ =	swait.ge [sflag:s16], $0xFA0  }
0x55: {  	[sflag:s16] =	ssyncset.done $0x0  }
0x56: {  	s22 =	simm.s32 $0x380;
	[sflag:s16] =	ssyncadd.s32 $0xFFFFF060  }
0x57: {  	[tilespmem:s23], [sflag:$0x5] =	stream.indirect.gather [hbm4b:s4+s19], $0x20, s22, s19, $0xb8;
	[tilespmem:$0xEE20] =	vst v63  }
0x58: {  	_ =	swait.ge [sflag:s1], $0xFA0  }
0x59: {  	[sflag:s1] =	ssyncset.done $0x0  }
0x5a: {  	s24 =	simm.s32 $0x2980;
	[sflag:s1] =	ssyncadd.s32 $0xFFFFF060  }
0x5b: {  	[spmem:s2] =	stream.indirect.scatter.add.f32 [tilespmem:s25], [sflag:$0x8], $0x20, s24, s19, $0xb8;
	[tilespmem:$0xEE20] =	vst v63  }
0x5c: {  	_ =	swait.ge [sflag:s16], $0xFA0  }
0x5d: {  	[sflag:s16] =	ssyncset.done $0x0  }
0x5e: {  	s22 =	simm.s32 $0x400;
	[sflag:s16] =	ssyncadd.s32 $0xFFFFF060  }
0x5f: {  	[tilespmem:s25], [sflag:$0x6] =	stream.indirect.gather [hbm4b:s4+s19], $0x20, s22, s19, $0xb8;
	[tilespmem:$0xEE20] =	vst v63  }
0x60: {  	_ =	swait.ge [sflag:s0], $0xFA0  }
0x61: {  	[sflag:s0] =	ssyncset.done $0x0  }
0x62: {  	s24 =	simm.s32 $0x2A00;
	[sflag:s0] =	ssyncadd.s32 $0xFFFFF060  }
0x63: {  	[spmem:s2] =	stream.indirect.scatter.add.f32 [tilespmem:s28], [sflag:$0x8], $0x20, s24, s19, $0xb8;
	[tilespmem:$0xEE20] =	vst v63  }
0x64: {  	_ =	swait.ge [sflag:s16], $0xFA0  }
0x65: {  	[sflag:s16] =	ssyncset.done $0x0  }
0x66: {  	s20 =	simm.s32 $0xA00;
	s22 =	simm.s32 $0x480;
	[sflag:s16] =	ssyncadd.s32 $0xFFFFF060  }
.LBB2_4:
0x67: {  	[tilespmem:s28], [sflag:$0x7] =	stream.indirect.gather [hbm4b:s4+s19], $0x20, s22, s19, $0xb8;
	[tilespmem:$0xEE20] =	vst v63  }
0x68: {  	s22 =	smov.u32 s20  }
0x69: {  	p0 =	sne.s32 s20, $0x8C00;
	s20 =	sadd.s32 $0xA00, s20;
	_ =	swait.ge [sflag:s29], $0xFA0  }
0x6a: {  	s22 =	sshra.s32 s22, $0x2;
	[sflag:s29] =	ssyncset.done $0x0  }
0x6b: {  	s24 =	sadd.s32 $0x2800, s22;
	[sflag:s29] =	ssyncadd.s32 $0xFFFFF060  }
0x6c: {  	[spmem:s2] =	stream.indirect.scatter.add.f32 [tilespmem:s15], [sflag:$0x8], $0x20, s24, s19, $0xb8;
	[tilespmem:$0xEE20] =	vst v63  }
0x6d: {  	_ =	swait.ge [sflag:s16], $0xFA0  }
0x6e: {  	[sflag:s16] =	ssyncset.done $0x0  }
0x6f: {  	s24 =	sadd.s32 $0x280, s22;
	[sflag:s16] =	ssyncadd.s32 $0xFFFFF060  }
0x70: {  	[tilespmem:s15], [sflag:$0x3] =	stream.indirect.gather [hbm4b:s4+s19], $0x20, s24, s19, $0xb8;
	[tilespmem:$0xEE20] =	vst v63  }
0x71: {  	_ =	swait.ge [sflag:s30], $0xFA0  }
0x72: {  	[sflag:s30] =	ssyncset.done $0x0  }
0x73: {  	s24 =	sadd.s32 $0x2880, s22;
	[sflag:s30] =	ssyncadd.s32 $0xFFFFF060  }
0x74: {  	[spmem:s2] =	stream.indirect.scatter.add.f32 [tilespmem:s21], [sflag:$0x8], $0x20, s24, s19, $0xb8;
	[tilespmem:$0xEE20] =	vst v63  }
0x75: {  	_ =	swait.ge [sflag:s16], $0xFA0  }
0x76: {  	[sflag:s16] =	ssyncset.done $0x0  }
0x77: {  	s24 =	sadd.s32 $0x300, s22;
	[sflag:s16] =	ssyncadd.s32 $0xFFFFF060  }
0x78: {  	[tilespmem:s21], [sflag:$0x4] =	stream.indirect.gather [hbm4b:s4+s19], $0x20, s24, s19, $0xb8;
	[tilespmem:$0xEE20] =	vst v63  }
0x79: {  	_ =	swait.ge [sflag:s31], $0xFA0  }
0x7a: {  	[sflag:s31] =	ssyncset.done $0x0  }
0x7b: {  	s24 =	sadd.s32 $0x2900, s22;
	[sflag:s31] =	ssyncadd.s32 $0xFFFFF060  }
0x7c: {  	[spmem:s2] =	stream.indirect.scatter.add.f32 [tilespmem:s23], [sflag:$0x8], $0x20, s24, s19, $0xb8;
	[tilespmem:$0xEE20] =	vst v63  }
0x7d: {  	_ =	swait.ge [sflag:s16], $0xFA0  }
0x7e: {  	[sflag:s16] =	ssyncset.done $0x0  }
0x7f: {  	s24 =	sadd.s32 $0x380, s22;
	[sflag:s16] =	ssyncadd.s32 $0xFFFFF060  }
0x80: {  	[tilespmem:s23], [sflag:$0x5] =	stream.indirect.gather [hbm4b:s4+s19], $0x20, s24, s19, $0xb8;
	[tilespmem:$0xEE20] =	vst v63  }
0x81: {  	_ =	swait.ge [sflag:s1], $0xFA0  }
0x82: {  	[sflag:s1] =	ssyncset.done $0x0  }
0x83: {  	s24 =	sadd.s32 $0x2980, s22;
	[sflag:s1] =	ssyncadd.s32 $0xFFFFF060  }
0x84: {  	[spmem:s2] =	stream.indirect.scatter.add.f32 [tilespmem:s25], [sflag:$0x8], $0x20, s24, s19, $0xb8;
	[tilespmem:$0xEE20] =	vst v63  }
0x85: {  	_ =	swait.ge [sflag:s16], $0xFA0  }
0x86: {  	[sflag:s16] =	ssyncset.done $0x0  }
0x87: {  	s24 =	sadd.s32 $0x400, s22;
	[sflag:s16] =	ssyncadd.s32 $0xFFFFF060  }
0x88: {  	[tilespmem:s25], [sflag:$0x6] =	stream.indirect.gather [hbm4b:s4+s19], $0x20, s24, s19, $0xb8;
	[tilespmem:$0xEE20] =	vst v63  }
0x89: {  	_ =	swait.ge [sflag:s0], $0xFA0  }
0x8a: {  	[sflag:s0] =	ssyncset.done $0x0  }
.Ltmp1:
0x8b: {  	s24 =	sadd.s32 $0x2A00, s22;
	[sflag:s0] =	ssyncadd.s32 $0xFFFFF060;
	(pc) =	sbr.rel @p0 .LBB2_4-.Ltmp1, $4  }
0x8c: {  	[spmem:s2] =	stream.indirect.scatter.add.f32 [tilespmem:s28], [sflag:$0x8], $0x20, s24, s19, $0xb8;
	[tilespmem:$0xEE20] =	vst v63  }
0x8d: {  	_ =	swait.ge [sflag:s16], $0xFA0  }
0x8e: {  	[sflag:s16] =	ssyncset.done $0x0  }
0x8f: {  	s22 =	sadd.s32 $0x480, s22;
	[sflag:s16] =	ssyncadd.s32 $0xFFFFF060  }
0x90: {  	[tilespmem:s28], [sflag:$0x7] =	stream.indirect.gather [hbm4b:s4+s19], $0x20, s22, s19, $0xb8;
	[tilespmem:$0xEE20] =	vst v63  }
0x91: {  	_ =	swait.ge [sflag:s29], $0xFA0  }
0x92: {  	[sflag:s29] =	ssyncset.done $0x0  }
0x93: {  	s20 =	simm.s32 $0x4D80;
	[sflag:s29] =	ssyncadd.s32 $0xFFFFF060  }
0x94: {  	[spmem:s2] =	stream.indirect.scatter.add.f32 [tilespmem:s15], [sflag:$0x8], $0x20, s20, s19, $0xb8;
	[tilespmem:$0xEE20] =	vst v63  }
0x95: {  	_ =	swait.ge [sflag:s16], $0xFA0  }
0x96: {  	[sflag:s16] =	ssyncset.done $0x0  }
0x97: {  	[sflag:s16] =	ssyncadd.s32 $0xFFFFF060  }
0x98: {  	_ =	swait.ge [sflag:s30], $0xFA0  }
0x99: {  	[sflag:s30] =	ssyncset.done $0x0  }
0x9a: {  	s24 =	simm.s32 $0x4E00;
	[sflag:s30] =	ssyncadd.s32 $0xFFFFF060  }
0x9b: {  	[spmem:s2] =	stream.indirect.scatter.add.f32 [tilespmem:s21], [sflag:$0x8], $0x20, s24, s19, $0xb8;
	[tilespmem:$0xEE20] =	vst v63  }
0x9c: {  	_ =	swait.ge [sflag:s16], $0xFA0  }
0x9d: {  	[sflag:s16] =	ssyncset.done $0x0  }
0x9e: {  	[sflag:s16] =	ssyncadd.s32 $0xFFFFF060  }
0x9f: {  	_ =	swait.ge [sflag:s31], $0xFA0  }
0xa0: {  	[sflag:s31] =	ssyncset.done $0x0  }
0xa1: {  	s22 =	simm.s32 $0x4E80;
	[sflag:s31] =	ssyncadd.s32 $0xFFFFF060  }
0xa2: {  	[spmem:s2] =	stream.indirect.scatter.add.f32 [tilespmem:s23], [sflag:$0x8], $0x20, s22, s19, $0xb8;
	[tilespmem:$0xEE20] =	vst v63  }
0xa3: {  	_ =	swait.ge [sflag:s16], $0xFA0  }
0xa4: {  	[sflag:s16] =	ssyncset.done $0x0  }
0xa5: {  	[sflag:s16] =	ssyncadd.s32 $0xFFFFF060  }
0xa6: {  	_ =	swait.ge [sflag:s1], $0xFA0  }
0xa7: {  	[sflag:s1] =	ssyncset.done $0x0  }
0xa8: {  	s24 =	simm.s32 $0x4F00;
	[sflag:s1] =	ssyncadd.s32 $0xFFFFF060  }
0xa9: {  	[spmem:s2] =	stream.indirect.scatter.add.f32 [tilespmem:s25], [sflag:$0x8], $0x20, s24, s19, $0xb8;
	[tilespmem:$0xEE20] =	vst v63  }
0xaa: {  	_ =	swait.ge [sflag:s16], $0xFA0  }
0xab: {  	[sflag:s16] =	ssyncset.done $0x0  }
0xac: {  	[sflag:s16] =	ssyncadd.s32 $0xFFFFF060  }
0xad: {  	_ =	swait.ge [sflag:s0], $0xFA0  }
0xae: {  	[sflag:s0] =	ssyncset.done $0x0  }
0xaf: {  	[sflag:s0] =	ssyncadd.s32 $0xFFFFF060  }
0xb0: {  	[spmem:s2] =	stream.indirect.scatter.add.f32 [tilespmem:s28], [sflag:$0x8], $0x20, s26, s19, $0xb8;
	[tilespmem:$0xEE20] =	vst v63  }
0xb1: {  	s22 =	stileid.u32;
	_ =	swait.ge [sflag:s16], $0xFA0  }
0xb2: {  	s14 =	sadd.s32 $0x1, s14;
	s20 =	sshll.u32 s22, $0x6;
	[sflag:s16] =	ssyncset.done $0x0  }
0xb3: {  	p0 =	sne.s32 s14, s13;
	s20 =	sor.u32 $0x1C08, s20;
	[sflag:s16] =	ssyncadd.s32 $0xFFFFF060  }
.Ltmp2:
0xb4: {  	s24 =	sshrl.u32 s7, $0x3;
	[bflag:$0x0] =	sbarrier.arrive $0xFFFF;
	(pc) =	sbr.rel @p0 .LBB2_1-.Ltmp2, $4  }
0xb5: {  	[hbm:s12], [sflag:s20] =	dma.local [spmem:s24], $0xA00  }
0xb6: {  	_ =	swait.ge [sflag:s16], $0xA00  }
0xb7: {  	[sflag:s16] =	ssyncset.done $0x0  }
0xb8: {  	[sflag:s16] =	ssyncadd.s32 $0xFFFFF600  }
0xb9: {  	_ =	sfence.sel $0x180000  }
0xba: {  	[bflag:$0x0] =	sbarrier.arrive $0xFFFF  }
0xbb: {  	_ =	strace $0x90000050  }
0xbc: {  	s0 =	stileid.u32;
	[bflag:$0x2] =	sbarrier.arrive $0xFFFF  }
0xbd: {  	p0 =	sne.s32 s0, $0x0;
	s0 =	rddreg [dreg:$0x2]  }
0xbe: {  	s0 =	sadd.s32 @!p0 $0x100000, s0  }
0xbf: {  	[sflag:s0] =	ssyncadd.tile.s32 @!p0 $0x1;
	_ =	shalt  }
.Lfunc_end2:
_tile_overlayer_lowered:
.L_overlay_start_2:
0xc0: {  	(tag) =	ssettag $0x2  }
0xc1: {  	s0 =	rddreg [dreg:$0x0];
	s2 =	stileid.u32  }
0xc2: {  	s1 =	rddreg [dreg:$0x1];
	p0 =	sne.s32 s2, $0x0  }
0xc3: {  	s3 =	rddreg [dreg:$0x2];
	[bflag:$0x3] =	sbarrier.arrive $0xFFFF;
	s2 =	simm.s32 @!p0 $0x1C08  }
0xc4: {  	[timem:s3], [sflag:s2] =	dma.local @!p0 [hbm:s0], s1  }
0xc5: {  	s0 =	simm.s32 @!p0 $0x8  }
0xc6: {  	_ =	swait.ge @!p0 [sflag:s0], s1  }
0xc7: {  	s1 =	ssub.s32 @!p0 $0x0, s1;
	[sflag:s0] =	ssyncset.done @!p0 $0x0  }
0xc8: {  	[sflag:s0] =	ssyncadd.s32 @!p0 s1  }
0xc9: {  	[bflag:$0x3] =	sbarrier.arrive $0xFFFF  }
0xca: {  	_ =	shalt  }

</sc_bundles>
